<compile_context>
chip_gen: v7x
topology: tpu7x:2x2x1
jax: 0.10.2.dev20260603
libtpu: 0.0.44.dev20260713+nightly
codegen_flags: <defaults>
</compile_context>

<pallas_src>
import functools

import jax
import jax.numpy as jnp
from jax import lax
from jax.experimental import pallas as pl
from jax.experimental.pallas import tpu as pltpu
from jax.experimental.pallas import tpu_sc as plsc

DIM = 64
NC, NS = 2, 16
NW = NC * NS
BATCH = 4096
HIST = 200
B = BATCH * HIST
BPW = B // NW
BB = BATCH // NW

_mesh = plsc.VectorSubcoreMesh(
    core_axis_name="c", subcore_axis_name="s", num_cores=NC, num_subcores=NS)


@functools.partial(
    pl.kernel,
    out_type=jax.ShapeDtypeStruct((HIST, 8, NW, 8, 128), jnp.float32),
    mesh=_mesh,
    scratch_types=[
        [pltpu.VMEM((BB,), jnp.int32)] * 4,
        [pltpu.SemaphoreType.DMA] * 4,
        pltpu.VMEM((BB, DIM), jnp.float32),
        pltpu.VMEM((BB, DIM), jnp.float32),
        pltpu.VMEM((8, 1, 8, 128), jnp.float32),
        pltpu.VMEM((8, 1, 8, 128), jnp.float32),
        pltpu.SemaphoreType.DMA,
        pltpu.SemaphoreType.DMA,
        pltpu.SemaphoreType.DMA,
        pltpu.SemaphoreType.DMA,
    ],
    compiler_params=pltpu.CompilerParams(
        use_tc_tiling_on_sc=False, needs_layout_passes=False),
)
def _gather(idx_hbm, tab_hbm, out_hbm, eb, esem, rows0, rows1,
            tbuf0, tbuf1, gsem0, gsem1, ssem0, ssem1):
    wid = lax.axis_index("s") * NC + lax.axis_index("c")

    ii = lax.iota(jnp.int32, 16)
    d8c = [(ii + k * 16) >> 3 for k in range(4)]
    dl8c = [(ii + k * 16) & 7 for k in range(4)]
    zero16 = ii & 0

    def ext_start(h, r):
        pltpu.async_copy(idx_hbm.at[pl.ds(h * BATCH + wid * BB, BB)],
                         eb[r], esem[r])

    def ext_wait(h, r):
        pltpu.make_async_copy(idx_hbm.at[pl.ds(h * BATCH + wid * BB, BB)],
                              eb[r], esem[r]).wait()

    def transpose(rows, tbuf):
        @plsc.parallel_loop(0, 64, step=1, unroll=2)
        def _t(x):
            dvec = ((x >> 4) << 4) + ((ii + x) & 15)
            d8v = dvec >> 3
            dl8v = dvec & 7
            for tb in range(8):
                rowv = ii + tb * 16
                v = plsc.load_gather(rows, [rowv, dvec])
                plsc.store_scatter(tbuf, [d8v, zero16, dl8v, rowv], v)

    def out_sl(h):
        return out_hbm.at[h, pl.ds(0, 8), pl.ds(wid, 1), pl.ds(0, 8), pl.ds(0, 128)]

    def gather(idxc, rows, sem):
        return pltpu.async_copy(tab_hbm.at[idxc], rows, sem)

    rows = [rows0, rows1]
    tbuf = [tbuf0, tbuf1]
    gsem = [gsem0, gsem1]
    ssem = [ssem0, ssem1]

    z = jnp.int32(0)
    for t in range(4):
        ext_start(z + t, t)
    ext_wait(z, 0)
    gather(eb[0], rows0, gsem0)

    @pl.loop(0, HIST, step=4)
    def _quad(h):
        for t in range(4):
            p = t & 1
            q = 1 - p
            if t < 3:
                ext_wait(h + t + 1, t + 1)
                gather(eb[t + 1], rows[q], gsem[q])
            else:
                @pl.when(h + 4 < HIST)
                def _():
                    ext_wait(h + 4, 0)
                    gather(eb[0], rows[q], gsem[q])

            pltpu.make_async_copy(tab_hbm.at[eb[t]], rows[p], gsem[p]).wait()

            @pl.when(h + 4 + t < HIST)
            def _(t=t):
                ext_start(h + 4 + t, t)

            @pl.when(h + t - 2 >= 0)
            def _(t=t, p=p):
                pltpu.make_async_copy(tbuf[p], out_sl(h + t - 2),
                                      ssem[p]).wait()

            transpose(rows[p], tbuf[p])
            pltpu.async_copy(tbuf[p], out_sl(h + t), ssem[p])

    pltpu.make_async_copy(tbuf0, out_sl(HIST - 2), ssem0).wait()
    pltpu.make_async_copy(tbuf1, out_sl(HIST - 1), ssem1).wait()


NTILE_FULL = 7812
NT_PAIRS = 244


@functools.partial(
    pl.kernel,
    out_type=jax.ShapeDtypeStruct((1000000 * DIM,), jnp.float32),
    mesh=_mesh,
    scratch_types=[
        pltpu.VMEM((DIM, 128), jnp.float32),
        pltpu.VMEM((DIM, 128), jnp.float32),
        pltpu.VMEM((8192,), jnp.float32),
        pltpu.VMEM((8192,), jnp.float32),
        pltpu.SemaphoreType.DMA,
        pltpu.SemaphoreType.DMA,
        pltpu.SemaphoreType.DMA,
        pltpu.SemaphoreType.DMA,
    ],
    compiler_params=pltpu.CompilerParams(needs_layout_passes=False),
)
def _detile(wt_hbm, out_hbm, s0, s1, t0, t1, lsem0, lsem1, wsem0, wsem1):
    wid = lax.axis_index("s") * NC + lax.axis_index("c")

    ii = lax.iota(jnp.int32, 16)
    dvs = [ii + d0 for d0 in range(0, DIM, 16)]

    def load(c, sbuf, sem):
        return pltpu.async_copy(
            wt_hbm.at[pl.ds(0, DIM), pl.ds(c * 128, 128)], sbuf, sem)

    def transpose(sbuf, tbuf):
        @plsc.parallel_loop(0, 128, step=1, unroll=2)
        def _t(x):
            ivec = ((x >> 4) << 4) + ((ii + x) & 15)
            iv64 = ivec << 6
            for k in range(4):
                v = plsc.load_gather(sbuf, [dvs[k], ivec])
                plsc.store_scatter(tbuf, [iv64 + dvs[k]], v)

    def store(c, tbuf, sem):
        return pltpu.async_copy(
            tbuf, out_hbm.at[pl.ds(c * 8192, 8192)], sem)

    load(wid, s0, lsem0)

    @pl.loop(0, NT_PAIRS, step=2)
    def _pair(k):
        c0 = wid + 32 * k
        c1 = c0 + 32
        load(c1, s1, lsem1)
        pltpu.make_async_copy(
            wt_hbm.at[pl.ds(0, DIM), pl.ds(c0 * 128, 128)], s0, lsem0).wait()
        transpose(s0, t0)

        @pl.when(k > 0)
        def _():
            pltpu.make_async_copy(
                t1, out_hbm.at[pl.ds((c0 - 32) * 8192, 8192)], wsem1).wait()

        store(c0, t0, wsem0)

        @pl.when(k + 2 < NT_PAIRS)
        def _():
            load(c0 + 64, s0, lsem0)

        pltpu.make_async_copy(
            wt_hbm.at[pl.ds(0, DIM), pl.ds(c1 * 128, 128)], s1, lsem1).wait()
        transpose(s1, t1)
        pltpu.make_async_copy(
            t0, out_hbm.at[pl.ds(c0 * 8192, 8192)], wsem0).wait()
        store(c1, t1, wsem1)

    pltpu.make_async_copy(
        t1, out_hbm.at[pl.ds((wid + 32 * (NT_PAIRS - 1)) * 8192, 8192)],
        wsem1).wait()

    c_ep = wid + 32 * NT_PAIRS

    @pl.when(wid <= 4)
    def _():
        pltpu.sync_copy(wt_hbm.at[pl.ds(0, DIM), pl.ds(c_ep * 128, 128)], s0)
        transpose(s0, t0)

        @pl.when(wid < 4)
        def _():
            pltpu.sync_copy(t0, out_hbm.at[pl.ds(c_ep * 8192, 8192)])

        @pl.when(wid == 4)
        def _():
            pltpu.sync_copy(t0.at[pl.ds(0, 4096)],
                            out_hbm.at[pl.ds(c_ep * 8192, 4096)])


def kernel(indices, weight):
    tab = _detile(weight.T).reshape(1000000, DIM)
    out = _gather(indices.T.reshape(B), tab)
    return out.transpose(2, 4, 0, 1, 3).reshape(BATCH, HIST, DIM)

# --- scband reference (transcript-rebuilt; emitter-appended) ---
"""Pipeline reference for scband-serialized-embedding-7121055777167 (READ-ONLY COPY).

The authoritative reference and input builder live on the scoring server;
editing this copy changes nothing except your own understanding.
"""

import jax, jax.numpy as jnp
import numpy as np

SERIALIZATION_FACTOR = 4
NUM_EMBEDDINGS = 1000000
EMBED_DIM = 64
SPLIT_SIZE = NUM_EMBEDDINGS // SERIALIZATION_FACTOR
BATCH = 4096
HIST = 200


def setup_inputs(seed: int = 0) -> dict:
    key = jax.random.key(seed)
    k1, k2 = jax.random.split(key)
    indices = jax.random.randint(k1, (BATCH, HIST), 0, NUM_EMBEDDINGS, dtype=jnp.int32)
    # Learned parameter: the full embedding table (conceptually vstacked split_embeddings).
    weight = jax.random.normal(k2, (NUM_EMBEDDINGS, EMBED_DIM), dtype=jnp.float32) * 0.02
    return {"indices": indices, "weight": weight}


def reference(indices, weight):
    # Faithful translation of SerializedEmbedding.forward: the lookup is performed
    # in SERIALIZATION_FACTOR serialized steps over row-splits of the table, with
    # out-of-range indices masked to 0 and their outputs zeroed, then summed.
    x_sum = None
    for i in range(SERIALIZATION_FACTOR):
        split_indices = indices - i * SPLIT_SIZE
        mask = (split_indices >= 0) & (split_indices < SPLIT_SIZE)
        split_indices = split_indices * mask.astype(split_indices.dtype)
        table = weight[i * SPLIT_SIZE:(i + 1) * SPLIT_SIZE, :]
        x = jnp.take(table, split_indices, axis=0)
        x = x * mask[..., None].astype(x.dtype)
        if x_sum is None:
            x_sum = x
        else:
            x_sum = x_sum + x
    return x_sum

if __name__ == "__main__":
    import jax
    _d = setup_inputs()
    print(jax.jit(kernel)(*tuple(_d.values())))

</pallas_src>

<mosaic_0001>
#map = affine_map<(d0, d1) -> (0, 0)>
#map1 = affine_map<(d0, d1) -> (0)>
module attributes {stable_mosaic.version = 14 : i64} {
  func.func @_detile(%arg0: i32, %arg1: i32, %arg2: memref<64x1000000xf32, #tpu.memory_space<hbm>>, %arg3: memref<64000000xf32, #tpu.memory_space<hbm>>, %arg4: memref<64x128xf32, #tpu.memory_space<vmem>>, %arg5: memref<64x128xf32, #tpu.memory_space<vmem>>, %arg6: memref<8192xf32, #tpu.memory_space<vmem>>, %arg7: memref<8192xf32, #tpu.memory_space<vmem>>, %arg8: memref<!tpu.dma_semaphore, #tpu.memory_space<semaphore_mem>>, %arg9: memref<!tpu.dma_semaphore, #tpu.memory_space<semaphore_mem>>, %arg10: memref<!tpu.dma_semaphore, #tpu.memory_space<semaphore_mem>>, %arg11: memref<!tpu.dma_semaphore, #tpu.memory_space<semaphore_mem>>) attributes {dimension_semantics = [#tpu.dimension_semantics<core_parallel>, #tpu.dimension_semantics<subcore_parallel>], iteration_bounds = array<i64: 2, 16>, scalar_prefetch = 0 : i64, scratch_operands = 8 : i64, tpu.core_type = #tpu.core_type<sc_vector_subcore>, window_params = [{transform_indices = #map}, {transform_indices = #map1}]} {
    %mul3A = arith.constant 2 : i32
    %mul3A_0 = arith.muli %arg1, %mul3A : i32
    %add3A = arith.addi %mul3A_0, %arg0 : i32
    %iota3A = tpu.iota {dimensions = array<i32: 0>} : vector<16xi32>
    %add3A_1 = arith.constant 0 : i32
    %add3A_2 = vector.broadcast %add3A_1 : i32 to vector<16xi32>
    %add3A_3 = arith.addi %iota3A, %add3A_2 : vector<16xi32>
    %add3A_4 = arith.constant 16 : i32
    %add3A_5 = vector.broadcast %add3A_4 : i32 to vector<16xi32>
    %add3A_6 = arith.addi %iota3A, %add3A_5 : vector<16xi32>
    %add3A_7 = arith.constant 32 : i32
    %add3A_8 = vector.broadcast %add3A_7 : i32 to vector<16xi32>
    %add3A_9 = arith.addi %iota3A, %add3A_8 : vector<16xi32>
    %add3A_10 = arith.constant 48 : i32
    %add3A_11 = vector.broadcast %add3A_10 : i32 to vector<16xi32>
    %add3A_12 = arith.addi %iota3A, %add3A_11 : vector<16xi32>
    %mul3A_13 = arith.constant 128 : i32
    %mul3A_14 = arith.muli %add3A, %mul3A_13 : i32
    %dma_start3A = arith.constant 0 : i32
    %dma_start3A_15 = tpu.memref_slice %arg2[%dma_start3A, %mul3A_14] : memref<64x1000000xf32, #tpu.memory_space<hbm>> -> memref<64x128xf32, #tpu.memory_space<hbm>>
    %dma_start3A_16 = arith.constant 0 : i32
    %dma_start3A_17 = tpu.memref_slice %arg2[%dma_start3A_16, %mul3A_14] : memref<64x1000000xf32, #tpu.memory_space<hbm>> -> memref<64x128xf32, #tpu.memory_space<hbm>>
    tpu.enqueue_dma source(%dma_start3A_17 : memref<64x128xf32, #tpu.memory_space<hbm>>) target(%arg4 : memref<64x128xf32, #tpu.memory_space<vmem>>) target_semaphore(%arg8 : memref<!tpu.dma_semaphore, #tpu.memory_space<semaphore_mem>>)
    %scan3A = arith.constant 0 : i32
    %scan3A_18 = arith.constant 122 : i32
    %scan3A_19 = arith.addi %scan3A, %scan3A_18 : i32
    %scan3A_20 = arith.constant 1 : i32
    scf.for %scan3A_31 = %scan3A to %scan3A_19 step %scan3A_20  : i32 {
      %mul3A_32 = arith.constant 2 : i32
      %mul3A_33 = arith.muli %scan3A_31, %mul3A_32 : i32
      %add3A_34 = arith.constant 0 : i32
      %add3A_35 = arith.addi %add3A_34, %mul3A_33 : i32
      %mul3A_36 = arith.constant 32 : i32
      %mul3A_37 = arith.muli %mul3A_36, %add3A_35 : i32
      %add3A_38 = arith.addi %add3A, %mul3A_37 : i32
      %add3A_39 = arith.constant 32 : i32
      %add3A_40 = arith.addi %add3A_38, %add3A_39 : i32
      %mul3A_41 = arith.constant 128 : i32
      %mul3A_42 = arith.muli %add3A_40, %mul3A_41 : i32
      %dma_start3A_43 = arith.constant 0 : i32
      %dma_start3A_44 = tpu.memref_slice %arg2[%dma_start3A_43, %mul3A_42] : memref<64x1000000xf32, #tpu.memory_space<hbm>> -> memref<64x128xf32, #tpu.memory_space<hbm>>
      %dma_start3A_45 = arith.constant 0 : i32
      %dma_start3A_46 = tpu.memref_slice %arg2[%dma_start3A_45, %mul3A_42] : memref<64x1000000xf32, #tpu.memory_space<hbm>> -> memref<64x128xf32, #tpu.memory_space<hbm>>
      tpu.enqueue_dma source(%dma_start3A_46 : memref<64x128xf32, #tpu.memory_space<hbm>>) target(%arg5 : memref<64x128xf32, #tpu.memory_space<vmem>>) target_semaphore(%arg9 : memref<!tpu.dma_semaphore, #tpu.memory_space<semaphore_mem>>)
      %mul3A_47 = arith.constant 128 : i32
      %mul3A_48 = arith.muli %add3A_38, %mul3A_47 : i32
      %dma_wait3A_49 = arith.constant 0 : i32
      %dma_wait3A_50 = tpu.memref_slice %arg2[%dma_wait3A_49, %mul3A_48] : memref<64x1000000xf32, #tpu.memory_space<hbm>> -> memref<64x128xf32, #tpu.memory_space<hbm>>
      %dma_wait3A_51 = arith.constant 0 : i32
      %dma_wait3A_52 = tpu.memref_slice %arg2[%dma_wait3A_51, %mul3A_48] : memref<64x1000000xf32, #tpu.memory_space<hbm>> -> memref<64x128xf32, #tpu.memory_space<hbm>>
      tpu.wait_dma2 semaphore(%arg8 : memref<!tpu.dma_semaphore, #tpu.memory_space<semaphore_mem>>) src(%dma_wait3A_52 : memref<64x128xf32, #tpu.memory_space<hbm>>) dst(%arg4 : memref<64x128xf32, #tpu.memory_space<vmem>>)
      %parallel_loop3A = arith.constant 0 : i32
      %parallel_loop3A_53 = arith.constant 128 : i32
      %parallel_loop3A_54 = arith.constant 1 : i32
      scf.for %parallel_loop3A_86 = %parallel_loop3A to %parallel_loop3A_53 step %parallel_loop3A_54  : i32 {
        %parallel_loop3A_87 = arith.constant 4 : i32
        %parallel_loop3A_88 = arith.shrsi %parallel_loop3A_86, %parallel_loop3A_87 : i32
        %parallel_loop3A_89 = arith.constant 4 : i32
        %parallel_loop3A_90 = arith.shli %parallel_loop3A_88, %parallel_loop3A_89 : i32
        %parallel_loop3A_91 = vector.broadcast %parallel_loop3A_86 : i32 to vector<16xi32>
        %parallel_loop3A_92 = arith.addi %iota3A, %parallel_loop3A_91 : vector<16xi32>
        %parallel_loop3A_93 = arith.constant 15 : i32
        %parallel_loop3A_94 = vector.broadcast %parallel_loop3A_93 : i32 to vector<16xi32>
        %parallel_loop3A_95 = arith.andi %parallel_loop3A_92, %parallel_loop3A_94 : vector<16xi32>
        %parallel_loop3A_96 = vector.broadcast %parallel_loop3A_90 : i32 to vector<16xi32>
        %parallel_loop3A_97 = arith.addi %parallel_loop3A_96, %parallel_loop3A_95 : vector<16xi32>
        %parallel_loop3A_98 = arith.constant 6 : i32
        %parallel_loop3A_99 = vector.broadcast %parallel_loop3A_98 : i32 to vector<16xi32>
        %parallel_loop3A_100 = arith.shli %parallel_loop3A_97, %parallel_loop3A_99 : vector<16xi32>
        %parallel_loop3A_101 = tpu.vector_load_idx %arg4[%add3A_3, %parallel_loop3A_97] : memref<64x128xf32, #tpu.memory_space<vmem>>[vector<16xi32>, vector<16xi32>], vector<16xf32>,
        %parallel_loop3A_102 = arith.addi %parallel_loop3A_100, %add3A_3 : vector<16xi32>
        tpu.vector_store_idx %arg6[%parallel_loop3A_102], %parallel_loop3A_101 : memref<8192xf32, #tpu.memory_space<vmem>>[vector<16xi32>], vector<16xf32>,
        %parallel_loop3A_103 = tpu.vector_load_idx %arg4[%add3A_6, %parallel_loop3A_97] : memref<64x128xf32, #tpu.memory_space<vmem>>[vector<16xi32>, vector<16xi32>], vector<16xf32>,
        %parallel_loop3A_104 = arith.addi %parallel_loop3A_100, %add3A_6 : vector<16xi32>
        tpu.vector_store_idx %arg6[%parallel_loop3A_104], %parallel_loop3A_103 : memref<8192xf32, #tpu.memory_space<vmem>>[vector<16xi32>], vector<16xf32>,
        %parallel_loop3A_105 = tpu.vector_load_idx %arg4[%add3A_9, %parallel_loop3A_97] : memref<64x128xf32, #tpu.memory_space<vmem>>[vector<16xi32>, vector<16xi32>], vector<16xf32>,
        %parallel_loop3A_106 = arith.addi %parallel_loop3A_100, %add3A_9 : vector<16xi32>
        tpu.vector_store_idx %arg6[%parallel_loop3A_106], %parallel_loop3A_105 : memref<8192xf32, #tpu.memory_space<vmem>>[vector<16xi32>], vector<16xf32>,
        %parallel_loop3A_107 = tpu.vector_load_idx %arg4[%add3A_12, %parallel_loop3A_97] : memref<64x128xf32, #tpu.memory_space<vmem>>[vector<16xi32>, vector<16xi32>], vector<16xf32>,
        %parallel_loop3A_108 = arith.addi %parallel_loop3A_100, %add3A_12 : vector<16xi32>
        tpu.vector_store_idx %arg6[%parallel_loop3A_108], %parallel_loop3A_107 : memref<8192xf32, #tpu.memory_space<vmem>>[vector<16xi32>], vector<16xf32>,
      } {sc.loop_unroll_factor = 2 : i64, sc.parallel_access}
      %gt3A = arith.constant 0 : i32
      %gt3A_55 = arith.cmpi sgt, %add3A_35, %gt3A : i32
      %convert_element_type3A_56 = arith.extui %gt3A_55 : i1 to i32
      %cond3A_57 = arith.constant 0 : i32
      %cond3A_58 = arith.cmpi ne, %convert_element_type3A_56, %cond3A_57 : i32
      scf.if %cond3A_58 {
        %sub3A = arith.constant 32 : i32
        %sub3A_86 = arith.subi %add3A_38, %sub3A : i32
        %mul3A_87 = arith.constant 8192 : i32
        %mul3A_88 = arith.muli %sub3A_86, %mul3A_87 : i32
        %dma_wait3A_89 = tpu.memref_slice %arg3[%mul3A_88] : memref<64000000xf32, #tpu.memory_space<hbm>> -> memref<8192xf32, #tpu.memory_space<hbm>>
        %dma_wait3A_90 = tpu.memref_slice %arg3[%mul3A_88] : memref<64000000xf32, #tpu.memory_space<hbm>> -> memref<8192xf32, #tpu.memory_space<hbm>>
        tpu.wait_dma2 semaphore(%arg11 : memref<!tpu.dma_semaphore, #tpu.memory_space<semaphore_mem>>) src(%arg7 : memref<8192xf32, #tpu.memory_space<vmem>>) dst(%dma_wait3A_90 : memref<8192xf32, #tpu.memory_space<hbm>>)
      } else {
      }
      %mul3A_59 = arith.constant 8192 : i32
      %mul3A_60 = arith.muli %add3A_38, %mul3A_59 : i32
      %dma_start3A_61 = tpu.memref_slice %arg3[%mul3A_60] : memref<64000000xf32, #tpu.memory_space<hbm>> -> memref<8192xf32, #tpu.memory_space<hbm>>
      %dma_start3A_62 = tpu.memref_slice %arg3[%mul3A_60] : memref<64000000xf32, #tpu.memory_space<hbm>> -> memref<8192xf32, #tpu.memory_space<hbm>>
      tpu.enqueue_dma source(%arg6 : memref<8192xf32, #tpu.memory_space<vmem>>) target(%dma_start3A_62 : memref<8192xf32, #tpu.memory_space<hbm>>) target_semaphore(%arg10 : memref<!tpu.dma_semaphore, #tpu.memory_space<semaphore_mem>>)
      %add3A_63 = arith.constant 2 : i32
      %add3A_64 = arith.addi %add3A_35, %add3A_63 : i32
      %lt3A = arith.constant 244 : i32
      %lt3A_65 = arith.cmpi slt, %add3A_64, %lt3A : i32
      %convert_element_type3A_66 = arith.extui %lt3A_65 : i1 to i32
      %cond3A_67 = arith.constant 0 : i32
      %cond3A_68 = arith.cmpi ne, %convert_element_type3A_66, %cond3A_67 : i32
      scf.if %cond3A_68 {
        %add3A_86 = arith.constant 64 : i32
        %add3A_87 = arith.addi %add3A_38, %add3A_86 : i32
        %mul3A_88 = arith.constant 128 : i32
        %mul3A_89 = arith.muli %add3A_87, %mul3A_88 : i32
        %dma_start3A_90 = arith.constant 0 : i32
        %dma_start3A_91 = tpu.memref_slice %arg2[%dma_start3A_90, %mul3A_89] : memref<64x1000000xf32, #tpu.memory_space<hbm>> -> memref<64x128xf32, #tpu.memory_space<hbm>>
        %dma_start3A_92 = arith.constant 0 : i32
        %dma_start3A_93 = tpu.memref_slice %arg2[%dma_start3A_92, %mul3A_89] : memref<64x1000000xf32, #tpu.memory_space<hbm>> -> memref<64x128xf32, #tpu.memory_space<hbm>>
        tpu.enqueue_dma source(%dma_start3A_93 : memref<64x128xf32, #tpu.memory_space<hbm>>) target(%arg4 : memref<64x128xf32, #tpu.memory_space<vmem>>) target_semaphore(%arg8 : memref<!tpu.dma_semaphore, #tpu.memory_space<semaphore_mem>>)
      } else {
      }
      %mul3A_69 = arith.constant 128 : i32
      %mul3A_70 = arith.muli %add3A_40, %mul3A_69 : i32
      %dma_wait3A_71 = arith.constant 0 : i32
      %dma_wait3A_72 = tpu.memref_slice %arg2[%dma_wait3A_71, %mul3A_70] : memref<64x1000000xf32, #tpu.memory_space<hbm>> -> memref<64x128xf32, #tpu.memory_space<hbm>>
      %dma_wait3A_73 = arith.constant 0 : i32
      %dma_wait3A_74 = tpu.memref_slice %arg2[%dma_wait3A_73, %mul3A_70] : memref<64x1000000xf32, #tpu.memory_space<hbm>> -> memref<64x128xf32, #tpu.memory_space<hbm>>
      tpu.wait_dma2 semaphore(%arg9 : memref<!tpu.dma_semaphore, #tpu.memory_space<semaphore_mem>>) src(%dma_wait3A_74 : memref<64x128xf32, #tpu.memory_space<hbm>>) dst(%arg5 : memref<64x128xf32, #tpu.memory_space<vmem>>)
      %parallel_loop3A_75 = arith.constant 0 : i32
      %parallel_loop3A_76 = arith.constant 128 : i32
      %parallel_loop3A_77 = arith.constant 1 : i32
      scf.for %parallel_loop3A_86 = %parallel_loop3A_75 to %parallel_loop3A_76 step %parallel_loop3A_77  : i32 {
        %parallel_loop3A_87 = arith.constant 4 : i32
        %parallel_loop3A_88 = arith.shrsi %parallel_loop3A_86, %parallel_loop3A_87 : i32
        %parallel_loop3A_89 = arith.constant 4 : i32
        %parallel_loop3A_90 = arith.shli %parallel_loop3A_88, %parallel_loop3A_89 : i32
        %parallel_loop3A_91 = vector.broadcast %parallel_loop3A_86 : i32 to vector<16xi32>
        %parallel_loop3A_92 = arith.addi %iota3A, %parallel_loop3A_91 : vector<16xi32>
        %parallel_loop3A_93 = arith.constant 15 : i32
        %parallel_loop3A_94 = vector.broadcast %parallel_loop3A_93 : i32 to vector<16xi32>
        %parallel_loop3A_95 = arith.andi %parallel_loop3A_92, %parallel_loop3A_94 : vector<16xi32>
        %parallel_loop3A_96 = vector.broadcast %parallel_loop3A_90 : i32 to vector<16xi32>
        %parallel_loop3A_97 = arith.addi %parallel_loop3A_96, %parallel_loop3A_95 : vector<16xi32>
        %parallel_loop3A_98 = arith.constant 6 : i32
        %parallel_loop3A_99 = vector.broadcast %parallel_loop3A_98 : i32 to vector<16xi32>
        %parallel_loop3A_100 = arith.shli %parallel_loop3A_97, %parallel_loop3A_99 : vector<16xi32>
        %parallel_loop3A_101 = tpu.vector_load_idx %arg5[%add3A_3, %parallel_loop3A_97] : memref<64x128xf32, #tpu.memory_space<vmem>>[vector<16xi32>, vector<16xi32>], vector<16xf32>,
        %parallel_loop3A_102 = arith.addi %parallel_loop3A_100, %add3A_3 : vector<16xi32>
        tpu.vector_store_idx %arg7[%parallel_loop3A_102], %parallel_loop3A_101 : memref<8192xf32, #tpu.memory_space<vmem>>[vector<16xi32>], vector<16xf32>,
        %parallel_loop3A_103 = tpu.vector_load_idx %arg5[%add3A_6, %parallel_loop3A_97] : memref<64x128xf32, #tpu.memory_space<vmem>>[vector<16xi32>, vector<16xi32>], vector<16xf32>,
        %parallel_loop3A_104 = arith.addi %parallel_loop3A_100, %add3A_6 : vector<16xi32>
        tpu.vector_store_idx %arg7[%parallel_loop3A_104], %parallel_loop3A_103 : memref<8192xf32, #tpu.memory_space<vmem>>[vector<16xi32>], vector<16xf32>,
        %parallel_loop3A_105 = tpu.vector_load_idx %arg5[%add3A_9, %parallel_loop3A_97] : memref<64x128xf32, #tpu.memory_space<vmem>>[vector<16xi32>, vector<16xi32>], vector<16xf32>,
        %parallel_loop3A_106 = arith.addi %parallel_loop3A_100, %add3A_9 : vector<16xi32>
        tpu.vector_store_idx %arg7[%parallel_loop3A_106], %parallel_loop3A_105 : memref<8192xf32, #tpu.memory_space<vmem>>[vector<16xi32>], vector<16xf32>,
        %parallel_loop3A_107 = tpu.vector_load_idx %arg5[%add3A_12, %parallel_loop3A_97] : memref<64x128xf32, #tpu.memory_space<vmem>>[vector<16xi32>, vector<16xi32>], vector<16xf32>,
        %parallel_loop3A_108 = arith.addi %parallel_loop3A_100, %add3A_12 : vector<16xi32>
        tpu.vector_store_idx %arg7[%parallel_loop3A_108], %parallel_loop3A_107 : memref<8192xf32, #tpu.memory_space<vmem>>[vector<16xi32>], vector<16xf32>,
      } {sc.loop_unroll_factor = 2 : i64, sc.parallel_access}
      %mul3A_78 = arith.constant 8192 : i32
      %mul3A_79 = arith.muli %add3A_38, %mul3A_78 : i32
      %dma_wait3A_80 = tpu.memref_slice %arg3[%mul3A_79] : memref<64000000xf32, #tpu.memory_space<hbm>> -> memref<8192xf32, #tpu.memory_space<hbm>>
      %dma_wait3A_81 = tpu.memref_slice %arg3[%mul3A_79] : memref<64000000xf32, #tpu.memory_space<hbm>> -> memref<8192xf32, #tpu.memory_space<hbm>>
      tpu.wait_dma2 semaphore(%arg10 : memref<!tpu.dma_semaphore, #tpu.memory_space<semaphore_mem>>) src(%arg6 : memref<8192xf32, #tpu.memory_space<vmem>>) dst(%dma_wait3A_81 : memref<8192xf32, #tpu.memory_space<hbm>>)
      %mul3A_82 = arith.constant 8192 : i32
      %mul3A_83 = arith.muli %add3A_40, %mul3A_82 : i32
      %dma_start3A_84 = tpu.memref_slice %arg3[%mul3A_83] : memref<64000000xf32, #tpu.memory_space<hbm>> -> memref<8192xf32, #tpu.memory_space<hbm>>
      %dma_start3A_85 = tpu.memref_slice %arg3[%mul3A_83] : memref<64000000xf32, #tpu.memory_space<hbm>> -> memref<8192xf32, #tpu.memory_space<hbm>>
      tpu.enqueue_dma source(%arg7 : memref<8192xf32, #tpu.memory_space<vmem>>) target(%dma_start3A_85 : memref<8192xf32, #tpu.memory_space<hbm>>) target_semaphore(%arg11 : memref<!tpu.dma_semaphore, #tpu.memory_space<semaphore_mem>>)
    }
    %scan3A_21 = arith.constant 122 : i32
    %add3A_22 = arith.constant 7776 : i32
    %add3A_23 = arith.addi %add3A, %add3A_22 : i32
    %mul3A_24 = arith.constant 8192 : i32
    %mul3A_25 = arith.muli %add3A_23, %mul3A_24 : i32
    %dma_wait3A = tpu.memref_slice %arg3[%mul3A_25] : memref<64000000xf32, #tpu.memory_space<hbm>> -> memref<8192xf32, #tpu.memory_space<hbm>>
    %dma_wait3A_26 = tpu.memref_slice %arg3[%mul3A_25] : memref<64000000xf32, #tpu.memory_space<hbm>> -> memref<8192xf32, #tpu.memory_space<hbm>>
    tpu.wait_dma2 semaphore(%arg11 : memref<!tpu.dma_semaphore, #tpu.memory_space<semaphore_mem>>) src(%arg7 : memref<8192xf32, #tpu.memory_space<vmem>>) dst(%dma_wait3A_26 : memref<8192xf32, #tpu.memory_space<hbm>>)
    %add3A_27 = arith.constant 7808 : i32
    %add3A_28 = arith.addi %add3A, %add3A_27 : i32
    %le3A = arith.constant 4 : i32
    %le3A_29 = arith.cmpi sle, %add3A, %le3A : i32
    %convert_element_type3A = arith.extui %le3A_29 : i1 to i32
    %cond3A = arith.constant 0 : i32
    %cond3A_30 = arith.cmpi ne, %convert_element_type3A, %cond3A : i32
    scf.if %cond3A_30 {
      %mul3A_31 = arith.constant 128 : i32
      %mul3A_32 = arith.muli %add3A_28, %mul3A_31 : i32
      "tpu.region"() ({
        %run_scoped3A = tpu.sem_alloc : memref<!tpu.dma_semaphore, #tpu.memory_space<semaphore_mem>>
        %dma_start3A_43 = arith.constant 0 : i32
        %dma_start3A_44 = tpu.memref_slice %arg2[%dma_start3A_43, %mul3A_32] : memref<64x1000000xf32, #tpu.memory_space<hbm>> -> memref<64x128xf32, #tpu.memory_space<hbm>>
        %dma_start3A_45 = arith.constant 0 : i32
        %dma_start3A_46 = tpu.memref_slice %arg2[%dma_start3A_45, %mul3A_32] : memref<64x1000000xf32, #tpu.memory_space<hbm>> -> memref<64x128xf32, #tpu.memory_space<hbm>>
        tpu.enqueue_dma source(%dma_start3A_46 : memref<64x128xf32, #tpu.memory_space<hbm>>) target(%arg4 : memref<64x128xf32, #tpu.memory_space<vmem>>) target_semaphore(%run_scoped3A : memref<!tpu.dma_semaphore, #tpu.memory_space<semaphore_mem>>)
        %dma_wait3A_47 = arith.constant 0 : i32
        %dma_wait3A_48 = tpu.memref_slice %arg2[%dma_wait3A_47, %mul3A_32] : memref<64x1000000xf32, #tpu.memory_space<hbm>> -> memref<64x128xf32, #tpu.memory_space<hbm>>
        %dma_wait3A_49 = arith.constant 0 : i32
        %dma_wait3A_50 = tpu.memref_slice %arg2[%dma_wait3A_49, %mul3A_32] : memref<64x1000000xf32, #tpu.memory_space<hbm>> -> memref<64x128xf32, #tpu.memory_space<hbm>>
        tpu.wait_dma2 semaphore(%run_scoped3A : memref<!tpu.dma_semaphore, #tpu.memory_space<semaphore_mem>>) src(%dma_wait3A_50 : memref<64x128xf32, #tpu.memory_space<hbm>>) dst(%arg4 : memref<64x128xf32, #tpu.memory_space<vmem>>)
        tpu.yield
      }) : () -> ()
      %parallel_loop3A = arith.constant 0 : i32
      %parallel_loop3A_33 = arith.constant 128 : i32
      %parallel_loop3A_34 = arith.constant 1 : i32
      scf.for %parallel_loop3A_43 = %parallel_loop3A to %parallel_loop3A_33 step %parallel_loop3A_34  : i32 {
        %parallel_loop3A_44 = arith.constant 4 : i32
        %parallel_loop3A_45 = arith.shrsi %parallel_loop3A_43, %parallel_loop3A_44 : i32
        %parallel_loop3A_46 = arith.constant 4 : i32
        %parallel_loop3A_47 = arith.shli %parallel_loop3A_45, %parallel_loop3A_46 : i32
        %parallel_loop3A_48 = vector.broadcast %parallel_loop3A_43 : i32 to vector<16xi32>
        %parallel_loop3A_49 = arith.addi %iota3A, %parallel_loop3A_48 : vector<16xi32>
        %parallel_loop3A_50 = arith.constant 15 : i32
        %parallel_loop3A_51 = vector.broadcast %parallel_loop3A_50 : i32 to vector<16xi32>
        %parallel_loop3A_52 = arith.andi %parallel_loop3A_49, %parallel_loop3A_51 : vector<16xi32>
        %parallel_loop3A_53 = vector.broadcast %parallel_loop3A_47 : i32 to vector<16xi32>
        %parallel_loop3A_54 = arith.addi %parallel_loop3A_53, %parallel_loop3A_52 : vector<16xi32>
        %parallel_loop3A_55 = arith.constant 6 : i32
        %parallel_loop3A_56 = vector.broadcast %parallel_loop3A_55 : i32 to vector<16xi32>
        %parallel_loop3A_57 = arith.shli %parallel_loop3A_54, %parallel_loop3A_56 : vector<16xi32>
        %parallel_loop3A_58 = tpu.vector_load_idx %arg4[%add3A_3, %parallel_loop3A_54] : memref<64x128xf32, #tpu.memory_space<vmem>>[vector<16xi32>, vector<16xi32>], vector<16xf32>,
        %parallel_loop3A_59 = arith.addi %parallel_loop3A_57, %add3A_3 : vector<16xi32>
        tpu.vector_store_idx %arg6[%parallel_loop3A_59], %parallel_loop3A_58 : memref<8192xf32, #tpu.memory_space<vmem>>[vector<16xi32>], vector<16xf32>,
        %parallel_loop3A_60 = tpu.vector_load_idx %arg4[%add3A_6, %parallel_loop3A_54] : memref<64x128xf32, #tpu.memory_space<vmem>>[vector<16xi32>, vector<16xi32>], vector<16xf32>,
        %parallel_loop3A_61 = arith.addi %parallel_loop3A_57, %add3A_6 : vector<16xi32>
        tpu.vector_store_idx %arg6[%parallel_loop3A_61], %parallel_loop3A_60 : memref<8192xf32, #tpu.memory_space<vmem>>[vector<16xi32>], vector<16xf32>,
        %parallel_loop3A_62 = tpu.vector_load_idx %arg4[%add3A_9, %parallel_loop3A_54] : memref<64x128xf32, #tpu.memory_space<vmem>>[vector<16xi32>, vector<16xi32>], vector<16xf32>,
        %parallel_loop3A_63 = arith.addi %parallel_loop3A_57, %add3A_9 : vector<16xi32>
        tpu.vector_store_idx %arg6[%parallel_loop3A_63], %parallel_loop3A_62 : memref<8192xf32, #tpu.memory_space<vmem>>[vector<16xi32>], vector<16xf32>,
        %parallel_loop3A_64 = tpu.vector_load_idx %arg4[%add3A_12, %parallel_loop3A_54] : memref<64x128xf32, #tpu.memory_space<vmem>>[vector<16xi32>, vector<16xi32>], vector<16xf32>,
        %parallel_loop3A_65 = arith.addi %parallel_loop3A_57, %add3A_12 : vector<16xi32>
        tpu.vector_store_idx %arg6[%parallel_loop3A_65], %parallel_loop3A_64 : memref<8192xf32, #tpu.memory_space<vmem>>[vector<16xi32>], vector<16xf32>,
      } {sc.loop_unroll_factor = 2 : i64, sc.parallel_access}
      %lt3A = arith.constant 4 : i32
      %lt3A_35 = arith.cmpi slt, %add3A, %lt3A : i32
      %convert_element_type3A_36 = arith.extui %lt3A_35 : i1 to i32
      %cond3A_37 = arith.constant 0 : i32
      %cond3A_38 = arith.cmpi ne, %convert_element_type3A_36, %cond3A_37 : i32
      scf.if %cond3A_38 {
        %mul3A_43 = arith.constant 8192 : i32
        %mul3A_44 = arith.muli %add3A_28, %mul3A_43 : i32
        "tpu.region"() ({
          %run_scoped3A = tpu.sem_alloc : memref<!tpu.dma_semaphore, #tpu.memory_space<semaphore_mem>>
          %dma_start3A_45 = tpu.memref_slice %arg3[%mul3A_44] : memref<64000000xf32, #tpu.memory_space<hbm>> -> memref<8192xf32, #tpu.memory_space<hbm>>
          %dma_start3A_46 = tpu.memref_slice %arg3[%mul3A_44] : memref<64000000xf32, #tpu.memory_space<hbm>> -> memref<8192xf32, #tpu.memory_space<hbm>>
          tpu.enqueue_dma source(%arg6 : memref<8192xf32, #tpu.memory_space<vmem>>) target(%dma_start3A_46 : memref<8192xf32, #tpu.memory_space<hbm>>) target_semaphore(%run_scoped3A : memref<!tpu.dma_semaphore, #tpu.memory_space<semaphore_mem>>)
          %dma_wait3A_47 = tpu.memref_slice %arg3[%mul3A_44] : memref<64000000xf32, #tpu.memory_space<hbm>> -> memref<8192xf32, #tpu.memory_space<hbm>>
          %dma_wait3A_48 = tpu.memref_slice %arg3[%mul3A_44] : memref<64000000xf32, #tpu.memory_space<hbm>> -> memref<8192xf32, #tpu.memory_space<hbm>>
          tpu.wait_dma2 semaphore(%run_scoped3A : memref<!tpu.dma_semaphore, #tpu.memory_space<semaphore_mem>>) src(%arg6 : memref<8192xf32, #tpu.memory_space<vmem>>) dst(%dma_wait3A_48 : memref<8192xf32, #tpu.memory_space<hbm>>)
          tpu.yield
        }) : () -> ()
      } else {
      }
      %eq3A = arith.constant 4 : i32
      %eq3A_39 = arith.cmpi eq, %add3A, %eq3A : i32
      %convert_element_type3A_40 = arith.extui %eq3A_39 : i1 to i32
      %cond3A_41 = arith.constant 0 : i32
      %cond3A_42 = arith.cmpi ne, %convert_element_type3A_40, %cond3A_41 : i32
      scf.if %cond3A_42 {
        %mul3A_43 = arith.constant 8192 : i32
        %mul3A_44 = arith.muli %add3A_28, %mul3A_43 : i32
        "tpu.region"() ({
          %run_scoped3A = tpu.sem_alloc : memref<!tpu.dma_semaphore, #tpu.memory_space<semaphore_mem>>
          %dma_start3A_45 = arith.constant 0 : i32
          %dma_start3A_46 = tpu.memref_slice %arg6[%dma_start3A_45] : memref<8192xf32, #tpu.memory_space<vmem>> -> memref<4096xf32, #tpu.memory_space<vmem>>
          %dma_start3A_47 = tpu.memref_slice %arg3[%mul3A_44] : memref<64000000xf32, #tpu.memory_space<hbm>> -> memref<4096xf32, #tpu.memory_space<hbm>>
          %dma_start3A_48 = tpu.memref_slice %arg3[%mul3A_44] : memref<64000000xf32, #tpu.memory_space<hbm>> -> memref<4096xf32, #tpu.memory_space<hbm>>
          %dma_start3A_49 = arith.constant 0 : i32
          %dma_start3A_50 = tpu.memref_slice %arg6[%dma_start3A_49] : memref<8192xf32, #tpu.memory_space<vmem>> -> memref<4096xf32, #tpu.memory_space<vmem>>
          tpu.enqueue_dma source(%dma_start3A_50 : memref<4096xf32, #tpu.memory_space<vmem>>) target(%dma_start3A_48 : memref<4096xf32, #tpu.memory_space<hbm>>) target_semaphore(%run_scoped3A : memref<!tpu.dma_semaphore, #tpu.memory_space<semaphore_mem>>)
          %dma_wait3A_51 = arith.constant 0 : i32
          %dma_wait3A_52 = tpu.memref_slice %arg6[%dma_wait3A_51] : memref<8192xf32, #tpu.memory_space<vmem>> -> memref<4096xf32, #tpu.memory_space<vmem>>
          %dma_wait3A_53 = tpu.memref_slice %arg3[%mul3A_44] : memref<64000000xf32, #tpu.memory_space<hbm>> -> memref<4096xf32, #tpu.memory_space<hbm>>
          %dma_wait3A_54 = tpu.memref_slice %arg3[%mul3A_44] : memref<64000000xf32, #tpu.memory_space<hbm>> -> memref<4096xf32, #tpu.memory_space<hbm>>
          %dma_wait3A_55 = arith.constant 0 : i32
          %dma_wait3A_56 = tpu.memref_slice %arg6[%dma_wait3A_55] : memref<8192xf32, #tpu.memory_space<vmem>> -> memref<4096xf32, #tpu.memory_space<vmem>>
          tpu.wait_dma2 semaphore(%run_scoped3A : memref<!tpu.dma_semaphore, #tpu.memory_space<semaphore_mem>>) src(%dma_wait3A_56 : memref<4096xf32, #tpu.memory_space<vmem>>) dst(%dma_wait3A_54 : memref<4096xf32, #tpu.memory_space<hbm>>)
          tpu.yield
        }) : () -> ()
      } else {
      }
    } else {
    }
    return
  }
}

#map = affine_map<(d0, d1) -> (0)>
#map1 = affine_map<(d0, d1) -> (0, 0)>
#map2 = affine_map<(d0, d1) -> (0, 0, 0, 0, 0)>
module attributes {stable_mosaic.version = 14 : i64} {
  func.func @_gather(%arg0: i32, %arg1: i32, %arg2: memref<819200xi32, #tpu.memory_space<hbm>>, %arg3: memref<1000000x64xf32, #tpu.memory_space<hbm>>, %arg4: memref<200x8x32x8x128xf32, #tpu.memory_space<hbm>>, %arg5: memref<128xi32, #tpu.memory_space<vmem>>, %arg6: memref<128xi32, #tpu.memory_space<vmem>>, %arg7: memref<128xi32, #tpu.memory_space<vmem>>, %arg8: memref<128xi32, #tpu.memory_space<vmem>>, %arg9: memref<!tpu.dma_semaphore, #tpu.memory_space<semaphore_mem>>, %arg10: memref<!tpu.dma_semaphore, #tpu.memory_space<semaphore_mem>>, %arg11: memref<!tpu.dma_semaphore, #tpu.memory_space<semaphore_mem>>, %arg12: memref<!tpu.dma_semaphore, #tpu.memory_space<semaphore_mem>>, %arg13: memref<128x64xf32, #tpu.memory_space<vmem>>, %arg14: memref<128x64xf32, #tpu.memory_space<vmem>>, %arg15: memref<8x1x8x128xf32, #tpu.memory_space<vmem>>, %arg16: memref<8x1x8x128xf32, #tpu.memory_space<vmem>>, %arg17: memref<!tpu.dma_semaphore, #tpu.memory_space<semaphore_mem>>, %arg18: memref<!tpu.dma_semaphore, #tpu.memory_space<semaphore_mem>>, %arg19: memref<!tpu.dma_semaphore, #tpu.memory_space<semaphore_mem>>, %arg20: memref<!tpu.dma_semaphore, #tpu.memory_space<semaphore_mem>>) attributes {dimension_semantics = [#tpu.dimension_semantics<core_parallel>, #tpu.dimension_semantics<subcore_parallel>], iteration_bounds = array<i64: 2, 16>, scalar_prefetch = 0 : i64, scratch_operands = 16 : i64, tpu.core_type = #tpu.core_type<sc_vector_subcore>, window_params = [{transform_indices = #map}, {transform_indices = #map1}, {transform_indices = #map2}]} {
    %mul3A = arith.constant 2 : i32
    %mul3A_0 = arith.muli %arg1, %mul3A : i32
    %add3A = arith.addi %mul3A_0, %arg0 : i32
    %iota3A = tpu.iota {dimensions = array<i32: 0>} : vector<16xi32>
    %add3A_1 = arith.constant 0 : i32
    %add3A_2 = vector.broadcast %add3A_1 : i32 to vector<16xi32>
    %add3A_3 = arith.addi %iota3A, %add3A_2 : vector<16xi32>
    %shift_right_arithmetic3A = arith.constant 3 : i32
    %shift_right_arithmetic3A_4 = vector.broadcast %shift_right_arithmetic3A : i32 to vector<16xi32>
    %shift_right_arithmetic3A_5 = arith.shrsi %add3A_3, %shift_right_arithmetic3A_4 : vector<16xi32>
    %add3A_6 = arith.constant 16 : i32
    %add3A_7 = vector.broadcast %add3A_6 : i32 to vector<16xi32>
    %add3A_8 = arith.addi %iota3A, %add3A_7 : vector<16xi32>
    %shift_right_arithmetic3A_9 = arith.constant 3 : i32
    %shift_right_arithmetic3A_10 = vector.broadcast %shift_right_arithmetic3A_9 : i32 to vector<16xi32>
    %shift_right_arithmetic3A_11 = arith.shrsi %add3A_8, %shift_right_arithmetic3A_10 : vector<16xi32>
    %add3A_12 = arith.constant 32 : i32
    %add3A_13 = vector.broadcast %add3A_12 : i32 to vector<16xi32>
    %add3A_14 = arith.addi %iota3A, %add3A_13 : vector<16xi32>
    %shift_right_arithmetic3A_15 = arith.constant 3 : i32
    %shift_right_arithmetic3A_16 = vector.broadcast %shift_right_arithmetic3A_15 : i32 to vector<16xi32>
    %shift_right_arithmetic3A_17 = arith.shrsi %add3A_14, %shift_right_arithmetic3A_16 : vector<16xi32>
    %add3A_18 = arith.constant 48 : i32
    %add3A_19 = vector.broadcast %add3A_18 : i32 to vector<16xi32>
    %add3A_20 = arith.addi %iota3A, %add3A_19 : vector<16xi32>
    %shift_right_arithmetic3A_21 = arith.constant 3 : i32
    %shift_right_arithmetic3A_22 = vector.broadcast %shift_right_arithmetic3A_21 : i32 to vector<16xi32>
    %shift_right_arithmetic3A_23 = arith.shrsi %add3A_20, %shift_right_arithmetic3A_22 : vector<16xi32>
    %add3A_24 = arith.constant 0 : i32
    %add3A_25 = vector.broadcast %add3A_24 : i32 to vector<16xi32>
    %add3A_26 = arith.addi %iota3A, %add3A_25 : vector<16xi32>
    %and3A = arith.constant 7 : i32
    %and3A_27 = vector.broadcast %and3A : i32 to vector<16xi32>
    %and3A_28 = arith.andi %add3A_26, %and3A_27 : vector<16xi32>
    %add3A_29 = arith.constant 16 : i32
    %add3A_30 = vector.broadcast %add3A_29 : i32 to vector<16xi32>
    %add3A_31 = arith.addi %iota3A, %add3A_30 : vector<16xi32>
    %and3A_32 = arith.constant 7 : i32
    %and3A_33 = vector.broadcast %and3A_32 : i32 to vector<16xi32>
    %and3A_34 = arith.andi %add3A_31, %and3A_33 : vector<16xi32>
    %add3A_35 = arith.constant 32 : i32
    %add3A_36 = vector.broadcast %add3A_35 : i32 to vector<16xi32>
    %add3A_37 = arith.addi %iota3A, %add3A_36 : vector<16xi32>
    %and3A_38 = arith.constant 7 : i32
    %and3A_39 = vector.broadcast %and3A_38 : i32 to vector<16xi32>
    %and3A_40 = arith.andi %add3A_37, %and3A_39 : vector<16xi32>
    %add3A_41 = arith.constant 48 : i32
    %add3A_42 = vector.broadcast %add3A_41 : i32 to vector<16xi32>
    %add3A_43 = arith.addi %iota3A, %add3A_42 : vector<16xi32>
    %and3A_44 = arith.constant 7 : i32
    %and3A_45 = vector.broadcast %and3A_44 : i32 to vector<16xi32>
    %and3A_46 = arith.andi %add3A_43, %and3A_45 : vector<16xi32>
    %and3A_47 = arith.constant 0 : i32
    %and3A_48 = vector.broadcast %and3A_47 : i32 to vector<16xi32>
    %and3A_49 = arith.andi %iota3A, %and3A_48 : vector<16xi32>
    %add3A_50 = arith.constant 0 : i32
    %add3A_51 = arith.constant 0 : i32
    %add3A_52 = arith.addi %add3A_50, %add3A_51 : i32
    %mul3A_53 = arith.constant 4096 : i32
    %mul3A_54 = arith.muli %add3A_52, %mul3A_53 : i32
    %mul3A_55 = arith.constant 128 : i32
    %mul3A_56 = arith.muli %add3A, %mul3A_55 : i32
    %add3A_57 = arith.addi %mul3A_54, %mul3A_56 : i32
    %dma_start3A = tpu.memref_slice %arg2[%add3A_57] : memref<819200xi32, #tpu.memory_space<hbm>> -> memref<128xi32, #tpu.memory_space<hbm>>
    %dma_start3A_58 = tpu.memref_slice %arg2[%add3A_57] : memref<819200xi32, #tpu.memory_space<hbm>> -> memref<128xi32, #tpu.memory_space<hbm>>
    tpu.enqueue_dma source(%dma_start3A_58 : memref<128xi32, #tpu.memory_space<hbm>>) target(%arg5 : memref<128xi32, #tpu.memory_space<vmem>>) target_semaphore(%arg9 : memref<!tpu.dma_semaphore, #tpu.memory_space<semaphore_mem>>)
    %add3A_59 = arith.constant 0 : i32
    %add3A_60 = arith.constant 1 : i32
    %add3A_61 = arith.addi %add3A_59, %add3A_60 : i32
    %mul3A_62 = arith.constant 4096 : i32
    %mul3A_63 = arith.muli %add3A_61, %mul3A_62 : i32
    %mul3A_64 = arith.constant 128 : i32
    %mul3A_65 = arith.muli %add3A, %mul3A_64 : i32
    %add3A_66 = arith.addi %mul3A_63, %mul3A_65 : i32
    %dma_start3A_67 = tpu.memref_slice %arg2[%add3A_66] : memref<819200xi32, #tpu.memory_space<hbm>> -> memref<128xi32, #tpu.memory_space<hbm>>
    %dma_start3A_68 = tpu.memref_slice %arg2[%add3A_66] : memref<819200xi32, #tpu.memory_space<hbm>> -> memref<128xi32, #tpu.memory_space<hbm>>
    tpu.enqueue_dma source(%dma_start3A_68 : memref<128xi32, #tpu.memory_space<hbm>>) target(%arg6 : memref<128xi32, #tpu.memory_space<vmem>>) target_semaphore(%arg10 : memref<!tpu.dma_semaphore, #tpu.memory_space<semaphore_mem>>)
    %add3A_69 = arith.constant 0 : i32
    %add3A_70 = arith.constant 2 : i32
    %add3A_71 = arith.addi %add3A_69, %add3A_70 : i32
    %mul3A_72 = arith.constant 4096 : i32
    %mul3A_73 = arith.muli %add3A_71, %mul3A_72 : i32
    %mul3A_74 = arith.constant 128 : i32
    %mul3A_75 = arith.muli %add3A, %mul3A_74 : i32
    %add3A_76 = arith.addi %mul3A_73, %mul3A_75 : i32
    %dma_start3A_77 = tpu.memref_slice %arg2[%add3A_76] : memref<819200xi32, #tpu.memory_space<hbm>> -> memref<128xi32, #tpu.memory_space<hbm>>
    %dma_start3A_78 = tpu.memref_slice %arg2[%add3A_76] : memref<819200xi32, #tpu.memory_space<hbm>> -> memref<128xi32, #tpu.memory_space<hbm>>
    tpu.enqueue_dma source(%dma_start3A_78 : memref<128xi32, #tpu.memory_space<hbm>>) target(%arg7 : memref<128xi32, #tpu.memory_space<vmem>>) target_semaphore(%arg11 : memref<!tpu.dma_semaphore, #tpu.memory_space<semaphore_mem>>)
    %add3A_79 = arith.constant 0 : i32
    %add3A_80 = arith.constant 3 : i32
    %add3A_81 = arith.addi %add3A_79, %add3A_80 : i32
    %mul3A_82 = arith.constant 4096 : i32
    %mul3A_83 = arith.muli %add3A_81, %mul3A_82 : i32
    %mul3A_84 = arith.constant 128 : i32
    %mul3A_85 = arith.muli %add3A, %mul3A_84 : i32
    %add3A_86 = arith.addi %mul3A_83, %mul3A_85 : i32
    %dma_start3A_87 = tpu.memref_slice %arg2[%add3A_86] : memref<819200xi32, #tpu.memory_space<hbm>> -> memref<128xi32, #tpu.memory_space<hbm>>
    %dma_start3A_88 = tpu.memref_slice %arg2[%add3A_86] : memref<819200xi32, #tpu.memory_space<hbm>> -> memref<128xi32, #tpu.memory_space<hbm>>
    tpu.enqueue_dma source(%dma_start3A_88 : memref<128xi32, #tpu.memory_space<hbm>>) target(%arg8 : memref<128xi32, #tpu.memory_space<vmem>>) target_semaphore(%arg12 : memref<!tpu.dma_semaphore, #tpu.memory_space<semaphore_mem>>)
    %mul3A_89 = arith.constant 0 : i32
    %mul3A_90 = arith.constant 4096 : i32
    %mul3A_91 = arith.muli %mul3A_89, %mul3A_90 : i32
    %mul3A_92 = arith.constant 128 : i32
    %mul3A_93 = arith.muli %add3A, %mul3A_92 : i32
    %add3A_94 = arith.addi %mul3A_91, %mul3A_93 : i32
    %dma_wait3A = tpu.memref_slice %arg2[%add3A_94] : memref<819200xi32, #tpu.memory_space<hbm>> -> memref<128xi32, #tpu.memory_space<hbm>>
    %dma_wait3A_95 = tpu.memref_slice %arg2[%add3A_94] : memref<819200xi32, #tpu.memory_space<hbm>> -> memref<128xi32, #tpu.memory_space<hbm>>
    tpu.wait_dma2 semaphore(%arg9 : memref<!tpu.dma_semaphore, #tpu.memory_space<semaphore_mem>>) src(%dma_wait3A_95 : memref<128xi32, #tpu.memory_space<hbm>>) dst(%arg5 : memref<128xi32, #tpu.memory_space<vmem>>)
    %dma_start3A_96 = arith.constant 0 : i32
    %dma_start3A_97 = arith.constant 0 : i32
    %dma_start3A_98 = tpu.memref_slice %arg3[%dma_start3A_96, %dma_start3A_97] : memref<1000000x64xf32, #tpu.memory_space<hbm>> -> memref<1000000x64xf32, #tpu.memory_space<hbm>>
    tpu.enqueue_indirect_dma source(%dma_start3A_98 : memref<1000000x64xf32, #tpu.memory_space<hbm>>) target(%arg13 : memref<128x64xf32, #tpu.memory_space<vmem>>) offsets(%arg5 : memref<128xi32, #tpu.memory_space<vmem>>) semaphore(%arg17 : memref<!tpu.dma_semaphore, #tpu.memory_space<semaphore_mem>>)
    %scan3A = arith.constant 0 : i32
    %scan3A_99 = arith.constant 50 : i32
    %scan3A_100 = arith.addi %scan3A, %scan3A_99 : i32
    %scan3A_101 = arith.constant 1 : i32
    scf.for %scan3A_125 = %scan3A to %scan3A_100 step %scan3A_101  : i32 {
      %mul3A_126 = arith.constant 4 : i32
      %mul3A_127 = arith.muli %scan3A_125, %mul3A_126 : i32
      %add3A_128 = arith.constant 0 : i32
      %add3A_129 = arith.addi %add3A_128, %mul3A_127 : i32
      %add3A_130 = arith.constant 0 : i32
      %add3A_131 = arith.addi %add3A_129, %add3A_130 : i32
      %add3A_132 = arith.constant 1 : i32
      %add3A_133 = arith.addi %add3A_131, %add3A_132 : i32
      %mul3A_134 = arith.constant 4096 : i32
      %mul3A_135 = arith.muli %add3A_133, %mul3A_134 : i32
      %mul3A_136 = arith.constant 128 : i32
      %mul3A_137 = arith.muli %add3A, %mul3A_136 : i32
      %add3A_138 = arith.addi %mul3A_135, %mul3A_137 : i32
      %dma_wait3A_139 = tpu.memref_slice %arg2[%add3A_138] : memref<819200xi32, #tpu.memory_space<hbm>> -> memref<128xi32, #tpu.memory_space<hbm>>
      %dma_wait3A_140 = tpu.memref_slice %arg2[%add3A_138] : memref<819200xi32, #tpu.memory_space<hbm>> -> memref<128xi32, #tpu.memory_space<hbm>>
      tpu.wait_dma2 semaphore(%arg10 : memref<!tpu.dma_semaphore, #tpu.memory_space<semaphore_mem>>) src(%dma_wait3A_140 : memref<128xi32, #tpu.memory_space<hbm>>) dst(%arg6 : memref<128xi32, #tpu.memory_space<vmem>>)
      %dma_start3A_141 = arith.constant 0 : i32
      %dma_start3A_142 = arith.constant 0 : i32
      %dma_start3A_143 = tpu.memref_slice %arg3[%dma_start3A_141, %dma_start3A_142] : memref<1000000x64xf32, #tpu.memory_space<hbm>> -> memref<1000000x64xf32, #tpu.memory_space<hbm>>
      tpu.enqueue_indirect_dma source(%dma_start3A_143 : memref<1000000x64xf32, #tpu.memory_space<hbm>>) target(%arg14 : memref<128x64xf32, #tpu.memory_space<vmem>>) offsets(%arg6 : memref<128xi32, #tpu.memory_space<vmem>>) semaphore(%arg18 : memref<!tpu.dma_semaphore, #tpu.memory_space<semaphore_mem>>)
      %dma_wait3A_144 = arith.constant 0 : i32
      %dma_wait3A_145 = arith.constant 0 : i32
      %dma_wait3A_146 = tpu.memref_slice %arg3[%dma_wait3A_144, %dma_wait3A_145] : memref<1000000x64xf32, #tpu.memory_space<hbm>> -> memref<1000000x64xf32, #tpu.memory_space<hbm>>
      tpu.wait_indirect_dma semaphore(%arg17 : memref<!tpu.dma_semaphore, #tpu.memory_space<semaphore_mem>>) src(%dma_wait3A_146 : memref<1000000x64xf32, #tpu.memory_space<hbm>>) dst(%arg13 : memref<128x64xf32, #tpu.memory_space<vmem>>)
      %add3A_147 = arith.constant 4 : i32
      %add3A_148 = arith.addi %add3A_129, %add3A_147 : i32
      %add3A_149 = arith.constant 0 : i32
      %add3A_150 = arith.addi %add3A_148, %add3A_149 : i32
      %lt3A = arith.constant 200 : i32
      %lt3A_151 = arith.cmpi slt, %add3A_150, %lt3A : i32
      %convert_element_type3A = arith.extui %lt3A_151 : i1 to i32
      %cond3A = arith.constant 0 : i32
      %cond3A_152 = arith.cmpi ne, %convert_element_type3A, %cond3A : i32
      scf.if %cond3A_152 {
        %add3A_317 = arith.constant 4 : i32
        %add3A_318 = arith.addi %add3A_129, %add3A_317 : i32
        %add3A_319 = arith.constant 0 : i32
        %add3A_320 = arith.addi %add3A_318, %add3A_319 : i32
        %mul3A_321 = arith.constant 4096 : i32
        %mul3A_322 = arith.muli %add3A_320, %mul3A_321 : i32
        %mul3A_323 = arith.constant 128 : i32
        %mul3A_324 = arith.muli %add3A, %mul3A_323 : i32
        %add3A_325 = arith.addi %mul3A_322, %mul3A_324 : i32
        %dma_start3A_326 = tpu.memref_slice %arg2[%add3A_325] : memref<819200xi32, #tpu.memory_space<hbm>> -> memref<128xi32, #tpu.memory_space<hbm>>
        %dma_start3A_327 = tpu.memref_slice %arg2[%add3A_325] : memref<819200xi32, #tpu.memory_space<hbm>> -> memref<128xi32, #tpu.memory_space<hbm>>
        tpu.enqueue_dma source(%dma_start3A_327 : memref<128xi32, #tpu.memory_space<hbm>>) target(%arg5 : memref<128xi32, #tpu.memory_space<vmem>>) target_semaphore(%arg9 : memref<!tpu.dma_semaphore, #tpu.memory_space<semaphore_mem>>)
      } else {
      }
      %add3A_153 = arith.constant 0 : i32
      %add3A_154 = arith.addi %add3A_129, %add3A_153 : i32
      %sub3A = arith.constant 2 : i32
      %sub3A_155 = arith.subi %add3A_154, %sub3A : i32
      %ge3A = arith.constant 0 : i32
      %ge3A_156 = arith.cmpi sge, %sub3A_155, %ge3A : i32
      %convert_element_type3A_157 = arith.extui %ge3A_156 : i1 to i32
      %cond3A_158 = arith.constant 0 : i32
      %cond3A_159 = arith.cmpi ne, %convert_element_type3A_157, %cond3A_158 : i32
      scf.if %cond3A_159 {
        %add3A_317 = arith.constant 0 : i32
        %add3A_318 = arith.addi %add3A_129, %add3A_317 : i32
        %sub3A_319 = arith.constant 2 : i32
        %sub3A_320 = arith.subi %add3A_318, %sub3A_319 : i32
        %dma_wait3A_321 = arith.constant 0 : i32
        %dma_wait3A_322 = arith.constant 0 : i32
        %dma_wait3A_323 = arith.constant 0 : i32
        %dma_wait3A_324 = tpu.memref_slice %arg4[%sub3A_320, %dma_wait3A_321, %add3A, %dma_wait3A_322, %dma_wait3A_323] : memref<200x8x32x8x128xf32, #tpu.memory_space<hbm>> -> memref<1x8x1x8x128xf32, #tpu.memory_space<hbm>>
        %dma_wait3A_325 = tpu.memref_squeeze %dma_wait3A_324 : memref<1x8x1x8x128xf32, #tpu.memory_space<hbm>> -> memref<8x1x8x128xf32, #tpu.memory_space<hbm>>
        %dma_wait3A_326 = arith.constant 0 : i32
        %dma_wait3A_327 = arith.constant 0 : i32
        %dma_wait3A_328 = arith.constant 0 : i32
        %dma_wait3A_329 = tpu.memref_slice %arg4[%sub3A_320, %dma_wait3A_326, %add3A, %dma_wait3A_327, %dma_wait3A_328] : memref<200x8x32x8x128xf32, #tpu.memory_space<hbm>> -> memref<1x8x1x8x128xf32, #tpu.memory_space<hbm>>
        %dma_wait3A_330 = tpu.memref_squeeze %dma_wait3A_329 : memref<1x8x1x8x128xf32, #tpu.memory_space<hbm>> -> memref<8x1x8x128xf32, #tpu.memory_space<hbm>>
        tpu.wait_dma2 semaphore(%arg19 : memref<!tpu.dma_semaphore, #tpu.memory_space<semaphore_mem>>) src(%arg15 : memref<8x1x8x128xf32, #tpu.memory_space<vmem>>) dst(%dma_wait3A_330 : memref<8x1x8x128xf32, #tpu.memory_space<hbm>>)
      } else {
      }
      %parallel_loop3A = arith.constant 0 : i32
      %parallel_loop3A_160 = arith.constant 64 : i32
      %parallel_loop3A_161 = arith.constant 1 : i32
      scf.for %parallel_loop3A_317 = %parallel_loop3A to %parallel_loop3A_160 step %parallel_loop3A_161  : i32 {
        %parallel_loop3A_318 = arith.constant 4 : i32
        %parallel_loop3A_319 = arith.shrsi %parallel_loop3A_317, %parallel_loop3A_318 : i32
        %parallel_loop3A_320 = arith.constant 4 : i32
        %parallel_loop3A_321 = arith.shli %parallel_loop3A_319, %parallel_loop3A_320 : i32
        %parallel_loop3A_322 = vector.broadcast %parallel_loop3A_317 : i32 to vector<16xi32>
        %parallel_loop3A_323 = arith.addi %iota3A, %parallel_loop3A_322 : vector<16xi32>
        %parallel_loop3A_324 = arith.constant 15 : i32
        %parallel_loop3A_325 = vector.broadcast %parallel_loop3A_324 : i32 to vector<16xi32>
        %parallel_loop3A_326 = arith.andi %parallel_loop3A_323, %parallel_loop3A_325 : vector<16xi32>
        %parallel_loop3A_327 = vector.broadcast %parallel_loop3A_321 : i32 to vector<16xi32>
        %parallel_loop3A_328 = arith.addi %parallel_loop3A_327, %parallel_loop3A_326 : vector<16xi32>
        %parallel_loop3A_329 = arith.constant 3 : i32
        %parallel_loop3A_330 = vector.broadcast %parallel_loop3A_329 : i32 to vector<16xi32>
        %parallel_loop3A_331 = arith.shrsi %parallel_loop3A_328, %parallel_loop3A_330 : vector<16xi32>
        %parallel_loop3A_332 = arith.constant 7 : i32
        %parallel_loop3A_333 = vector.broadcast %parallel_loop3A_332 : i32 to vector<16xi32>
        %parallel_loop3A_334 = arith.andi %parallel_loop3A_328, %parallel_loop3A_333 : vector<16xi32>
        %parallel_loop3A_335 = arith.constant 0 : i32
        %parallel_loop3A_336 = vector.broadcast %parallel_loop3A_335 : i32 to vector<16xi32>
        %parallel_loop3A_337 = arith.addi %iota3A, %parallel_loop3A_336 : vector<16xi32>
        %parallel_loop3A_338 = tpu.vector_load_idx %arg13[%parallel_loop3A_337, %parallel_loop3A_328] : memref<128x64xf32, #tpu.memory_space<vmem>>[vector<16xi32>, vector<16xi32>], vector<16xf32>,
        tpu.vector_store_idx %arg15[%parallel_loop3A_331, %and3A_49, %parallel_loop3A_334, %parallel_loop3A_337], %parallel_loop3A_338 : memref<8x1x8x128xf32, #tpu.memory_space<vmem>>[vector<16xi32>, vector<16xi32>, vector<16xi32>, vector<16xi32>], vector<16xf32>,
        %parallel_loop3A_339 = arith.constant 16 : i32
        %parallel_loop3A_340 = vector.broadcast %parallel_loop3A_339 : i32 to vector<16xi32>
        %parallel_loop3A_341 = arith.addi %iota3A, %parallel_loop3A_340 : vector<16xi32>
        %parallel_loop3A_342 = tpu.vector_load_idx %arg13[%parallel_loop3A_341, %parallel_loop3A_328] : memref<128x64xf32, #tpu.memory_space<vmem>>[vector<16xi32>, vector<16xi32>], vector<16xf32>,
        tpu.vector_store_idx %arg15[%parallel_loop3A_331, %and3A_49, %parallel_loop3A_334, %parallel_loop3A_341], %parallel_loop3A_342 : memref<8x1x8x128xf32, #tpu.memory_space<vmem>>[vector<16xi32>, vector<16xi32>, vector<16xi32>, vector<16xi32>], vector<16xf32>,
        %parallel_loop3A_343 = arith.constant 32 : i32
        %parallel_loop3A_344 = vector.broadcast %parallel_loop3A_343 : i32 to vector<16xi32>
        %parallel_loop3A_345 = arith.addi %iota3A, %parallel_loop3A_344 : vector<16xi32>
        %parallel_loop3A_346 = tpu.vector_load_idx %arg13[%parallel_loop3A_345, %parallel_loop3A_328] : memref<128x64xf32, #tpu.memory_space<vmem>>[vector<16xi32>, vector<16xi32>], vector<16xf32>,
        tpu.vector_store_idx %arg15[%parallel_loop3A_331, %and3A_49, %parallel_loop3A_334, %parallel_loop3A_345], %parallel_loop3A_346 : memref<8x1x8x128xf32, #tpu.memory_space<vmem>>[vector<16xi32>, vector<16xi32>, vector<16xi32>, vector<16xi32>], vector<16xf32>,
        %parallel_loop3A_347 = arith.constant 48 : i32
        %parallel_loop3A_348 = vector.broadcast %parallel_loop3A_347 : i32 to vector<16xi32>
        %parallel_loop3A_349 = arith.addi %iota3A, %parallel_loop3A_348 : vector<16xi32>
        %parallel_loop3A_350 = tpu.vector_load_idx %arg13[%parallel_loop3A_349, %parallel_loop3A_328] : memref<128x64xf32, #tpu.memory_space<vmem>>[vector<16xi32>, vector<16xi32>], vector<16xf32>,
        tpu.vector_store_idx %arg15[%parallel_loop3A_331, %and3A_49, %parallel_loop3A_334, %parallel_loop3A_349], %parallel_loop3A_350 : memref<8x1x8x128xf32, #tpu.memory_space<vmem>>[vector<16xi32>, vector<16xi32>, vector<16xi32>, vector<16xi32>], vector<16xf32>,
        %parallel_loop3A_351 = arith.constant 64 : i32
        %parallel_loop3A_352 = vector.broadcast %parallel_loop3A_351 : i32 to vector<16xi32>
        %parallel_loop3A_353 = arith.addi %iota3A, %parallel_loop3A_352 : vector<16xi32>
        %parallel_loop3A_354 = tpu.vector_load_idx %arg13[%parallel_loop3A_353, %parallel_loop3A_328] : memref<128x64xf32, #tpu.memory_space<vmem>>[vector<16xi32>, vector<16xi32>], vector<16xf32>,
        tpu.vector_store_idx %arg15[%parallel_loop3A_331, %and3A_49, %parallel_loop3A_334, %parallel_loop3A_353], %parallel_loop3A_354 : memref<8x1x8x128xf32, #tpu.memory_space<vmem>>[vector<16xi32>, vector<16xi32>, vector<16xi32>, vector<16xi32>], vector<16xf32>,
        %parallel_loop3A_355 = arith.constant 80 : i32
        %parallel_loop3A_356 = vector.broadcast %parallel_loop3A_355 : i32 to vector<16xi32>
        %parallel_loop3A_357 = arith.addi %iota3A, %parallel_loop3A_356 : vector<16xi32>
        %parallel_loop3A_358 = tpu.vector_load_idx %arg13[%parallel_loop3A_357, %parallel_loop3A_328] : memref<128x64xf32, #tpu.memory_space<vmem>>[vector<16xi32>, vector<16xi32>], vector<16xf32>,
        tpu.vector_store_idx %arg15[%parallel_loop3A_331, %and3A_49, %parallel_loop3A_334, %parallel_loop3A_357], %parallel_loop3A_358 : memref<8x1x8x128xf32, #tpu.memory_space<vmem>>[vector<16xi32>, vector<16xi32>, vector<16xi32>, vector<16xi32>], vector<16xf32>,
        %parallel_loop3A_359 = arith.constant 96 : i32
        %parallel_loop3A_360 = vector.broadcast %parallel_loop3A_359 : i32 to vector<16xi32>
        %parallel_loop3A_361 = arith.addi %iota3A, %parallel_loop3A_360 : vector<16xi32>
        %parallel_loop3A_362 = tpu.vector_load_idx %arg13[%parallel_loop3A_361, %parallel_loop3A_328] : memref<128x64xf32, #tpu.memory_space<vmem>>[vector<16xi32>, vector<16xi32>], vector<16xf32>,
        tpu.vector_store_idx %arg15[%parallel_loop3A_331, %and3A_49, %parallel_loop3A_334, %parallel_loop3A_361], %parallel_loop3A_362 : memref<8x1x8x128xf32, #tpu.memory_space<vmem>>[vector<16xi32>, vector<16xi32>, vector<16xi32>, vector<16xi32>], vector<16xf32>,
        %parallel_loop3A_363 = arith.constant 112 : i32
        %parallel_loop3A_364 = vector.broadcast %parallel_loop3A_363 : i32 to vector<16xi32>
        %parallel_loop3A_365 = arith.addi %iota3A, %parallel_loop3A_364 : vector<16xi32>
        %parallel_loop3A_366 = tpu.vector_load_idx %arg13[%parallel_loop3A_365, %parallel_loop3A_328] : memref<128x64xf32, #tpu.memory_space<vmem>>[vector<16xi32>, vector<16xi32>], vector<16xf32>,
        tpu.vector_store_idx %arg15[%parallel_loop3A_331, %and3A_49, %parallel_loop3A_334, %parallel_loop3A_365], %parallel_loop3A_366 : memref<8x1x8x128xf32, #tpu.memory_space<vmem>>[vector<16xi32>, vector<16xi32>, vector<16xi32>, vector<16xi32>], vector<16xf32>,
      } {sc.loop_unroll_factor = 2 : i64, sc.parallel_access}
      %add3A_162 = arith.constant 0 : i32
      %add3A_163 = arith.addi %add3A_129, %add3A_162 : i32
      %dma_start3A_164 = arith.constant 0 : i32
      %dma_start3A_165 = arith.constant 0 : i32
      %dma_start3A_166 = arith.constant 0 : i32
      %dma_start3A_167 = tpu.memref_slice %arg4[%add3A_163, %dma_start3A_164, %add3A, %dma_start3A_165, %dma_start3A_166] : memref<200x8x32x8x128xf32, #tpu.memory_space<hbm>> -> memref<1x8x1x8x128xf32, #tpu.memory_space<hbm>>
      %dma_start3A_168 = tpu.memref_squeeze %dma_start3A_167 : memref<1x8x1x8x128xf32, #tpu.memory_space<hbm>> -> memref<8x1x8x128xf32, #tpu.memory_space<hbm>>
      %dma_start3A_169 = arith.constant 0 : i32
      %dma_start3A_170 = arith.constant 0 : i32
      %dma_start3A_171 = arith.constant 0 : i32
      %dma_start3A_172 = tpu.memref_slice %arg4[%add3A_163, %dma_start3A_169, %add3A, %dma_start3A_170, %dma_start3A_171] : memref<200x8x32x8x128xf32, #tpu.memory_space<hbm>> -> memref<1x8x1x8x128xf32, #tpu.memory_space<hbm>>
      %dma_start3A_173 = tpu.memref_squeeze %dma_start3A_172 : memref<1x8x1x8x128xf32, #tpu.memory_space<hbm>> -> memref<8x1x8x128xf32, #tpu.memory_space<hbm>>
      tpu.enqueue_dma source(%arg15 : memref<8x1x8x128xf32, #tpu.memory_space<vmem>>) target(%dma_start3A_173 : memref<8x1x8x128xf32, #tpu.memory_space<hbm>>) target_semaphore(%arg19 : memref<!tpu.dma_semaphore, #tpu.memory_space<semaphore_mem>>)
      %add3A_174 = arith.constant 1 : i32
      %add3A_175 = arith.addi %add3A_129, %add3A_174 : i32
      %add3A_176 = arith.constant 1 : i32
      %add3A_177 = arith.addi %add3A_175, %add3A_176 : i32
      %mul3A_178 = arith.constant 4096 : i32
      %mul3A_179 = arith.muli %add3A_177, %mul3A_178 : i32
      %mul3A_180 = arith.constant 128 : i32
      %mul3A_181 = arith.muli %add3A, %mul3A_180 : i32
      %add3A_182 = arith.addi %mul3A_179, %mul3A_181 : i32
      %dma_wait3A_183 = tpu.memref_slice %arg2[%add3A_182] : memref<819200xi32, #tpu.memory_space<hbm>> -> memref<128xi32, #tpu.memory_space<hbm>>
      %dma_wait3A_184 = tpu.memref_slice %arg2[%add3A_182] : memref<819200xi32, #tpu.memory_space<hbm>> -> memref<128xi32, #tpu.memory_space<hbm>>
      tpu.wait_dma2 semaphore(%arg11 : memref<!tpu.dma_semaphore, #tpu.memory_space<semaphore_mem>>) src(%dma_wait3A_184 : memref<128xi32, #tpu.memory_space<hbm>>) dst(%arg7 : memref<128xi32, #tpu.memory_space<vmem>>)
      %dma_start3A_185 = arith.constant 0 : i32
      %dma_start3A_186 = arith.constant 0 : i32
      %dma_start3A_187 = tpu.memref_slice %arg3[%dma_start3A_185, %dma_start3A_186] : memref<1000000x64xf32, #tpu.memory_space<hbm>> -> memref<1000000x64xf32, #tpu.memory_space<hbm>>
      tpu.enqueue_indirect_dma source(%dma_start3A_187 : memref<1000000x64xf32, #tpu.memory_space<hbm>>) target(%arg13 : memref<128x64xf32, #tpu.memory_space<vmem>>) offsets(%arg7 : memref<128xi32, #tpu.memory_space<vmem>>) semaphore(%arg17 : memref<!tpu.dma_semaphore, #tpu.memory_space<semaphore_mem>>)
      %dma_wait3A_188 = arith.constant 0 : i32
      %dma_wait3A_189 = arith.constant 0 : i32
      %dma_wait3A_190 = tpu.memref_slice %arg3[%dma_wait3A_188, %dma_wait3A_189] : memref<1000000x64xf32, #tpu.memory_space<hbm>> -> memref<1000000x64xf32, #tpu.memory_space<hbm>>
      tpu.wait_indirect_dma semaphore(%arg18 : memref<!tpu.dma_semaphore, #tpu.memory_space<semaphore_mem>>) src(%dma_wait3A_190 : memref<1000000x64xf32, #tpu.memory_space<hbm>>) dst(%arg14 : memref<128x64xf32, #tpu.memory_space<vmem>>)
      %add3A_191 = arith.constant 4 : i32
      %add3A_192 = arith.addi %add3A_129, %add3A_191 : i32
      %add3A_193 = arith.constant 1 : i32
      %add3A_194 = arith.addi %add3A_192, %add3A_193 : i32
      %lt3A_195 = arith.constant 200 : i32
      %lt3A_196 = arith.cmpi slt, %add3A_194, %lt3A_195 : i32
      %convert_element_type3A_197 = arith.extui %lt3A_196 : i1 to i32
      %cond3A_198 = arith.constant 0 : i32
      %cond3A_199 = arith.cmpi ne, %convert_element_type3A_197, %cond3A_198 : i32
      scf.if %cond3A_199 {
        %add3A_317 = arith.constant 4 : i32
        %add3A_318 = arith.addi %add3A_129, %add3A_317 : i32
        %add3A_319 = arith.constant 1 : i32
        %add3A_320 = arith.addi %add3A_318, %add3A_319 : i32
        %mul3A_321 = arith.constant 4096 : i32
        %mul3A_322 = arith.muli %add3A_320, %mul3A_321 : i32
        %mul3A_323 = arith.constant 128 : i32
        %mul3A_324 = arith.muli %add3A, %mul3A_323 : i32
        %add3A_325 = arith.addi %mul3A_322, %mul3A_324 : i32
        %dma_start3A_326 = tpu.memref_slice %arg2[%add3A_325] : memref<819200xi32, #tpu.memory_space<hbm>> -> memref<128xi32, #tpu.memory_space<hbm>>
        %dma_start3A_327 = tpu.memref_slice %arg2[%add3A_325] : memref<819200xi32, #tpu.memory_space<hbm>> -> memref<128xi32, #tpu.memory_space<hbm>>
        tpu.enqueue_dma source(%dma_start3A_327 : memref<128xi32, #tpu.memory_space<hbm>>) target(%arg6 : memref<128xi32, #tpu.memory_space<vmem>>) target_semaphore(%arg10 : memref<!tpu.dma_semaphore, #tpu.memory_space<semaphore_mem>>)
      } else {
      }
      %add3A_200 = arith.constant 1 : i32
      %add3A_201 = arith.addi %add3A_129, %add3A_200 : i32
      %sub3A_202 = arith.constant 2 : i32
      %sub3A_203 = arith.subi %add3A_201, %sub3A_202 : i32
      %ge3A_204 = arith.constant 0 : i32
      %ge3A_205 = arith.cmpi sge, %sub3A_203, %ge3A_204 : i32
      %convert_element_type3A_206 = arith.extui %ge3A_205 : i1 to i32
      %cond3A_207 = arith.constant 0 : i32
      %cond3A_208 = arith.cmpi ne, %convert_element_type3A_206, %cond3A_207 : i32
      scf.if %cond3A_208 {
        %add3A_317 = arith.constant 1 : i32
        %add3A_318 = arith.addi %add3A_129, %add3A_317 : i32
        %sub3A_319 = arith.constant 2 : i32
        %sub3A_320 = arith.subi %add3A_318, %sub3A_319 : i32
        %dma_wait3A_321 = arith.constant 0 : i32
        %dma_wait3A_322 = arith.constant 0 : i32
        %dma_wait3A_323 = arith.constant 0 : i32
        %dma_wait3A_324 = tpu.memref_slice %arg4[%sub3A_320, %dma_wait3A_321, %add3A, %dma_wait3A_322, %dma_wait3A_323] : memref<200x8x32x8x128xf32, #tpu.memory_space<hbm>> -> memref<1x8x1x8x128xf32, #tpu.memory_space<hbm>>
        %dma_wait3A_325 = tpu.memref_squeeze %dma_wait3A_324 : memref<1x8x1x8x128xf32, #tpu.memory_space<hbm>> -> memref<8x1x8x128xf32, #tpu.memory_space<hbm>>
        %dma_wait3A_326 = arith.constant 0 : i32
        %dma_wait3A_327 = arith.constant 0 : i32
        %dma_wait3A_328 = arith.constant 0 : i32
        %dma_wait3A_329 = tpu.memref_slice %arg4[%sub3A_320, %dma_wait3A_326, %add3A, %dma_wait3A_327, %dma_wait3A_328] : memref<200x8x32x8x128xf32, #tpu.memory_space<hbm>> -> memref<1x8x1x8x128xf32, #tpu.memory_space<hbm>>
        %dma_wait3A_330 = tpu.memref_squeeze %dma_wait3A_329 : memref<1x8x1x8x128xf32, #tpu.memory_space<hbm>> -> memref<8x1x8x128xf32, #tpu.memory_space<hbm>>
        tpu.wait_dma2 semaphore(%arg20 : memref<!tpu.dma_semaphore, #tpu.memory_space<semaphore_mem>>) src(%arg16 : memref<8x1x8x128xf32, #tpu.memory_space<vmem>>) dst(%dma_wait3A_330 : memref<8x1x8x128xf32, #tpu.memory_space<hbm>>)
      } else {
      }
      %parallel_loop3A_209 = arith.constant 0 : i32
      %parallel_loop3A_210 = arith.constant 64 : i32
      %parallel_loop3A_211 = arith.constant 1 : i32
      scf.for %parallel_loop3A_317 = %parallel_loop3A_209 to %parallel_loop3A_210 step %parallel_loop3A_211  : i32 {
        %parallel_loop3A_318 = arith.constant 4 : i32
        %parallel_loop3A_319 = arith.shrsi %parallel_loop3A_317, %parallel_loop3A_318 : i32
        %parallel_loop3A_320 = arith.constant 4 : i32
        %parallel_loop3A_321 = arith.shli %parallel_loop3A_319, %parallel_loop3A_320 : i32
        %parallel_loop3A_322 = vector.broadcast %parallel_loop3A_317 : i32 to vector<16xi32>
        %parallel_loop3A_323 = arith.addi %iota3A, %parallel_loop3A_322 : vector<16xi32>
        %parallel_loop3A_324 = arith.constant 15 : i32
        %parallel_loop3A_325 = vector.broadcast %parallel_loop3A_324 : i32 to vector<16xi32>
        %parallel_loop3A_326 = arith.andi %parallel_loop3A_323, %parallel_loop3A_325 : vector<16xi32>
        %parallel_loop3A_327 = vector.broadcast %parallel_loop3A_321 : i32 to vector<16xi32>
        %parallel_loop3A_328 = arith.addi %parallel_loop3A_327, %parallel_loop3A_326 : vector<16xi32>
        %parallel_loop3A_329 = arith.constant 3 : i32
        %parallel_loop3A_330 = vector.broadcast %parallel_loop3A_329 : i32 to vector<16xi32>
        %parallel_loop3A_331 = arith.shrsi %parallel_loop3A_328, %parallel_loop3A_330 : vector<16xi32>
        %parallel_loop3A_332 = arith.constant 7 : i32
        %parallel_loop3A_333 = vector.broadcast %parallel_loop3A_332 : i32 to vector<16xi32>
        %parallel_loop3A_334 = arith.andi %parallel_loop3A_328, %parallel_loop3A_333 : vector<16xi32>
        %parallel_loop3A_335 = arith.constant 0 : i32
        %parallel_loop3A_336 = vector.broadcast %parallel_loop3A_335 : i32 to vector<16xi32>
        %parallel_loop3A_337 = arith.addi %iota3A, %parallel_loop3A_336 : vector<16xi32>
        %parallel_loop3A_338 = tpu.vector_load_idx %arg14[%parallel_loop3A_337, %parallel_loop3A_328] : memref<128x64xf32, #tpu.memory_space<vmem>>[vector<16xi32>, vector<16xi32>], vector<16xf32>,
        tpu.vector_store_idx %arg16[%parallel_loop3A_331, %and3A_49, %parallel_loop3A_334, %parallel_loop3A_337], %parallel_loop3A_338 : memref<8x1x8x128xf32, #tpu.memory_space<vmem>>[vector<16xi32>, vector<16xi32>, vector<16xi32>, vector<16xi32>], vector<16xf32>,
        %parallel_loop3A_339 = arith.constant 16 : i32
        %parallel_loop3A_340 = vector.broadcast %parallel_loop3A_339 : i32 to vector<16xi32>
        %parallel_loop3A_341 = arith.addi %iota3A, %parallel_loop3A_340 : vector<16xi32>
        %parallel_loop3A_342 = tpu.vector_load_idx %arg14[%parallel_loop3A_341, %parallel_loop3A_328] : memref<128x64xf32, #tpu.memory_space<vmem>>[vector<16xi32>, vector<16xi32>], vector<16xf32>,
        tpu.vector_store_idx %arg16[%parallel_loop3A_331, %and3A_49, %parallel_loop3A_334, %parallel_loop3A_341], %parallel_loop3A_342 : memref<8x1x8x128xf32, #tpu.memory_space<vmem>>[vector<16xi32>, vector<16xi32>, vector<16xi32>, vector<16xi32>], vector<16xf32>,
        %parallel_loop3A_343 = arith.constant 32 : i32
        %parallel_loop3A_344 = vector.broadcast %parallel_loop3A_343 : i32 to vector<16xi32>
        %parallel_loop3A_345 = arith.addi %iota3A, %parallel_loop3A_344 : vector<16xi32>
        %parallel_loop3A_346 = tpu.vector_load_idx %arg14[%parallel_loop3A_345, %parallel_loop3A_328] : memref<128x64xf32, #tpu.memory_space<vmem>>[vector<16xi32>, vector<16xi32>], vector<16xf32>,
        tpu.vector_store_idx %arg16[%parallel_loop3A_331, %and3A_49, %parallel_loop3A_334, %parallel_loop3A_345], %parallel_loop3A_346 : memref<8x1x8x128xf32, #tpu.memory_space<vmem>>[vector<16xi32>, vector<16xi32>, vector<16xi32>, vector<16xi32>], vector<16xf32>,
        %parallel_loop3A_347 = arith.constant 48 : i32
        %parallel_loop3A_348 = vector.broadcast %parallel_loop3A_347 : i32 to vector<16xi32>
        %parallel_loop3A_349 = arith.addi %iota3A, %parallel_loop3A_348 : vector<16xi32>
        %parallel_loop3A_350 = tpu.vector_load_idx %arg14[%parallel_loop3A_349, %parallel_loop3A_328] : memref<128x64xf32, #tpu.memory_space<vmem>>[vector<16xi32>, vector<16xi32>], vector<16xf32>,
        tpu.vector_store_idx %arg16[%parallel_loop3A_331, %and3A_49, %parallel_loop3A_334, %parallel_loop3A_349], %parallel_loop3A_350 : memref<8x1x8x128xf32, #tpu.memory_space<vmem>>[vector<16xi32>, vector<16xi32>, vector<16xi32>, vector<16xi32>], vector<16xf32>,
        %parallel_loop3A_351 = arith.constant 64 : i32
        %parallel_loop3A_352 = vector.broadcast %parallel_loop3A_351 : i32 to vector<16xi32>
        %parallel_loop3A_353 = arith.addi %iota3A, %parallel_loop3A_352 : vector<16xi32>
        %parallel_loop3A_354 = tpu.vector_load_idx %arg14[%parallel_loop3A_353, %parallel_loop3A_328] : memref<128x64xf32, #tpu.memory_space<vmem>>[vector<16xi32>, vector<16xi32>], vector<16xf32>,
        tpu.vector_store_idx %arg16[%parallel_loop3A_331, %and3A_49, %parallel_loop3A_334, %parallel_loop3A_353], %parallel_loop3A_354 : memref<8x1x8x128xf32, #tpu.memory_space<vmem>>[vector<16xi32>, vector<16xi32>, vector<16xi32>, vector<16xi32>], vector<16xf32>,
        %parallel_loop3A_355 = arith.constant 80 : i32
        %parallel_loop3A_356 = vector.broadcast %parallel_loop3A_355 : i32 to vector<16xi32>
        %parallel_loop3A_357 = arith.addi %iota3A, %parallel_loop3A_356 : vector<16xi32>
        %parallel_loop3A_358 = tpu.vector_load_idx %arg14[%parallel_loop3A_357, %parallel_loop3A_328] : memref<128x64xf32, #tpu.memory_space<vmem>>[vector<16xi32>, vector<16xi32>], vector<16xf32>,
        tpu.vector_store_idx %arg16[%parallel_loop3A_331, %and3A_49, %parallel_loop3A_334, %parallel_loop3A_357], %parallel_loop3A_358 : memref<8x1x8x128xf32, #tpu.memory_space<vmem>>[vector<16xi32>, vector<16xi32>, vector<16xi32>, vector<16xi32>], vector<16xf32>,
        %parallel_loop3A_359 = arith.constant 96 : i32
        %parallel_loop3A_360 = vector.broadcast %parallel_loop3A_359 : i32 to vector<16xi32>
        %parallel_loop3A_361 = arith.addi %iota3A, %parallel_loop3A_360 : vector<16xi32>
        %parallel_loop3A_362 = tpu.vector_load_idx %arg14[%parallel_loop3A_361, %parallel_loop3A_328] : memref<128x64xf32, #tpu.memory_space<vmem>>[vector<16xi32>, vector<16xi32>], vector<16xf32>,
        tpu.vector_store_idx %arg16[%parallel_loop3A_331, %and3A_49, %parallel_loop3A_334, %parallel_loop3A_361], %parallel_loop3A_362 : memref<8x1x8x128xf32, #tpu.memory_space<vmem>>[vector<16xi32>, vector<16xi32>, vector<16xi32>, vector<16xi32>], vector<16xf32>,
        %parallel_loop3A_363 = arith.constant 112 : i32
        %parallel_loop3A_364 = vector.broadcast %parallel_loop3A_363 : i32 to vector<16xi32>
        %parallel_loop3A_365 = arith.addi %iota3A, %parallel_loop3A_364 : vector<16xi32>
        %parallel_loop3A_366 = tpu.vector_load_idx %arg14[%parallel_loop3A_365, %parallel_loop3A_328] : memref<128x64xf32, #tpu.memory_space<vmem>>[vector<16xi32>, vector<16xi32>], vector<16xf32>,
        tpu.vector_store_idx %arg16[%parallel_loop3A_331, %and3A_49, %parallel_loop3A_334, %parallel_loop3A_365], %parallel_loop3A_366 : memref<8x1x8x128xf32, #tpu.memory_space<vmem>>[vector<16xi32>, vector<16xi32>, vector<16xi32>, vector<16xi32>], vector<16xf32>,
      } {sc.loop_unroll_factor = 2 : i64, sc.parallel_access}
      %add3A_212 = arith.constant 1 : i32
      %add3A_213 = arith.addi %add3A_129, %add3A_212 : i32
      %dma_start3A_214 = arith.constant 0 : i32
      %dma_start3A_215 = arith.constant 0 : i32
      %dma_start3A_216 = arith.constant 0 : i32
      %dma_start3A_217 = tpu.memref_slice %arg4[%add3A_213, %dma_start3A_214, %add3A, %dma_start3A_215, %dma_start3A_216] : memref<200x8x32x8x128xf32, #tpu.memory_space<hbm>> -> memref<1x8x1x8x128xf32, #tpu.memory_space<hbm>>
      %dma_start3A_218 = tpu.memref_squeeze %dma_start3A_217 : memref<1x8x1x8x128xf32, #tpu.memory_space<hbm>> -> memref<8x1x8x128xf32, #tpu.memory_space<hbm>>
      %dma_start3A_219 = arith.constant 0 : i32
      %dma_start3A_220 = arith.constant 0 : i32
      %dma_start3A_221 = arith.constant 0 : i32
      %dma_start3A_222 = tpu.memref_slice %arg4[%add3A_213, %dma_start3A_219, %add3A, %dma_start3A_220, %dma_start3A_221] : memref<200x8x32x8x128xf32, #tpu.memory_space<hbm>> -> memref<1x8x1x8x128xf32, #tpu.memory_space<hbm>>
      %dma_start3A_223 = tpu.memref_squeeze %dma_start3A_222 : memref<1x8x1x8x128xf32, #tpu.memory_space<hbm>> -> memref<8x1x8x128xf32, #tpu.memory_space<hbm>>
      tpu.enqueue_dma source(%arg16 : memref<8x1x8x128xf32, #tpu.memory_space<vmem>>) target(%dma_start3A_223 : memref<8x1x8x128xf32, #tpu.memory_space<hbm>>) target_semaphore(%arg20 : memref<!tpu.dma_semaphore, #tpu.memory_space<semaphore_mem>>)
      %add3A_224 = arith.constant 2 : i32
      %add3A_225 = arith.addi %add3A_129, %add3A_224 : i32
      %add3A_226 = arith.constant 1 : i32
      %add3A_227 = arith.addi %add3A_225, %add3A_226 : i32
      %mul3A_228 = arith.constant 4096 : i32
      %mul3A_229 = arith.muli %add3A_227, %mul3A_228 : i32
      %mul3A_230 = arith.constant 128 : i32
      %mul3A_231 = arith.muli %add3A, %mul3A_230 : i32
      %add3A_232 = arith.addi %mul3A_229, %mul3A_231 : i32
      %dma_wait3A_233 = tpu.memref_slice %arg2[%add3A_232] : memref<819200xi32, #tpu.memory_space<hbm>> -> memref<128xi32, #tpu.memory_space<hbm>>
      %dma_wait3A_234 = tpu.memref_slice %arg2[%add3A_232] : memref<819200xi32, #tpu.memory_space<hbm>> -> memref<128xi32, #tpu.memory_space<hbm>>
      tpu.wait_dma2 semaphore(%arg12 : memref<!tpu.dma_semaphore, #tpu.memory_space<semaphore_mem>>) src(%dma_wait3A_234 : memref<128xi32, #tpu.memory_space<hbm>>) dst(%arg8 : memref<128xi32, #tpu.memory_space<vmem>>)
      %dma_start3A_235 = arith.constant 0 : i32
      %dma_start3A_236 = arith.constant 0 : i32
      %dma_start3A_237 = tpu.memref_slice %arg3[%dma_start3A_235, %dma_start3A_236] : memref<1000000x64xf32, #tpu.memory_space<hbm>> -> memref<1000000x64xf32, #tpu.memory_space<hbm>>
      tpu.enqueue_indirect_dma source(%dma_start3A_237 : memref<1000000x64xf32, #tpu.memory_space<hbm>>) target(%arg14 : memref<128x64xf32, #tpu.memory_space<vmem>>) offsets(%arg8 : memref<128xi32, #tpu.memory_space<vmem>>) semaphore(%arg18 : memref<!tpu.dma_semaphore, #tpu.memory_space<semaphore_mem>>)
      %dma_wait3A_238 = arith.constant 0 : i32
      %dma_wait3A_239 = arith.constant 0 : i32
      %dma_wait3A_240 = tpu.memref_slice %arg3[%dma_wait3A_238, %dma_wait3A_239] : memref<1000000x64xf32, #tpu.memory_space<hbm>> -> memref<1000000x64xf32, #tpu.memory_space<hbm>>
      tpu.wait_indirect_dma semaphore(%arg17 : memref<!tpu.dma_semaphore, #tpu.memory_space<semaphore_mem>>) src(%dma_wait3A_240 : memref<1000000x64xf32, #tpu.memory_space<hbm>>) dst(%arg13 : memref<128x64xf32, #tpu.memory_space<vmem>>)
      %add3A_241 = arith.constant 4 : i32
      %add3A_242 = arith.addi %add3A_129, %add3A_241 : i32
      %add3A_243 = arith.constant 2 : i32
      %add3A_244 = arith.addi %add3A_242, %add3A_243 : i32
      %lt3A_245 = arith.constant 200 : i32
      %lt3A_246 = arith.cmpi slt, %add3A_244, %lt3A_245 : i32
      %convert_element_type3A_247 = arith.extui %lt3A_246 : i1 to i32
      %cond3A_248 = arith.constant 0 : i32
      %cond3A_249 = arith.cmpi ne, %convert_element_type3A_247, %cond3A_248 : i32
      scf.if %cond3A_249 {
        %add3A_317 = arith.constant 4 : i32
        %add3A_318 = arith.addi %add3A_129, %add3A_317 : i32
        %add3A_319 = arith.constant 2 : i32
        %add3A_320 = arith.addi %add3A_318, %add3A_319 : i32
        %mul3A_321 = arith.constant 4096 : i32
        %mul3A_322 = arith.muli %add3A_320, %mul3A_321 : i32
        %mul3A_323 = arith.constant 128 : i32
        %mul3A_324 = arith.muli %add3A, %mul3A_323 : i32
        %add3A_325 = arith.addi %mul3A_322, %mul3A_324 : i32
        %dma_start3A_326 = tpu.memref_slice %arg2[%add3A_325] : memref<819200xi32, #tpu.memory_space<hbm>> -> memref<128xi32, #tpu.memory_space<hbm>>
        %dma_start3A_327 = tpu.memref_slice %arg2[%add3A_325] : memref<819200xi32, #tpu.memory_space<hbm>> -> memref<128xi32, #tpu.memory_space<hbm>>
        tpu.enqueue_dma source(%dma_start3A_327 : memref<128xi32, #tpu.memory_space<hbm>>) target(%arg7 : memref<128xi32, #tpu.memory_space<vmem>>) target_semaphore(%arg11 : memref<!tpu.dma_semaphore, #tpu.memory_space<semaphore_mem>>)
      } else {
      }
      %add3A_250 = arith.constant 2 : i32
      %add3A_251 = arith.addi %add3A_129, %add3A_250 : i32
      %sub3A_252 = arith.constant 2 : i32
      %sub3A_253 = arith.subi %add3A_251, %sub3A_252 : i32
      %ge3A_254 = arith.constant 0 : i32
      %ge3A_255 = arith.cmpi sge, %sub3A_253, %ge3A_254 : i32
      %convert_element_type3A_256 = arith.extui %ge3A_255 : i1 to i32
      %cond3A_257 = arith.constant 0 : i32
      %cond3A_258 = arith.cmpi ne, %convert_element_type3A_256, %cond3A_257 : i32
      scf.if %cond3A_258 {
        %add3A_317 = arith.constant 2 : i32
        %add3A_318 = arith.addi %add3A_129, %add3A_317 : i32
        %sub3A_319 = arith.constant 2 : i32
        %sub3A_320 = arith.subi %add3A_318, %sub3A_319 : i32
        %dma_wait3A_321 = arith.constant 0 : i32
        %dma_wait3A_322 = arith.constant 0 : i32
        %dma_wait3A_323 = arith.constant 0 : i32
        %dma_wait3A_324 = tpu.memref_slice %arg4[%sub3A_320, %dma_wait3A_321, %add3A, %dma_wait3A_322, %dma_wait3A_323] : memref<200x8x32x8x128xf32, #tpu.memory_space<hbm>> -> memref<1x8x1x8x128xf32, #tpu.memory_space<hbm>>
        %dma_wait3A_325 = tpu.memref_squeeze %dma_wait3A_324 : memref<1x8x1x8x128xf32, #tpu.memory_space<hbm>> -> memref<8x1x8x128xf32, #tpu.memory_space<hbm>>
        %dma_wait3A_326 = arith.constant 0 : i32
        %dma_wait3A_327 = arith.constant 0 : i32
        %dma_wait3A_328 = arith.constant 0 : i32
        %dma_wait3A_329 = tpu.memref_slice %arg4[%sub3A_320, %dma_wait3A_326, %add3A, %dma_wait3A_327, %dma_wait3A_328] : memref<200x8x32x8x128xf32, #tpu.memory_space<hbm>> -> memref<1x8x1x8x128xf32, #tpu.memory_space<hbm>>
        %dma_wait3A_330 = tpu.memref_squeeze %dma_wait3A_329 : memref<1x8x1x8x128xf32, #tpu.memory_space<hbm>> -> memref<8x1x8x128xf32, #tpu.memory_space<hbm>>
        tpu.wait_dma2 semaphore(%arg19 : memref<!tpu.dma_semaphore, #tpu.memory_space<semaphore_mem>>) src(%arg15 : memref<8x1x8x128xf32, #tpu.memory_space<vmem>>) dst(%dma_wait3A_330 : memref<8x1x8x128xf32, #tpu.memory_space<hbm>>)
      } else {
      }
      %parallel_loop3A_259 = arith.constant 0 : i32
      %parallel_loop3A_260 = arith.constant 64 : i32
      %parallel_loop3A_261 = arith.constant 1 : i32
      scf.for %parallel_loop3A_317 = %parallel_loop3A_259 to %parallel_loop3A_260 step %parallel_loop3A_261  : i32 {
        %parallel_loop3A_318 = arith.constant 4 : i32
        %parallel_loop3A_319 = arith.shrsi %parallel_loop3A_317, %parallel_loop3A_318 : i32
        %parallel_loop3A_320 = arith.constant 4 : i32
        %parallel_loop3A_321 = arith.shli %parallel_loop3A_319, %parallel_loop3A_320 : i32
        %parallel_loop3A_322 = vector.broadcast %parallel_loop3A_317 : i32 to vector<16xi32>
        %parallel_loop3A_323 = arith.addi %iota3A, %parallel_loop3A_322 : vector<16xi32>
        %parallel_loop3A_324 = arith.constant 15 : i32
        %parallel_loop3A_325 = vector.broadcast %parallel_loop3A_324 : i32 to vector<16xi32>
        %parallel_loop3A_326 = arith.andi %parallel_loop3A_323, %parallel_loop3A_325 : vector<16xi32>
        %parallel_loop3A_327 = vector.broadcast %parallel_loop3A_321 : i32 to vector<16xi32>
        %parallel_loop3A_328 = arith.addi %parallel_loop3A_327, %parallel_loop3A_326 : vector<16xi32>
        %parallel_loop3A_329 = arith.constant 3 : i32
        %parallel_loop3A_330 = vector.broadcast %parallel_loop3A_329 : i32 to vector<16xi32>
        %parallel_loop3A_331 = arith.shrsi %parallel_loop3A_328, %parallel_loop3A_330 : vector<16xi32>
        %parallel_loop3A_332 = arith.constant 7 : i32
        %parallel_loop3A_333 = vector.broadcast %parallel_loop3A_332 : i32 to vector<16xi32>
        %parallel_loop3A_334 = arith.andi %parallel_loop3A_328, %parallel_loop3A_333 : vector<16xi32>
        %parallel_loop3A_335 = arith.constant 0 : i32
        %parallel_loop3A_336 = vector.broadcast %parallel_loop3A_335 : i32 to vector<16xi32>
        %parallel_loop3A_337 = arith.addi %iota3A, %parallel_loop3A_336 : vector<16xi32>
        %parallel_loop3A_338 = tpu.vector_load_idx %arg13[%parallel_loop3A_337, %parallel_loop3A_328] : memref<128x64xf32, #tpu.memory_space<vmem>>[vector<16xi32>, vector<16xi32>], vector<16xf32>,
        tpu.vector_store_idx %arg15[%parallel_loop3A_331, %and3A_49, %parallel_loop3A_334, %parallel_loop3A_337], %parallel_loop3A_338 : memref<8x1x8x128xf32, #tpu.memory_space<vmem>>[vector<16xi32>, vector<16xi32>, vector<16xi32>, vector<16xi32>], vector<16xf32>,
        %parallel_loop3A_339 = arith.constant 16 : i32
        %parallel_loop3A_340 = vector.broadcast %parallel_loop3A_339 : i32 to vector<16xi32>
        %parallel_loop3A_341 = arith.addi %iota3A, %parallel_loop3A_340 : vector<16xi32>
        %parallel_loop3A_342 = tpu.vector_load_idx %arg13[%parallel_loop3A_341, %parallel_loop3A_328] : memref<128x64xf32, #tpu.memory_space<vmem>>[vector<16xi32>, vector<16xi32>], vector<16xf32>,
        tpu.vector_store_idx %arg15[%parallel_loop3A_331, %and3A_49, %parallel_loop3A_334, %parallel_loop3A_341], %parallel_loop3A_342 : memref<8x1x8x128xf32, #tpu.memory_space<vmem>>[vector<16xi32>, vector<16xi32>, vector<16xi32>, vector<16xi32>], vector<16xf32>,
        %parallel_loop3A_343 = arith.constant 32 : i32
        %parallel_loop3A_344 = vector.broadcast %parallel_loop3A_343 : i32 to vector<16xi32>
        %parallel_loop3A_345 = arith.addi %iota3A, %parallel_loop3A_344 : vector<16xi32>
        %parallel_loop3A_346 = tpu.vector_load_idx %arg13[%parallel_loop3A_345, %parallel_loop3A_328] : memref<128x64xf32, #tpu.memory_space<vmem>>[vector<16xi32>, vector<16xi32>], vector<16xf32>,
        tpu.vector_store_idx %arg15[%parallel_loop3A_331, %and3A_49, %parallel_loop3A_334, %parallel_loop3A_345], %parallel_loop3A_346 : memref<8x1x8x128xf32, #tpu.memory_space<vmem>>[vector<16xi32>, vector<16xi32>, vector<16xi32>, vector<16xi32>], vector<16xf32>,
        %parallel_loop3A_347 = arith.constant 48 : i32
        %parallel_loop3A_348 = vector.broadcast %parallel_loop3A_347 : i32 to vector<16xi32>
        %parallel_loop3A_349 = arith.addi %iota3A, %parallel_loop3A_348 : vector<16xi32>
        %parallel_loop3A_350 = tpu.vector_load_idx %arg13[%parallel_loop3A_349, %parallel_loop3A_328] : memref<128x64xf32, #tpu.memory_space<vmem>>[vector<16xi32>, vector<16xi32>], vector<16xf32>,
        tpu.vector_store_idx %arg15[%parallel_loop3A_331, %and3A_49, %parallel_loop3A_334, %parallel_loop3A_349], %parallel_loop3A_350 : memref<8x1x8x128xf32, #tpu.memory_space<vmem>>[vector<16xi32>, vector<16xi32>, vector<16xi32>, vector<16xi32>], vector<16xf32>,
        %parallel_loop3A_351 = arith.constant 64 : i32
        %parallel_loop3A_352 = vector.broadcast %parallel_loop3A_351 : i32 to vector<16xi32>
        %parallel_loop3A_353 = arith.addi %iota3A, %parallel_loop3A_352 : vector<16xi32>
        %parallel_loop3A_354 = tpu.vector_load_idx %arg13[%parallel_loop3A_353, %parallel_loop3A_328] : memref<128x64xf32, #tpu.memory_space<vmem>>[vector<16xi32>, vector<16xi32>], vector<16xf32>,
        tpu.vector_store_idx %arg15[%parallel_loop3A_331, %and3A_49, %parallel_loop3A_334, %parallel_loop3A_353], %parallel_loop3A_354 : memref<8x1x8x128xf32, #tpu.memory_space<vmem>>[vector<16xi32>, vector<16xi32>, vector<16xi32>, vector<16xi32>], vector<16xf32>,
        %parallel_loop3A_355 = arith.constant 80 : i32
        %parallel_loop3A_356 = vector.broadcast %parallel_loop3A_355 : i32 to vector<16xi32>
        %parallel_loop3A_357 = arith.addi %iota3A, %parallel_loop3A_356 : vector<16xi32>
        %parallel_loop3A_358 = tpu.vector_load_idx %arg13[%parallel_loop3A_357, %parallel_loop3A_328] : memref<128x64xf32, #tpu.memory_space<vmem>>[vector<16xi32>, vector<16xi32>], vector<16xf32>,
        tpu.vector_store_idx %arg15[%parallel_loop3A_331, %and3A_49, %parallel_loop3A_334, %parallel_loop3A_357], %parallel_loop3A_358 : memref<8x1x8x128xf32, #tpu.memory_space<vmem>>[vector<16xi32>, vector<16xi32>, vector<16xi32>, vector<16xi32>], vector<16xf32>,
        %parallel_loop3A_359 = arith.constant 96 : i32
        %parallel_loop3A_360 = vector.broadcast %parallel_loop3A_359 : i32 to vector<16xi32>
        %parallel_loop3A_361 = arith.addi %iota3A, %parallel_loop3A_360 : vector<16xi32>
        %parallel_loop3A_362 = tpu.vector_load_idx %arg13[%parallel_loop3A_361, %parallel_loop3A_328] : memref<128x64xf32, #tpu.memory_space<vmem>>[vector<16xi32>, vector<16xi32>], vector<16xf32>,
        tpu.vector_store_idx %arg15[%parallel_loop3A_331, %and3A_49, %parallel_loop3A_334, %parallel_loop3A_361], %parallel_loop3A_362 : memref<8x1x8x128xf32, #tpu.memory_space<vmem>>[vector<16xi32>, vector<16xi32>, vector<16xi32>, vector<16xi32>], vector<16xf32>,
        %parallel_loop3A_363 = arith.constant 112 : i32
        %parallel_loop3A_364 = vector.broadcast %parallel_loop3A_363 : i32 to vector<16xi32>
        %parallel_loop3A_365 = arith.addi %iota3A, %parallel_loop3A_364 : vector<16xi32>
        %parallel_loop3A_366 = tpu.vector_load_idx %arg13[%parallel_loop3A_365, %parallel_loop3A_328] : memref<128x64xf32, #tpu.memory_space<vmem>>[vector<16xi32>, vector<16xi32>], vector<16xf32>,
        tpu.vector_store_idx %arg15[%parallel_loop3A_331, %and3A_49, %parallel_loop3A_334, %parallel_loop3A_365], %parallel_loop3A_366 : memref<8x1x8x128xf32, #tpu.memory_space<vmem>>[vector<16xi32>, vector<16xi32>, vector<16xi32>, vector<16xi32>], vector<16xf32>,
      } {sc.loop_unroll_factor = 2 : i64, sc.parallel_access}
      %add3A_262 = arith.constant 2 : i32
      %add3A_263 = arith.addi %add3A_129, %add3A_262 : i32
      %dma_start3A_264 = arith.constant 0 : i32
      %dma_start3A_265 = arith.constant 0 : i32
      %dma_start3A_266 = arith.constant 0 : i32
      %dma_start3A_267 = tpu.memref_slice %arg4[%add3A_263, %dma_start3A_264, %add3A, %dma_start3A_265, %dma_start3A_266] : memref<200x8x32x8x128xf32, #tpu.memory_space<hbm>> -> memref<1x8x1x8x128xf32, #tpu.memory_space<hbm>>
      %dma_start3A_268 = tpu.memref_squeeze %dma_start3A_267 : memref<1x8x1x8x128xf32, #tpu.memory_space<hbm>> -> memref<8x1x8x128xf32, #tpu.memory_space<hbm>>
      %dma_start3A_269 = arith.constant 0 : i32
      %dma_start3A_270 = arith.constant 0 : i32
      %dma_start3A_271 = arith.constant 0 : i32
      %dma_start3A_272 = tpu.memref_slice %arg4[%add3A_263, %dma_start3A_269, %add3A, %dma_start3A_270, %dma_start3A_271] : memref<200x8x32x8x128xf32, #tpu.memory_space<hbm>> -> memref<1x8x1x8x128xf32, #tpu.memory_space<hbm>>
      %dma_start3A_273 = tpu.memref_squeeze %dma_start3A_272 : memref<1x8x1x8x128xf32, #tpu.memory_space<hbm>> -> memref<8x1x8x128xf32, #tpu.memory_space<hbm>>
      tpu.enqueue_dma source(%arg15 : memref<8x1x8x128xf32, #tpu.memory_space<vmem>>) target(%dma_start3A_273 : memref<8x1x8x128xf32, #tpu.memory_space<hbm>>) target_semaphore(%arg19 : memref<!tpu.dma_semaphore, #tpu.memory_space<semaphore_mem>>)
      %add3A_274 = arith.constant 4 : i32
      %add3A_275 = arith.addi %add3A_129, %add3A_274 : i32
      %lt3A_276 = arith.constant 200 : i32
      %lt3A_277 = arith.cmpi slt, %add3A_275, %lt3A_276 : i32
      %convert_element_type3A_278 = arith.extui %lt3A_277 : i1 to i32
      %cond3A_279 = arith.constant 0 : i32
      %cond3A_280 = arith.cmpi ne, %convert_element_type3A_278, %cond3A_279 : i32
      scf.if %cond3A_280 {
        %add3A_317 = arith.constant 4 : i32
        %add3A_318 = arith.addi %add3A_129, %add3A_317 : i32
        %mul3A_319 = arith.constant 4096 : i32
        %mul3A_320 = arith.muli %add3A_318, %mul3A_319 : i32
        %mul3A_321 = arith.constant 128 : i32
        %mul3A_322 = arith.muli %add3A, %mul3A_321 : i32
        %add3A_323 = arith.addi %mul3A_320, %mul3A_322 : i32
        %dma_wait3A_324 = tpu.memref_slice %arg2[%add3A_323] : memref<819200xi32, #tpu.memory_space<hbm>> -> memref<128xi32, #tpu.memory_space<hbm>>
        %dma_wait3A_325 = tpu.memref_slice %arg2[%add3A_323] : memref<819200xi32, #tpu.memory_space<hbm>> -> memref<128xi32, #tpu.memory_space<hbm>>
        tpu.wait_dma2 semaphore(%arg9 : memref<!tpu.dma_semaphore, #tpu.memory_space<semaphore_mem>>) src(%dma_wait3A_325 : memref<128xi32, #tpu.memory_space<hbm>>) dst(%arg5 : memref<128xi32, #tpu.memory_space<vmem>>)
        %dma_start3A_326 = arith.constant 0 : i32
        %dma_start3A_327 = arith.constant 0 : i32
        %dma_start3A_328 = tpu.memref_slice %arg3[%dma_start3A_326, %dma_start3A_327] : memref<1000000x64xf32, #tpu.memory_space<hbm>> -> memref<1000000x64xf32, #tpu.memory_space<hbm>>
        tpu.enqueue_indirect_dma source(%dma_start3A_328 : memref<1000000x64xf32, #tpu.memory_space<hbm>>) target(%arg13 : memref<128x64xf32, #tpu.memory_space<vmem>>) offsets(%arg5 : memref<128xi32, #tpu.memory_space<vmem>>) semaphore(%arg17 : memref<!tpu.dma_semaphore, #tpu.memory_space<semaphore_mem>>)
      } else {
      }
      %dma_wait3A_281 = arith.constant 0 : i32
      %dma_wait3A_282 = arith.constant 0 : i32
      %dma_wait3A_283 = tpu.memref_slice %arg3[%dma_wait3A_281, %dma_wait3A_282] : memref<1000000x64xf32, #tpu.memory_space<hbm>> -> memref<1000000x64xf32, #tpu.memory_space<hbm>>
      tpu.wait_indirect_dma semaphore(%arg18 : memref<!tpu.dma_semaphore, #tpu.memory_space<semaphore_mem>>) src(%dma_wait3A_283 : memref<1000000x64xf32, #tpu.memory_space<hbm>>) dst(%arg14 : memref<128x64xf32, #tpu.memory_space<vmem>>)
      %add3A_284 = arith.constant 4 : i32
      %add3A_285 = arith.addi %add3A_129, %add3A_284 : i32
      %add3A_286 = arith.constant 3 : i32
      %add3A_287 = arith.addi %add3A_285, %add3A_286 : i32
      %lt3A_288 = arith.constant 200 : i32
      %lt3A_289 = arith.cmpi slt, %add3A_287, %lt3A_288 : i32
      %convert_element_type3A_290 = arith.extui %lt3A_289 : i1 to i32
      %cond3A_291 = arith.constant 0 : i32
      %cond3A_292 = arith.cmpi ne, %convert_element_type3A_290, %cond3A_291 : i32
      scf.if %cond3A_292 {
        %add3A_317 = arith.constant 4 : i32
        %add3A_318 = arith.addi %add3A_129, %add3A_317 : i32
        %add3A_319 = arith.constant 3 : i32
        %add3A_320 = arith.addi %add3A_318, %add3A_319 : i32
        %mul3A_321 = arith.constant 4096 : i32
        %mul3A_322 = arith.muli %add3A_320, %mul3A_321 : i32
        %mul3A_323 = arith.constant 128 : i32
        %mul3A_324 = arith.muli %add3A, %mul3A_323 : i32
        %add3A_325 = arith.addi %mul3A_322, %mul3A_324 : i32
        %dma_start3A_326 = tpu.memref_slice %arg2[%add3A_325] : memref<819200xi32, #tpu.memory_space<hbm>> -> memref<128xi32, #tpu.memory_space<hbm>>
        %dma_start3A_327 = tpu.memref_slice %arg2[%add3A_325] : memref<819200xi32, #tpu.memory_space<hbm>> -> memref<128xi32, #tpu.memory_space<hbm>>
        tpu.enqueue_dma source(%dma_start3A_327 : memref<128xi32, #tpu.memory_space<hbm>>) target(%arg8 : memref<128xi32, #tpu.memory_space<vmem>>) target_semaphore(%arg12 : memref<!tpu.dma_semaphore, #tpu.memory_space<semaphore_mem>>)
      } else {
      }
      %add3A_293 = arith.constant 3 : i32
      %add3A_294 = arith.addi %add3A_129, %add3A_293 : i32
      %sub3A_295 = arith.constant 2 : i32
      %sub3A_296 = arith.subi %add3A_294, %sub3A_295 : i32
      %ge3A_297 = arith.constant 0 : i32
      %ge3A_298 = arith.cmpi sge, %sub3A_296, %ge3A_297 : i32
      %convert_element_type3A_299 = arith.extui %ge3A_298 : i1 to i32
      %cond3A_300 = arith.constant 0 : i32
      %cond3A_301 = arith.cmpi ne, %convert_element_type3A_299, %cond3A_300 : i32
      scf.if %cond3A_301 {
        %add3A_317 = arith.constant 3 : i32
        %add3A_318 = arith.addi %add3A_129, %add3A_317 : i32
        %sub3A_319 = arith.constant 2 : i32
        %sub3A_320 = arith.subi %add3A_318, %sub3A_319 : i32
        %dma_wait3A_321 = arith.constant 0 : i32
        %dma_wait3A_322 = arith.constant 0 : i32
        %dma_wait3A_323 = arith.constant 0 : i32
        %dma_wait3A_324 = tpu.memref_slice %arg4[%sub3A_320, %dma_wait3A_321, %add3A, %dma_wait3A_322, %dma_wait3A_323] : memref<200x8x32x8x128xf32, #tpu.memory_space<hbm>> -> memref<1x8x1x8x128xf32, #tpu.memory_space<hbm>>
        %dma_wait3A_325 = tpu.memref_squeeze %dma_wait3A_324 : memref<1x8x1x8x128xf32, #tpu.memory_space<hbm>> -> memref<8x1x8x128xf32, #tpu.memory_space<hbm>>
        %dma_wait3A_326 = arith.constant 0 : i32
        %dma_wait3A_327 = arith.constant 0 : i32
        %dma_wait3A_328 = arith.constant 0 : i32
        %dma_wait3A_329 = tpu.memref_slice %arg4[%sub3A_320, %dma_wait3A_326, %add3A, %dma_wait3A_327, %dma_wait3A_328] : memref<200x8x32x8x128xf32, #tpu.memory_space<hbm>> -> memref<1x8x1x8x128xf32, #tpu.memory_space<hbm>>
        %dma_wait3A_330 = tpu.memref_squeeze %dma_wait3A_329 : memref<1x8x1x8x128xf32, #tpu.memory_space<hbm>> -> memref<8x1x8x128xf32, #tpu.memory_space<hbm>>
        tpu.wait_dma2 semaphore(%arg20 : memref<!tpu.dma_semaphore, #tpu.memory_space<semaphore_mem>>) src(%arg16 : memref<8x1x8x128xf32, #tpu.memory_space<vmem>>) dst(%dma_wait3A_330 : memref<8x1x8x128xf32, #tpu.memory_space<hbm>>)
      } else {
      }
      %parallel_loop3A_302 = arith.constant 0 : i32
      %parallel_loop3A_303 = arith.constant 64 : i32
      %parallel_loop3A_304 = arith.constant 1 : i32
      scf.for %parallel_loop3A_317 = %parallel_loop3A_302 to %parallel_loop3A_303 step %parallel_loop3A_304  : i32 {
        %parallel_loop3A_318 = arith.constant 4 : i32
        %parallel_loop3A_319 = arith.shrsi %parallel_loop3A_317, %parallel_loop3A_318 : i32
        %parallel_loop3A_320 = arith.constant 4 : i32
        %parallel_loop3A_321 = arith.shli %parallel_loop3A_319, %parallel_loop3A_320 : i32
        %parallel_loop3A_322 = vector.broadcast %parallel_loop3A_317 : i32 to vector<16xi32>
        %parallel_loop3A_323 = arith.addi %iota3A, %parallel_loop3A_322 : vector<16xi32>
        %parallel_loop3A_324 = arith.constant 15 : i32
        %parallel_loop3A_325 = vector.broadcast %parallel_loop3A_324 : i32 to vector<16xi32>
        %parallel_loop3A_326 = arith.andi %parallel_loop3A_323, %parallel_loop3A_325 : vector<16xi32>
        %parallel_loop3A_327 = vector.broadcast %parallel_loop3A_321 : i32 to vector<16xi32>
        %parallel_loop3A_328 = arith.addi %parallel_loop3A_327, %parallel_loop3A_326 : vector<16xi32>
        %parallel_loop3A_329 = arith.constant 3 : i32
        %parallel_loop3A_330 = vector.broadcast %parallel_loop3A_329 : i32 to vector<16xi32>
        %parallel_loop3A_331 = arith.shrsi %parallel_loop3A_328, %parallel_loop3A_330 : vector<16xi32>
        %parallel_loop3A_332 = arith.constant 7 : i32
        %parallel_loop3A_333 = vector.broadcast %parallel_loop3A_332 : i32 to vector<16xi32>
        %parallel_loop3A_334 = arith.andi %parallel_loop3A_328, %parallel_loop3A_333 : vector<16xi32>
        %parallel_loop3A_335 = arith.constant 0 : i32
        %parallel_loop3A_336 = vector.broadcast %parallel_loop3A_335 : i32 to vector<16xi32>
        %parallel_loop3A_337 = arith.addi %iota3A, %parallel_loop3A_336 : vector<16xi32>
        %parallel_loop3A_338 = tpu.vector_load_idx %arg14[%parallel_loop3A_337, %parallel_loop3A_328] : memref<128x64xf32, #tpu.memory_space<vmem>>[vector<16xi32>, vector<16xi32>], vector<16xf32>,
        tpu.vector_store_idx %arg16[%parallel_loop3A_331, %and3A_49, %parallel_loop3A_334, %parallel_loop3A_337], %parallel_loop3A_338 : memref<8x1x8x128xf32, #tpu.memory_space<vmem>>[vector<16xi32>, vector<16xi32>, vector<16xi32>, vector<16xi32>], vector<16xf32>,
        %parallel_loop3A_339 = arith.constant 16 : i32
        %parallel_loop3A_340 = vector.broadcast %parallel_loop3A_339 : i32 to vector<16xi32>
        %parallel_loop3A_341 = arith.addi %iota3A, %parallel_loop3A_340 : vector<16xi32>
        %parallel_loop3A_342 = tpu.vector_load_idx %arg14[%parallel_loop3A_341, %parallel_loop3A_328] : memref<128x64xf32, #tpu.memory_space<vmem>>[vector<16xi32>, vector<16xi32>], vector<16xf32>,
        tpu.vector_store_idx %arg16[%parallel_loop3A_331, %and3A_49, %parallel_loop3A_334, %parallel_loop3A_341], %parallel_loop3A_342 : memref<8x1x8x128xf32, #tpu.memory_space<vmem>>[vector<16xi32>, vector<16xi32>, vector<16xi32>, vector<16xi32>], vector<16xf32>,
        %parallel_loop3A_343 = arith.constant 32 : i32
        %parallel_loop3A_344 = vector.broadcast %parallel_loop3A_343 : i32 to vector<16xi32>
        %parallel_loop3A_345 = arith.addi %iota3A, %parallel_loop3A_344 : vector<16xi32>
        %parallel_loop3A_346 = tpu.vector_load_idx %arg14[%parallel_loop3A_345, %parallel_loop3A_328] : memref<128x64xf32, #tpu.memory_space<vmem>>[vector<16xi32>, vector<16xi32>], vector<16xf32>,
        tpu.vector_store_idx %arg16[%parallel_loop3A_331, %and3A_49, %parallel_loop3A_334, %parallel_loop3A_345], %parallel_loop3A_346 : memref<8x1x8x128xf32, #tpu.memory_space<vmem>>[vector<16xi32>, vector<16xi32>, vector<16xi32>, vector<16xi32>], vector<16xf32>,
        %parallel_loop3A_347 = arith.constant 48 : i32
        %parallel_loop3A_348 = vector.broadcast %parallel_loop3A_347 : i32 to vector<16xi32>
        %parallel_loop3A_349 = arith.addi %iota3A, %parallel_loop3A_348 : vector<16xi32>
        %parallel_loop3A_350 = tpu.vector_load_idx %arg14[%parallel_loop3A_349, %parallel_loop3A_328] : memref<128x64xf32, #tpu.memory_space<vmem>>[vector<16xi32>, vector<16xi32>], vector<16xf32>,
        tpu.vector_store_idx %arg16[%parallel_loop3A_331, %and3A_49, %parallel_loop3A_334, %parallel_loop3A_349], %parallel_loop3A_350 : memref<8x1x8x128xf32, #tpu.memory_space<vmem>>[vector<16xi32>, vector<16xi32>, vector<16xi32>, vector<16xi32>], vector<16xf32>,
        %parallel_loop3A_351 = arith.constant 64 : i32
        %parallel_loop3A_352 = vector.broadcast %parallel_loop3A_351 : i32 to vector<16xi32>
        %parallel_loop3A_353 = arith.addi %iota3A, %parallel_loop3A_352 : vector<16xi32>
        %parallel_loop3A_354 = tpu.vector_load_idx %arg14[%parallel_loop3A_353, %parallel_loop3A_328] : memref<128x64xf32, #tpu.memory_space<vmem>>[vector<16xi32>, vector<16xi32>], vector<16xf32>,
        tpu.vector_store_idx %arg16[%parallel_loop3A_331, %and3A_49, %parallel_loop3A_334, %parallel_loop3A_353], %parallel_loop3A_354 : memref<8x1x8x128xf32, #tpu.memory_space<vmem>>[vector<16xi32>, vector<16xi32>, vector<16xi32>, vector<16xi32>], vector<16xf32>,
        %parallel_loop3A_355 = arith.constant 80 : i32
        %parallel_loop3A_356 = vector.broadcast %parallel_loop3A_355 : i32 to vector<16xi32>
        %parallel_loop3A_357 = arith.addi %iota3A, %parallel_loop3A_356 : vector<16xi32>
        %parallel_loop3A_358 = tpu.vector_load_idx %arg14[%parallel_loop3A_357, %parallel_loop3A_328] : memref<128x64xf32, #tpu.memory_space<vmem>>[vector<16xi32>, vector<16xi32>], vector<16xf32>,
        tpu.vector_store_idx %arg16[%parallel_loop3A_331, %and3A_49, %parallel_loop3A_334, %parallel_loop3A_357], %parallel_loop3A_358 : memref<8x1x8x128xf32, #tpu.memory_space<vmem>>[vector<16xi32>, vector<16xi32>, vector<16xi32>, vector<16xi32>], vector<16xf32>,
        %parallel_loop3A_359 = arith.constant 96 : i32
        %parallel_loop3A_360 = vector.broadcast %parallel_loop3A_359 : i32 to vector<16xi32>
        %parallel_loop3A_361 = arith.addi %iota3A, %parallel_loop3A_360 : vector<16xi32>
        %parallel_loop3A_362 = tpu.vector_load_idx %arg14[%parallel_loop3A_361, %parallel_loop3A_328] : memref<128x64xf32, #tpu.memory_space<vmem>>[vector<16xi32>, vector<16xi32>], vector<16xf32>,
        tpu.vector_store_idx %arg16[%parallel_loop3A_331, %and3A_49, %parallel_loop3A_334, %parallel_loop3A_361], %parallel_loop3A_362 : memref<8x1x8x128xf32, #tpu.memory_space<vmem>>[vector<16xi32>, vector<16xi32>, vector<16xi32>, vector<16xi32>], vector<16xf32>,
        %parallel_loop3A_363 = arith.constant 112 : i32
        %parallel_loop3A_364 = vector.broadcast %parallel_loop3A_363 : i32 to vector<16xi32>
        %parallel_loop3A_365 = arith.addi %iota3A, %parallel_loop3A_364 : vector<16xi32>
        %parallel_loop3A_366 = tpu.vector_load_idx %arg14[%parallel_loop3A_365, %parallel_loop3A_328] : memref<128x64xf32, #tpu.memory_space<vmem>>[vector<16xi32>, vector<16xi32>], vector<16xf32>,
        tpu.vector_store_idx %arg16[%parallel_loop3A_331, %and3A_49, %parallel_loop3A_334, %parallel_loop3A_365], %parallel_loop3A_366 : memref<8x1x8x128xf32, #tpu.memory_space<vmem>>[vector<16xi32>, vector<16xi32>, vector<16xi32>, vector<16xi32>], vector<16xf32>,
      } {sc.loop_unroll_factor = 2 : i64, sc.parallel_access}
      %add3A_305 = arith.constant 3 : i32
      %add3A_306 = arith.addi %add3A_129, %add3A_305 : i32
      %dma_start3A_307 = arith.constant 0 : i32
      %dma_start3A_308 = arith.constant 0 : i32
      %dma_start3A_309 = arith.constant 0 : i32
      %dma_start3A_310 = tpu.memref_slice %arg4[%add3A_306, %dma_start3A_307, %add3A, %dma_start3A_308, %dma_start3A_309] : memref<200x8x32x8x128xf32, #tpu.memory_space<hbm>> -> memref<1x8x1x8x128xf32, #tpu.memory_space<hbm>>
      %dma_start3A_311 = tpu.memref_squeeze %dma_start3A_310 : memref<1x8x1x8x128xf32, #tpu.memory_space<hbm>> -> memref<8x1x8x128xf32, #tpu.memory_space<hbm>>
      %dma_start3A_312 = arith.constant 0 : i32
      %dma_start3A_313 = arith.constant 0 : i32
      %dma_start3A_314 = arith.constant 0 : i32
      %dma_start3A_315 = tpu.memref_slice %arg4[%add3A_306, %dma_start3A_312, %add3A, %dma_start3A_313, %dma_start3A_314] : memref<200x8x32x8x128xf32, #tpu.memory_space<hbm>> -> memref<1x8x1x8x128xf32, #tpu.memory_space<hbm>>
      %dma_start3A_316 = tpu.memref_squeeze %dma_start3A_315 : memref<1x8x1x8x128xf32, #tpu.memory_space<hbm>> -> memref<8x1x8x128xf32, #tpu.memory_space<hbm>>
      tpu.enqueue_dma source(%arg16 : memref<8x1x8x128xf32, #tpu.memory_space<vmem>>) target(%dma_start3A_316 : memref<8x1x8x128xf32, #tpu.memory_space<hbm>>) target_semaphore(%arg20 : memref<!tpu.dma_semaphore, #tpu.memory_space<semaphore_mem>>)
    }
    %scan3A_102 = arith.constant 50 : i32
    %dma_wait3A_103 = arith.constant 198 : i32
    %dma_wait3A_104 = arith.constant 0 : i32
    %dma_wait3A_105 = arith.constant 0 : i32
    %dma_wait3A_106 = arith.constant 0 : i32
    %dma_wait3A_107 = tpu.memref_slice %arg4[%dma_wait3A_103, %dma_wait3A_104, %add3A, %dma_wait3A_105, %dma_wait3A_106] : memref<200x8x32x8x128xf32, #tpu.memory_space<hbm>> -> memref<1x8x1x8x128xf32, #tpu.memory_space<hbm>>
    %dma_wait3A_108 = tpu.memref_squeeze %dma_wait3A_107 : memref<1x8x1x8x128xf32, #tpu.memory_space<hbm>> -> memref<8x1x8x128xf32, #tpu.memory_space<hbm>>
    %dma_wait3A_109 = arith.constant 0 : i32
    %dma_wait3A_110 = arith.constant 0 : i32
    %dma_wait3A_111 = arith.constant 0 : i32
    %dma_wait3A_112 = tpu.memref_slice %arg4[%dma_wait3A_103, %dma_wait3A_109, %add3A, %dma_wait3A_110, %dma_wait3A_111] : memref<200x8x32x8x128xf32, #tpu.memory_space<hbm>> -> memref<1x8x1x8x128xf32, #tpu.memory_space<hbm>>
    %dma_wait3A_113 = tpu.memref_squeeze %dma_wait3A_112 : memref<1x8x1x8x128xf32, #tpu.memory_space<hbm>> -> memref<8x1x8x128xf32, #tpu.memory_space<hbm>>
    tpu.wait_dma2 semaphore(%arg19 : memref<!tpu.dma_semaphore, #tpu.memory_space<semaphore_mem>>) src(%arg15 : memref<8x1x8x128xf32, #tpu.memory_space<vmem>>) dst(%dma_wait3A_113 : memref<8x1x8x128xf32, #tpu.memory_space<hbm>>)
    %dma_wait3A_114 = arith.constant 199 : i32
    %dma_wait3A_115 = arith.constant 0 : i32
    %dma_wait3A_116 = arith.constant 0 : i32
    %dma_wait3A_117 = arith.constant 0 : i32
    %dma_wait3A_118 = tpu.memref_slice %arg4[%dma_wait3A_114, %dma_wait3A_115, %add3A, %dma_wait3A_116, %dma_wait3A_117] : memref<200x8x32x8x128xf32, #tpu.memory_space<hbm>> -> memref<1x8x1x8x128xf32, #tpu.memory_space<hbm>>
    %dma_wait3A_119 = tpu.memref_squeeze %dma_wait3A_118 : memref<1x8x1x8x128xf32, #tpu.memory_space<hbm>> -> memref<8x1x8x128xf32, #tpu.memory_space<hbm>>
    %dma_wait3A_120 = arith.constant 0 : i32
    %dma_wait3A_121 = arith.constant 0 : i32
    %dma_wait3A_122 = arith.constant 0 : i32
    %dma_wait3A_123 = tpu.memref_slice %arg4[%dma_wait3A_114, %dma_wait3A_120, %add3A, %dma_wait3A_121, %dma_wait3A_122] : memref<200x8x32x8x128xf32, #tpu.memory_space<hbm>> -> memref<1x8x1x8x128xf32, #tpu.memory_space<hbm>>
    %dma_wait3A_124 = tpu.memref_squeeze %dma_wait3A_123 : memref<1x8x1x8x128xf32, #tpu.memory_space<hbm>> -> memref<8x1x8x128xf32, #tpu.memory_space<hbm>>
    tpu.wait_dma2 semaphore(%arg20 : memref<!tpu.dma_semaphore, #tpu.memory_space<semaphore_mem>>) src(%arg16 : memref<8x1x8x128xf32, #tpu.memory_space<vmem>>) dst(%dma_wait3A_124 : memref<8x1x8x128xf32, #tpu.memory_space<hbm>>)
    return
  }
}

</mosaic_0001>

<sc_bundles>
// kernel: kernel.4.cloned.1.call-start
scs
__scs_entry_jumppad:
0x0: {  	(pc) =	sbr.rel $0x88, $3  }
0x1: {  	(tag) =	ssettag $0x0;
	lr =	simm.s32 $0x1  }
0x2: {  	[smem:$0x3F9F] =	sst lr;
	_ =	strace $0xD0000000  }
0x3: {  	_ = 	snop  }
0x4: {  	_ = 	snop  }
0x5: {  	_ = 	snop  }
0x6: {  	_ = 	snop  }
0x7: {  	_ = 	snop  }
__scs_overlays_trampoline_lowered:
0x8: {  	[smem:$0x3FAE] =	sst s0  }
0x9: {  	[smem:$0x3FAF] =	sst s1  }
0xa: {  	[smem:$0x3FB0] =	sst s2  }
0xb: {  	[smem:$0x3FB1] =	sst s3  }
0xc: {  	[smem:$0x3FB2] =	sst s4  }
0xd: {  	[smem:$0x3FB3] =	sst s5  }
0xe: {  	[smem:$0x3FB4] =	sst s6  }
0xf: {  	[smem:$0x3FB5] =	sst s7  }
0x10: {  	[smem:$0x3FB6] =	sst s8  }
0x11: {  	[smem:$0x3FB7] =	sst s9;
	s0 =	simm.s32 @!p0 $0x0  }
0x12: {  	s1 =	sld [smem:$0x3F9D];
	s0 =	simm.s32 @p0 $0x1  }
0x13: {  	[smem:$0x3FB8] =	sst s0;
	s0 =	simm.s32 @!p1 $0x0  }
0x14: {  	s2 =	sld [smem:$0x3F9C];
	s0 =	simm.s32 @p1 $0x1  }
0x15: {  	[smem:$0x3FB9] =	sst s0;
	s0 =	simm.s32 @!p2 $0x0  }
0x16: {  	s3 =	sld [smem:$0x3FDB];
	s0 =	simm.s32 @p2 $0x1  }
0x17: {  	s4 =	simm.s32 $0x1BF5;
	[smem:$0x3FBB] =	sst s0  }
0x18: {  	s0 =	sld [smem:$0x3F9E];
	_ =	swait.ge [sflag:s4], $0x0  }
0x19: {  	s7 =	sld [smem:$0x3F9F]  }
0x1a: {  	s8 =	sadd.s32 $0xFFFFE003, lr  }
0x1b: {  	s9 =	sadd.s32 $0xFFFFFEF7, lr;
	s5 =	simm.s32 $0xFFFFFFFF;
	p2 =	slt.u32 s8, $0xFFFFF086  }
0x1c: {  	p1 =	slt.u32 s9, $0xF7A;
	s5 =	simm.s32 @!p2 $0x0  }
0x1d: {  	s5 =	simm.s32 @p1 $0x1;
	p0 =	seq.s32 s7, s2  }
0x1e: {  	s7 =	smul.u32 @!p0 $0xF7A, s2;
	p2 =	seq.s32 @!p0 s5, $0x0  }
0x1f: {  	s9 =	smul.u32 $0xF7A, s1;
	s8 =	simm.s32 @!p0 $0x1BF5;
	p2 =	por !p2, p0  }
0x20: {  	[sflag:s8] =	ssyncset.s32 @!p0 $0xFFFFF086;
	s6 =	sadd.s32 @!p0 s3, s7;
	s7 =	simm.s32 @!p0 $0x108  }
0x21: {  	s3 =	sadd.s32 s3, s9;
	s6 =	sadd.s32 @!p0 $0x88, s6;
	s7 =	simm.s32 @p2 $0x1082  }
0x22: {  	[simem:s7], [sflag:s8] =	dma.local @!p0 [hbm:s6], $0xF7A  }
0x23: {  	s9 =	sor.u32 $0xD0000000, s2;
	s6 =	simm.s32 $0x108;
	_ =	swait.ge @!p0 [sflag:s8], $0x0  }
0x24: {  	s3 =	sadd.s32 $0x88, s3;
	s6 =	simm.s32 @!p1 $0x1082;
	[sflag:s4] =	ssyncset.s32 $0xFFFFF086  }
0x25: {  	[simem:s6], [sflag:s4] =	dma.local [hbm:s3], $0xF7A  }
0x26: {  	[smem:$0x3F9F] =	sst s1;
	(tag) =	ssettag s2;
	_ =	strace s9  }
0x27: {  	s1 =	sld [smem:$0x3FAF]  }
0x28: {  	s2 =	sld [smem:$0x3FB0]  }
0x29: {  	s4 =	sld [smem:$0x3FB2]  }
0x2a: {  	p0 =	seq.s32 s5, $0x0;
	s5 =	sld [smem:$0x3FB3]  }
0x2b: {  	s6 =	sld [smem:$0x3FB4]  }
0x2c: {  	s7 =	sld [smem:$0x3FB5]  }
0x2d: {  	s3 =	simm.s32 $0x108;
	s8 =	sld [smem:$0x3FB6]  }
0x2e: {  	s3 =	simm.s32 @!p0 $0x1082;
	s9 =	sld [smem:$0x3FB7]  }
0x2f: {  	lr =	sadd.s32 s0, s3;
	s0 =	sld [smem:$0x3FAE]  }
0x30: {  	s3 =	sld [smem:$0x3FB1]  }
0x31: {  	[smem:$0x3FBA] =	sst s10  }
0x32: {  	s10 =	sld [smem:$0x3FB8];
	_ =	sdelay $0x3  }
0x33: {  	p0 =	seq.s32 s10, $0x1;
	s10 =	sld [smem:$0x3FBA];
	_ =	sdelay $0x3  }
0x34: {  	[smem:$0x3FBA] =	sst s10  }
0x35: {  	s10 =	sld [smem:$0x3FB9];
	_ =	sdelay $0x3  }
0x36: {  	p1 =	seq.s32 s10, $0x1;
	s10 =	sld [smem:$0x3FBA];
	_ =	sdelay $0x3  }
0x37: {  	[smem:$0x3FBA] =	sst s10  }
0x38: {  	s10 =	sld [smem:$0x3FBB]  }
0x39: {  	_ = 	snop;
	(pc) =	sbr.ind lr, $3  }
0x3a: {  	_ = 	snop  }
0x3b: {  	_ = 	snop  }
0x3c: {  	p2 =	seq.s32 s10, $0x1;
	s10 =	sld [smem:$0x3FBA]  }
0x3d: {  	_ =	shalt  }
0x3e: {  	_ =	shalt  }
0x3f: {  	_ =	shalt  }
0x40: {  	_ =	shalt  }
0x41: {  	_ =	shalt  }
0x42: {  	_ =	shalt  }
0x43: {  	_ =	shalt  }
0x44: {  	_ =	shalt  }
0x45: {  	_ =	shalt  }
0x46: {  	_ =	shalt  }
0x47: {  	_ =	shalt  }
0x48: {  	_ =	shalt  }
0x49: {  	_ =	shalt  }
0x4a: {  	_ =	shalt  }
0x4b: {  	_ =	shalt  }
0x4c: {  	_ =	shalt  }
0x4d: {  	_ =	shalt  }
0x4e: {  	_ =	shalt  }
0x4f: {  	_ =	shalt  }
0x50: {  	_ =	shalt  }
0x51: {  	_ =	shalt  }
0x52: {  	_ =	shalt  }
0x53: {  	_ =	shalt  }
0x54: {  	_ =	shalt  }
0x55: {  	_ =	shalt  }
0x56: {  	_ =	shalt  }
0x57: {  	_ =	shalt  }
0x58: {  	_ =	shalt  }
0x59: {  	_ =	shalt  }
0x5a: {  	_ =	shalt  }
0x5b: {  	_ =	shalt  }
0x5c: {  	_ =	shalt  }
0x5d: {  	_ =	shalt  }
0x5e: {  	_ =	shalt  }
0x5f: {  	_ =	shalt  }
0x60: {  	_ =	shalt  }
0x61: {  	_ =	shalt  }
0x62: {  	_ =	shalt  }
0x63: {  	_ =	shalt  }
0x64: {  	_ =	shalt  }
0x65: {  	_ =	shalt  }
0x66: {  	_ =	shalt  }
0x67: {  	_ =	shalt  }
0x68: {  	_ =	shalt  }
0x69: {  	_ =	shalt  }
0x6a: {  	_ =	shalt  }
0x6b: {  	_ =	shalt  }
0x6c: {  	_ =	shalt  }
0x6d: {  	_ =	shalt  }
0x6e: {  	_ =	shalt  }
0x6f: {  	_ =	shalt  }
0x70: {  	_ =	shalt  }
0x71: {  	_ =	shalt  }
0x72: {  	_ =	shalt  }
0x73: {  	_ =	shalt  }
0x74: {  	_ =	shalt  }
0x75: {  	_ =	shalt  }
0x76: {  	_ =	shalt  }
0x77: {  	_ =	shalt  }
0x78: {  	_ =	shalt  }
0x79: {  	_ =	shalt  }
0x7a: {  	_ =	shalt  }
0x7b: {  	_ =	shalt  }
0x7c: {  	_ =	shalt  }
0x7d: {  	_ =	shalt  }
0x7e: {  	_ =	shalt  }
0x7f: {  	_ =	shalt  }
0x80: {  	_ =	shalt  }
0x81: {  	_ =	shalt  }
0x82: {  	_ =	shalt  }
0x83: {  	_ =	shalt  }
0x84: {  	_ =	shalt  }
0x85: {  	_ =	shalt  }
0x86: {  	_ =	shalt  }
0x87: {  	_ =	shalt  }
.Lfunc_end0:
.L_simem_size_0:
called_computation_lowered:
.L_overlay_start_0:
0x88: {  	s2 =	sld [smem:$0x3FD9]  }
0x89: {  	s3 =	sld [smem:$0x3FFE];
	_ =	sdelay $0x1  }
0x8a: {  	s1 =	srdreg.scid  }
0x8b: {  	s0 =	sand.u32 $0x1, s1  }
0x8c: {  	s17 =	sshll.u32 s0, $0xA;
	s2 =	sadd.s32 s3, s2  }
0x8d: {  	s2 =	sadd.s32 s2, s17  }
0x8e: {  	[smem:$0x3FC6] =	sst s2  }
0x8f: {  	_ = 	snop  }
0x90: {  	s2 =	sld [smem:$0x3FC8];
	(tm) =	ssettm $0x1  }
0x91: {  	s18 =	sld [smem:$0x3FFB];
	_ =	sdelay $0x3  }
0x92: {  	_ =	strace s18  }
0x93: {  	s3 =	sld [smem:$0x3FFC];
	_ =	sdelay $0x3  }
0x94: {  	_ =	strace s3  }
0x95: {  	s3 =	sld [smem:$0x3FFD];
	_ =	sdelay $0x3  }
0x96: {  	_ =	strace s3  }
0x97: {  	_ =	strace $0x8FFFFFFF  }
0x98: {  	s19 =	sld [smem:$0x3FDB];
	_ =	sdelay $0x1  }
0x99: {  	s4 =	simm.s32 $_scs_section_size  }
0x9a: {  	s5 =	simm.s32 $_size__tile_overlayer_lowered;
	s6 =	simm.s32 $_tile_overlayer_lowered  }
0x9b: {  	s22 =	simm.s32 $0x1BFF;
	s21 =	sshll.u32 s6, $0x1;
	s3 =	sadd.s32 s4, s19  }
0x9c: {  	s7 =	simm.s32 $0x0;
	s20 =	sshll.u32 s5, $0x1;
	s5 =	sadd.s32 s21, s3  }
0x9d: {  	[timem:s7], [sflag:s22] =	dma.local [hbm:s5], s20  }
0x9e: {  	_ =	swait.ge [sflag:s22], s20  }
0x9f: {  	s4 =	ssub.s32 $0x0, s20;
	[sflag:s22] =	ssyncset.done $0x0  }
0xa0: {  	[sflag:s22] =	ssyncadd.s32 s4;
	_ =	sdelay $0x1  }
0xa1: {  	s23 =	simm.s32 $0x1B8B  }
0xa2: {  	_ =	swait.ge [sflag:s23], $0x1  }
0xa3: {  	[sflag:s23] =	ssyncset.done $0x0  }
0xa4: {  	s25 =	simm.s32 $0x1B8E;
	s24 =	sld [smem:$0x3FFE];
	[sflag:s23] =	ssyncadd.s32 $0xFFFFFFFF  }
0xa5: {  	s26 =	simm.s32 $execute0_lowered;
	[smem:$0x3FD2] =	sst s25  }
0xa6: {  	s5 =	sshll.u32 s26, $0x1;
	_ =	strace $0x80000046;
	[dreg:$0x1] =	wrdreg $0xFFFFFFFF  }
0xa7: {  	s28 =	simm.s32 $_size_execute0_lowered;
	s3 =	sadd.s32 s3, s5;
	[dreg:$0x0] =	wrdreg $0x0  }
0xa8: {  	s5 =	sshll.u32 s28, $0x1;
	[dreg:$0x2] =	wrdreg s3  }
0xa9: {  	[dreg:$0x3] =	wrdreg s5  }
0xaa: {  	[dreg:$0x4] =	wrdreg $0xC0  }
0xab: {  	_ =	task [dreg:s7], $0x5FFFF  }
0xac: {  	[dreg:$0x1] =	wrdreg $0xFFFFFFFF  }
0xad: {  	[dreg:$0x0] =	wrdreg $0x60  }
0xae: {  	[dreg:$0x2] =	wrdreg s2  }
0xaf: {  	[dreg:$0x3] =	wrdreg s24  }
0xb0: {  	[dreg:$0x4] =	wrdreg $0x9  }
0xb1: {  	_ =	task.clear_ibuf [dreg:s7], $0x5FFFF;
	_ =	strace $0x90000046  }
0xb2: {  	s29 =	simm.s32 $0x9;
	_ =	strace $0x80000048  }
0xb3: {  	_ =	swait.ge [sflag:s29], $0x1  }
0xb4: {  	[sflag:s29] =	ssyncadd.s32 $0xFFFFFFFF  }
0xb5: {  	_ =	strace $0x90000048  }
0xb6: {  	_ =	sfence  }
0xb7: {  	s30 =	sld [smem:$0x0];
	_ =	sdelay $0x2  }
0xb8: {  	s31 =	sshll.u32 s1, $0xD;
	s1 =	sshrl.u32 s1, $0x2  }
0xb9: {  	s3 =	sand.u32 $0x4000, s31;
	s1 =	sadd.s32 s1, s30  }
0xba: {  	s0 =	sor.u32 s3, s0;
	s1 =	sshll.u32 s1, $0x11  }
0xbb: {  	s0 =	sor.u32 s1, s0  }
0xbc: {  	s0 =	sadd.s32 $0x8F2B, s0  }
0xbd: {  	[sflag:s0] =	ssyncadd.remote.s32 $0x1  }
0xbe: {  	_ =	sfence.sel $0xFFFF  }
0xbf: {  	[dreg:$0x0] =	wrdreg $0xFFFFFFFF;
	(pc) =	sbr.abs _section_cstart, $3  }
0xc0: {  	[dreg:$0x1] =	wrdreg $0xFFFFFFFF  }
0xc1: {  	_ =	task.clear_ibuf [dreg:s7], $0x2FFFF;
	_ =	strace $0x9FFFFFFF  }
0xc2: {  	(tm) =	ssettm $0x7FFFFFFF  }
0xc3: {  	_ =	shalt  }
tec
execute0_lowered:
.L_overlay_start_1:
0x0: {  	(tag) =	ssettag $0x1  }
0x1: {  	s1 =	rddreg [dreg:$0x0]  }
0x2: {  	s10 =	rddreg [dreg:$0x1]  }
0x3: {  	s0 =	rddreg [dreg:$0x2]  }
0x4: {  	s3 =	simm.s32 $0x0;
	s4 =	srdreg.scid;
	s2 =	stileid.u32  }
0x5: {  	s12 =	simm.s32 $0x400;
	s13 =	simm.s32 $0x7A1400;
	s14 =	simm.s32 $0x2000  }
0x6: {  	s15 =	simm.s32 $0x1;
	s16 =	simm.s32 $0x4000;
	s17 =	simm.s32 $0x2  }
0x7: {  	s18 =	simm.s32 $0x6000;
	s19 =	simm.s32 $0x3;
	s20 =	simm.s32 $0x4  }
0x8: {  	s21 =	simm.s32 $0x5;
	s22 =	simm.s32 $0x0;
	[smem:$0x7FF] =	sst s3  }
0x9: {  	s5 =	sand.u32 $0x1, s4;
	s7 =	sshll.u32 s2, $0x1;
	s4 =	sadd.s32 $0xA00, s10  }
0xa: {  	s10 =	sadd.s32 $0x7A1A00, s10;
	_ =	strace $0x80000047;
	s6 =	ssub.s32 $0x2, s5  }
.Ltmp0:
0xb: {  	s5 =	sor.u32 s5, s7;
	s8 =	sshrl.u32 s6, $0x1;
	(pc) =	sbr.rel .LBB2_1-.Ltmp0, $4  }
0xc: {  	v0 =	vlaneseq.u32;
	s30 =	sshll.u32 s5, $0x7;
	s7 =	sor.u32 $0x1E80, s5;
	p0 =	sgt.u32 s5, $0x4  }
0xd: {  	v1 =	vmul.u32 $0x80, v0;
	p1 =	seq.s32 s5, $0x4;
	s11 =	ssub.s32 s6, s8;
	s6 =	sadd.s32 s1, s30  }
0xe: {  	v3 =	vor.u32 $0x10, v0;
	v5 =	vor.u32 $0x20, v0;
	v7 =	vor.u32 $0x30, v0;
	s31 =	sshll.u32 s7, $0x7;
	s9 =	sshll.u32 s7, $0xA;
	s7 =	sadd.s32 $0x2000, s1  }
0xf: {  	v2 =	vor.u32 $0x800, v1;
	v4 =	vor.u32 $0x1000, v1;
	v6 =	vor.u32 $0x1800, v1;
	s8 =	sadd.s32 s1, s31;
	s9 =	sadd.s32 s4, s9;
	s11 =	smax.u32 s11, $0x1  }
.LBB2_11:
0x10: {  	s22 =	sadd.s32 $0x1, s22  }
0x11: {  	p2 =	sne.s32 s22, s11  }
.Ltmp1:
0x12: {  	_ = 	snop;
	(pc) =	sbr.rel @!p2 .LBB2_12-.Ltmp1, $1  }
0x13: {  	_ =	sdelay $0x3  }
.LBB2_1:
0x14: {  	[tilespmem:s3], [sflag:$0x1] =	stream.strided.gather [hbm4b:s6+s12], $0x2000, s13, s12, $0x38;
	[tilespmem:$0x8000] =	vst v63  }
0x15: {  	s23 =	simm.s32 $0x0  }
.LBB2_2:
0x16: {  	s24 =	sshll.u32 s23, $0x6  }
0x17: {  	s26 =	simm.s32 $0x1;
	s25 =	sor.u32 s5, s24  }
0x18: {  	s28 =	simm.s32 $0x0;
	v8 =	vadd.s32 s26, v0;
	s24 =	sor.u32 $0x20, s25  }
0x19: {  	s29 =	sand.u32 $0x70, s28;
	v8 =	vand.u32 $0xF, v8;
	s31 =	sshll.u32 s24, $0x7  }
0x1a: {  	v11 =	vor.u32 s29, v8;
	v8 =	vadd.s32 s28, v0;
	s26 =	sand.u32 $0x1FFFFF80, s31  }
0x1b: {  	v9 =	vor.u32 v1, v11;
	v8 =	vand.u32 $0xF, v8;
	s26 =	sadd.s32 s1, s26  }
0x1c: {  	v8 =	vor.u32 s29, v8;
	[tilespmem:s14], [sflag:$0x2] =	stream.strided.gather [hbm4b:s26+s12], $0x2000, s13, s12, $0x38;
	[tilespmem:$0x8000] =	vst v63  }
0x1d: {  	v10 =	vor.u32 v1, v8;
	_ =	swait.ge [sflag:s15], $0x2000  }
0x1e: {  	[sflag:s15] =	ssyncset.done $0x0  }
0x1f: {  	v21 =	vshll.u32 v11, $0x6;
	[sflag:s15] =	ssyncadd.s32 $0xFFFFE000  }
0x20: {  	v13 =	vor.u32 v0, v21;
	v12 =	vld.idx.msk [tilespmem:v9+s3+$0x0], $0xffff  }
0x21: {  	s30 =	simm.s32 $0x3;
	s28 =	simm.s32 $0x2;
	v15 =	vor.u32 v2, v11;
	v14 =	vshll.u32 v8, $0x6  }
0x22: {  	v18 =	vadd.s32 s28, v0;
	v16 =	vor.u32 v0, v14;
	v9 =	vadd.s32 s30, v0;
	v10 =	vld.idx.msk [tilespmem:v10+s3+$0x0], $0xffff  }
0x23: {  	s31 =	sand.u32 $0x70, s28;
	v27 =	vor.u32 v4, v11;
	v17 =	vor.u32 v2, v8;
	v9 =	vand.u32 $0xF, v9  }
0x24: {  	v33 =	vor.u32 v6, v11;
	v18 =	vand.u32 $0xF, v18;
	v9 =	vor.u32 s31, v9  }
0x25: {  	v25 =	vor.u32 v3, v21;
	v18 =	vor.u32 s31, v18;
	v23 =	vor.u32 v1, v9;
	[tilespmem:v13+s16+$0x0] =	vst.idx.msk $0xffff, v12  }
0x26: {  	v22 =	vor.u32 v4, v8;
	v34 =	vor.u32 v6, v8;
	v13 =	vor.u32 v1, v18;
	v15 =	vld.idx.msk [tilespmem:v15+s3+$0x0], $0xffff  }
0x27: {  	v20 =	vor.u32 v3, v14;
	v24 =	vor.u32 v5, v14;
	[tilespmem:v16+s16+$0x0] =	vst.idx.msk $0xffff, v10  }
0x28: {  	v26 =	vshll.u32 v18, $0x6;
	v8 =	vor.u32 v7, v14;
	v29 =	vor.u32 v2, v18;
	v17 =	vld.idx.msk [tilespmem:v17+s3+$0x0], $0xffff  }
0x29: {  	v14 =	vor.u32 v4, v18;
	v28 =	vor.u32 v0, v26;
	v10 =	vshll.u32 v9, $0x6  }
0x2a: {  	v19 =	vor.u32 v3, v26;
	v11 =	vor.u32 v7, v26;
	s30 =	simm.s32 $0x5;
	v30 =	vor.u32 v0, v10;
	v23 =	vld.idx.msk [tilespmem:v23+s3+$0x0], $0xffff  }
0x2b: {  	s28 =	simm.s32 $0x4;
	v32 =	vor.u32 v2, v9;
	v31 =	vld.idx.msk [tilespmem:v13+s3+$0x0], $0xffff;
	v13 =	vadd.s32 s30, v0;
	[tilespmem:v25+s16+$0x0] =	vst.idx.msk $0xffff, v15  }
0x2c: {  	s31 =	sand.u32 $0x70, s28;
	v15 =	vadd.s32 s28, v0;
	v13 =	vand.u32 $0xF, v13;
	v25 =	vld.idx.msk [tilespmem:v27+s3+$0x0], $0xffff;
	v27 =	vor.u32 v5, v21  }
0x2d: {  	v12 =	vor.u32 v5, v26;
	v15 =	vand.u32 $0xF, v15;
	v16 =	vor.u32 s31, v13;
	[tilespmem:v20+s16+$0x0] =	vst.idx.msk $0xffff, v17  }
0x2e: {  	v39 =	vor.u32 v3, v10;
	v15 =	vor.u32 s31, v15;
	v35 =	vor.u32 v1, v16;
	v36 =	vld.idx.msk [tilespmem:v22+s3+$0x0], $0xffff  }
0x2f: {  	v13 =	vor.u32 v6, v18;
	[tilespmem:v30+s16+$0x0] =	vst.idx.msk $0xffff, v23;
	v37 =	vor.u32 v1, v15  }
0x30: {  	v30 =	vshll.u32 v15, $0x6;
	v38 =	vld.idx.msk [tilespmem:v32+s3+$0x0], $0xffff;
	v22 =	vor.u32 v2, v15;
	[tilespmem:v28+s16+$0x0] =	vst.idx.msk $0xffff, v31  }
0x31: {  	v23 =	vor.u32 v4, v15;
	v31 =	vor.u32 v4, v9;
	v29 =	vld.idx.msk [tilespmem:v29+s3+$0x0], $0xffff;
	[tilespmem:v27+s16+$0x0] =	vst.idx.msk $0xffff, v25  }
0x32: {  	v17 =	vor.u32 v6, v15;
	v20 =	vor.u32 v0, v30;
	v18 =	vor.u32 v5, v30;
	v26 =	vld.idx.msk [tilespmem:v33+s3+$0x0], $0xffff  }
0x33: {  	v27 =	vor.u32 v7, v21;
	v28 =	vld.idx.msk [tilespmem:v35+s3+$0x0], $0xffff;
	[tilespmem:v24+s16+$0x0] =	vst.idx.msk $0xffff, v36;
	v24 =	vshll.u32 v16, $0x6  }
0x34: {  	v15 =	vor.u32 v7, v30;
	v25 =	vor.u32 v3, v30;
	v30 =	vld.idx.msk [tilespmem:v37+s3+$0x0], $0xffff;
	v32 =	vor.u32 v0, v24  }
0x35: {  	s29 =	simm.s32 $0x7;
	s26 =	simm.s32 $0x8;
	s28 =	simm.s32 $0x6;
	v33 =	vor.u32 v2, v16;
	[tilespmem:v39+s16+$0x0] =	vst.idx.msk $0xffff, v38;
	v21 =	vld.idx.msk [tilespmem:v34+s3+$0x0], $0xffff  }
.LBB2_3:
0x36: {  	p2 =	slt.u32 s26, $0x7E;
	v34 =	vadd.s32 s28, v0;
	v35 =	vadd.s32 s29, v0;
	[tilespmem:v19+s16+$0x0] =	vst.idx.msk $0xffff, v29;
	v36 =	vld.idx.msk [tilespmem:v31+s3+$0x0], $0xffff;
	v19 =	vmovc v25;
	v37 =	vmov v10  }
0x37: {  	s29 =	sand.u32 $0x70, s28;
	v10 =	vmovc v24;
	s28 =	smov.u32 s26;
	v25 =	vand.u32 $0xF, v34;
	v29 =	vand.u32 $0xF, v35;
	v34 =	vld.idx.msk [tilespmem:v14+s3+$0x0], $0xffff;
	v35 =	vor.u32 v5, v37;
	v14 =	vmovc v23  }
0x38: {  	v38 =	vor.u32 v6, v9;
	v9 =	vmovc v16;
	v24 =	vor.u32 s29, v25;
	[tilespmem:v27+s16+$0x0] =	vst.idx.msk $0xffff, v26;
	v16 =	vor.u32 s29, v29  }
0x39: {  	v26 =	vshll.u32 v24, $0x6;
	v39 =	vor.u32 v1, v24;
	v27 =	vor.u32 v1, v16;
	[tilespmem:v32+s16+$0x0] =	vst.idx.msk $0xffff, v28  }
0x3a: {  	v28 =	vor.u32 v2, v24;
	[tilespmem:v20+s16+$0x0] =	vst.idx.msk $0xffff, v30;
	v20 =	vor.u32 v0, v26;
	v40 =	vld.idx.msk [tilespmem:v33+s3+$0x0], $0xffff  }
0x3b: {  	v41 =	vor.u32 v3, v10;
	v23 =	vor.u32 v4, v24;
	v25 =	vor.u32 v3, v26;
	v29 =	vld.idx.msk [tilespmem:v22+s3+$0x0], $0xffff  }
.Ltmp2:
0x3c: {  	v31 =	vor.u32 v4, v9;
	v33 =	vor.u32 v5, v26;
	v22 =	vmov v28;
	[tilespmem:v35+s16+$0x0] =	vst.idx.msk $0xffff, v36;
	(pc) =	sbr.rel @p2 .LBB2_3-.Ltmp2, $4  }
0x3d: {  	v35 =	vor.u32 v6, v24;
	v36 =	vor.u32 v7, v26;
	[tilespmem:v12+s16+$0x0] =	vst.idx.msk $0xffff, v34;
	v26 =	vld.idx.msk [tilespmem:v38+s3+$0x0], $0xffff  }
0x3e: {  	v24 =	vshll.u32 v16, $0x6;
	v12 =	vmov v18;
	v28 =	vld.idx.msk [tilespmem:v27+s3+$0x0], $0xffff;
	v27 =	vor.u32 v7, v37;
	[tilespmem:v8+s16+$0x0] =	vst.idx.msk $0xffff, v21  }
0x3f: {  	v32 =	vor.u32 v0, v24;
	v18 =	vmovc v33;
	v8 =	vmovc v11;
	v11 =	vmov v15;
	v15 =	vmov v36;
	v30 =	vld.idx.msk [tilespmem:v39+s3+$0x0], $0xffff  }
0x40: {  	s26 =	sadd.s32 $0x2, s26;
	s29 =	sadd.s32 $0x1, s28;
	v33 =	vor.u32 v2, v16;
	[tilespmem:v41+s16+$0x0] =	vst.idx.msk $0xffff, v40;
	v21 =	vld.idx.msk [tilespmem:v13+s3+$0x0], $0xffff;
	v13 =	vmov v17;
	v17 =	vmov v35  }
0x41: {  	v34 =	vadd.s32 s29, v0  }
0x42: {  	v35 =	vadd.s32 s28, v0;
	s26 =	sand.u32 $0x70, s28;
	v34 =	vand.u32 $0xF, v34  }
0x43: {  	v35 =	vand.u32 $0xF, v35;
	v34 =	vor.u32 s26, v34  }
0x44: {  	v35 =	vor.u32 s26, v35;
	v36 =	vor.u32 v1, v34  }
0x45: {  	v37 =	vor.u32 v1, v35;
	_ =	sdelay $0x2  }
0x46: {  	v38 =	vshll.u32 v34, $0x6  }
0x47: {  	v39 =	vshll.u32 v35, $0x6;
	v40 =	vor.u32 v0, v38;
	v36 =	vld.idx.msk [tilespmem:v36+s3+$0x0], $0xffff  }
0x48: {  	[tilespmem:v19+s16+$0x0] =	vst.idx.msk $0xffff, v29;
	v42 =	vor.u32 v2, v34;
	v41 =	vor.u32 v0, v39;
	v37 =	vld.idx.msk [tilespmem:v37+s3+$0x0], $0xffff  }
0x49: {  	v14 =	vld.idx.msk [tilespmem:v14+s3+$0x0], $0xffff;
	v19 =	vor.u32 v2, v35  }
0x4a: {  	[tilespmem:v32+s16+$0x0] =	vst.idx.msk $0xffff, v28;
	v28 =	vld.idx.msk [tilespmem:v31+s3+$0x0], $0xffff  }
0x4b: {  	[tilespmem:v20+s16+$0x0] =	vst.idx.msk $0xffff, v30;
	v20 =	vld.idx.msk [tilespmem:v33+s3+$0x0], $0xffff;
	v30 =	vor.u32 v3, v24  }
0x4c: {  	v31 =	vor.u32 v4, v16;
	v22 =	vld.idx.msk [tilespmem:v22+s3+$0x0], $0xffff;
	[tilespmem:v40+s16+$0x0] =	vst.idx.msk $0xffff, v36  }
0x4d: {  	v54 =	vor.u32 v3, v38;
	[tilespmem:v41+s16+$0x0] =	vst.idx.msk $0xffff, v37;
	v53 =	vld.idx.msk [tilespmem:v42+s3+$0x0], $0xffff  }
0x4e: {  	[tilespmem:v27+s16+$0x0] =	vst.idx.msk $0xffff, v26;
	v27 =	vor.u32 v4, v34;
	v26 =	vor.u32 v3, v39;
	v19 =	vld.idx.msk [tilespmem:v19+s3+$0x0], $0xffff  }
0x4f: {  	v29 =	vor.u32 v5, v10;
	v55 =	vor.u32 v4, v35;
	[tilespmem:v12+s16+$0x0] =	vst.idx.msk $0xffff, v14  }
0x50: {  	v9 =	vor.u32 v6, v9;
	[tilespmem:v30+s16+$0x0] =	vst.idx.msk $0xffff, v20  }
0x51: {  	[tilespmem:v25+s16+$0x0] =	vst.idx.msk $0xffff, v22;
	v20 =	vld.idx.msk [tilespmem:v31+s3+$0x0], $0xffff;
	v22 =	vor.u32 v5, v24  }
0x52: {  	v16 =	vor.u32 v6, v16;
	v23 =	vld.idx.msk [tilespmem:v23+s3+$0x0], $0xffff;
	[tilespmem:v54+s16+$0x0] =	vst.idx.msk $0xffff, v53  }
0x53: {  	v25 =	vor.u32 v5, v38;
	[tilespmem:v26+s16+$0x0] =	vst.idx.msk $0xffff, v19;
	v19 =	vld.idx.msk [tilespmem:v27+s3+$0x0], $0xffff  }
0x54: {  	v14 =	vor.u32 v6, v34;
	[tilespmem:v29+s16+$0x0] =	vst.idx.msk $0xffff, v28;
	v26 =	vor.u32 v5, v39;
	v12 =	vld.idx.msk [tilespmem:v55+s3+$0x0], $0xffff  }
0x55: {  	v10 =	vor.u32 v7, v10;
	[tilespmem:v8+s16+$0x0] =	vst.idx.msk $0xffff, v21;
	v9 =	vld.idx.msk [tilespmem:v9+s3+$0x0], $0xffff;
	v27 =	vor.u32 v6, v35  }
0x56: {  	v8 =	vld.idx.msk [tilespmem:v13+s3+$0x0], $0xffff;
	[tilespmem:v22+s16+$0x0] =	vst.idx.msk $0xffff, v20  }
0x57: {  	[tilespmem:v18+s16+$0x0] =	vst.idx.msk $0xffff, v23;
	v13 =	vld.idx.msk [tilespmem:v16+s3+$0x0], $0xffff;
	v16 =	vor.u32 v7, v24  }
0x58: {  	v17 =	vld.idx.msk [tilespmem:v17+s3+$0x0], $0xffff;
	[tilespmem:v25+s16+$0x0] =	vst.idx.msk $0xffff, v19  }
0x59: {  	[tilespmem:v26+s16+$0x0] =	vst.idx.msk $0xffff, v12;
	v12 =	vld.idx.msk [tilespmem:v14+s3+$0x0], $0xffff;
	v14 =	vor.u32 v7, v38  }
0x5a: {  	[tilespmem:v10+s16+$0x0] =	vst.idx.msk $0xffff, v9;
	v18 =	vor.u32 v7, v39;
	v9 =	vld.idx.msk [tilespmem:v27+s3+$0x0], $0xffff  }
0x5b: {  	[tilespmem:v11+s16+$0x0] =	vst.idx.msk $0xffff, v8  }
0x5c: {  	[tilespmem:v16+s16+$0x0] =	vst.idx.msk $0xffff, v13  }
0x5d: {  	[tilespmem:v15+s16+$0x0] =	vst.idx.msk $0xffff, v17  }
0x5e: {  	p2 =	seq.s32 s23, $0x0;
	[tilespmem:v14+s16+$0x0] =	vst.idx.msk $0xffff, v12  }
0x5f: {  	s26 =	simm.s32 @!p2 $0x4;
	[tilespmem:v18+s16+$0x0] =	vst.idx.msk $0xffff, v9  }
0x60: {  	s28 =	sshll.u32 s25, $0xA;
	s30 =	simm.s32 $0x1;
	_ =	swait.ge @!p2 [sflag:s26], $0x2000  }
0x61: {  	s29 =	sadd.s32 s4, s28;
	s28 =	simm.s32 $0x0;
	[sflag:s26] =	ssyncset.done @!p2 $0x0  }
0x62: {  	s31 =	sand.u32 $0x70, s28;
	v8 =	vadd.s32 s30, v0;
	[sflag:s26] =	ssyncadd.s32 @!p2 $0xFFFFE000;
	p2 =	seq.s32 s23, $0x79  }
0x63: {  	v8 =	vand.u32 $0xF, v8;
	[hbm4b:s29+s3] =	stream.linear.scatter [tilespmem:s16], [sflag:$0x3], $0x2000, $0x38;
	[tilespmem:$0x8000] =	vst v63  }
0x64: {  	v11 =	vor.u32 s31, v8;
	v8 =	vadd.s32 s28, v0;
	s25 =	sshll.u32 @!p2 s25, $0x7;
	s29 =	simm.s32 @!p2 $0x400  }
0x65: {  	v8 =	vand.u32 $0xF, v8;
	v9 =	vor.u32 v1, v11;
	s30 =	simm.s32 @!p2 $0x7A1400;
	s28 =	simm.s32 @!p2 $0x0;
	s25 =	sadd.s32 @!p2 s25, s7  }
0x66: {  	v8 =	vor.u32 s31, v8;
	[tilespmem:s28], [sflag:$0x1] =	stream.strided.gather @!p2 [hbm4b:s25+s29], $0x2000, s30, s29, $0x38;
	[tilespmem:$0x8000] =	vst v63  }
0x67: {  	v10 =	vor.u32 v1, v8;
	_ =	swait.ge [sflag:s17], $0x2000  }
0x68: {  	[sflag:s17] =	ssyncset.done $0x0  }
0x69: {  	v21 =	vshll.u32 v11, $0x6;
	[sflag:s17] =	ssyncadd.s32 $0xFFFFE000  }
0x6a: {  	v13 =	vor.u32 v0, v21;
	v12 =	vld.idx.msk [tilespmem:v9+s14+$0x0], $0xffff  }
0x6b: {  	v15 =	vor.u32 v2, v11;
	v14 =	vshll.u32 v8, $0x6;
	s30 =	simm.s32 $0x3  }
0x6c: {  	s31 =	simm.s32 $0x2;
	v16 =	vor.u32 v0, v14;
	v9 =	vadd.s32 s30, v0;
	v10 =	vld.idx.msk [tilespmem:v10+s14+$0x0], $0xffff  }
0x6d: {  	v17 =	vor.u32 v2, v8;
	v18 =	vadd.s32 s31, v0;
	s26 =	sand.u32 $0x70, s31;
	v9 =	vand.u32 $0xF, v9  }
0x6e: {  	v18 =	vand.u32 $0xF, v18;
	v9 =	vor.u32 s26, v9  }
0x6f: {  	v18 =	vor.u32 s26, v18;
	v23 =	vor.u32 v1, v9;
	[tilespmem:v13+s18+$0x0] =	vst.idx.msk $0xffff, v12  }
0x70: {  	v58 =	vor.u32 v6, v11;
	v25 =	vor.u32 v3, v21;
	v13 =	vor.u32 v1, v18;
	v15 =	vld.idx.msk [tilespmem:v15+s14+$0x0], $0xffff  }
0x71: {  	v22 =	vor.u32 v4, v8;
	v27 =	vor.u32 v4, v11;
	[tilespmem:v16+s18+$0x0] =	vst.idx.msk $0xffff, v10  }
0x72: {  	v56 =	vor.u32 v6, v8;
	v20 =	vor.u32 v3, v14;
	v24 =	vor.u32 v5, v14;
	v17 =	vld.idx.msk [tilespmem:v17+s14+$0x0], $0xffff  }
0x73: {  	v8 =	vor.u32 v7, v14;
	v26 =	vshll.u32 v18, $0x6;
	v10 =	vshll.u32 v9, $0x6  }
0x74: {  	v29 =	vor.u32 v2, v18;
	v28 =	vor.u32 v0, v26;
	s29 =	simm.s32 $0x5;
	v30 =	vor.u32 v0, v10;
	v23 =	vld.idx.msk [tilespmem:v23+s14+$0x0], $0xffff  }
0x75: {  	s30 =	simm.s32 $0x4;
	v57 =	vor.u32 v2, v9;
	v31 =	vld.idx.msk [tilespmem:v13+s14+$0x0], $0xffff;
	v13 =	vadd.s32 s29, v0;
	[tilespmem:v25+s18+$0x0] =	vst.idx.msk $0xffff, v15  }
0x76: {  	v14 =	vor.u32 v4, v18;
	s31 =	sand.u32 $0x70, s30;
	v13 =	vand.u32 $0xF, v13;
	v25 =	vld.idx.msk [tilespmem:v27+s14+$0x0], $0xffff;
	v27 =	vor.u32 v5, v21  }
0x77: {  	v19 =	vor.u32 v3, v26;
	v15 =	vadd.s32 s30, v0;
	[tilespmem:v20+s18+$0x0] =	vst.idx.msk $0xffff, v17;
	v16 =	vor.u32 s31, v13  }
0x78: {  	v11 =	vor.u32 v7, v26;
	v15 =	vand.u32 $0xF, v15;
	v60 =	vld.idx.msk [tilespmem:v22+s14+$0x0], $0xffff;
	v59 =	vor.u32 v1, v16  }
0x79: {  	v12 =	vor.u32 v5, v26;
	v63 =	vor.u32 v3, v10;
	v15 =	vor.u32 s31, v15;
	[tilespmem:v30+s18+$0x0] =	vst.idx.msk $0xffff, v23  }
0x7a: {  	v13 =	vor.u32 v6, v18;
	v61 =	vor.u32 v1, v15;
	v62 =	vld.idx.msk [tilespmem:v57+s14+$0x0], $0xffff;
	[tilespmem:v28+s18+$0x0] =	vst.idx.msk $0xffff, v31  }
0x7b: {  	v33 =	vor.u32 v2, v16;
	v31 =	vor.u32 v4, v9;
	v29 =	vld.idx.msk [tilespmem:v29+s14+$0x0], $0xffff;
	[tilespmem:v27+s18+$0x0] =	vst.idx.msk $0xffff, v25  }
0x7c: {  	v22 =	vor.u32 v2, v15;
	v23 =	vor.u32 v4, v15;
	v17 =	vor.u32 v6, v15;
	v26 =	vld.idx.msk [tilespmem:v58+s14+$0x0], $0xffff  }
0x7d: {  	v30 =	vshll.u32 v15, $0x6;
	[tilespmem:v24+s18+$0x0] =	vst.idx.msk $0xffff, v60;
	v24 =	vshll.u32 v16, $0x6;
	v27 =	vor.u32 v7, v21;
	v28 =	vld.idx.msk [tilespmem:v59+s14+$0x0], $0xffff  }
0x7e: {  	v20 =	vor.u32 v0, v30;
	v18 =	vor.u32 v5, v30;
	v32 =	vor.u32 v0, v24;
	v21 =	vld.idx.msk [tilespmem:v56+s14+$0x0], $0xffff  }
0x7f: {  	s28 =	simm.s32 $0x7;
	s25 =	simm.s32 $0x8;
	s26 =	simm.s32 $0x6;
	v15 =	vor.u32 v7, v30;
	v25 =	vor.u32 v3, v30;
	v30 =	vld.idx.msk [tilespmem:v61+s14+$0x0], $0xffff;
	[tilespmem:v63+s18+$0x0] =	vst.idx.msk $0xffff, v62  }
.LBB2_5:
0x80: {  	p2 =	slt.u32 s25, $0x7E;
	v34 =	vadd.s32 s26, v0;
	v35 =	vadd.s32 s28, v0;
	[tilespmem:v19+s18+$0x0] =	vst.idx.msk $0xffff, v29;
	v36 =	vld.idx.msk [tilespmem:v31+s14+$0x0], $0xffff;
	v19 =	vmovc v25;
	v37 =	vmov v10  }
0x81: {  	s28 =	sand.u32 $0x70, s26;
	v10 =	vmovc v24;
	s26 =	smov.u32 s25;
	v25 =	vand.u32 $0xF, v34;
	v29 =	vand.u32 $0xF, v35;
	v34 =	vld.idx.msk [tilespmem:v14+s14+$0x0], $0xffff;
	v35 =	vor.u32 v5, v37;
	v14 =	vmovc v23  }
0x82: {  	v38 =	vor.u32 v6, v9;
	v9 =	vmovc v16;
	v24 =	vor.u32 s28, v25;
	[tilespmem:v27+s18+$0x0] =	vst.idx.msk $0xffff, v26;
	v16 =	vor.u32 s28, v29  }
0x83: {  	v26 =	vshll.u32 v24, $0x6;
	v39 =	vor.u32 v1, v24;
	v27 =	vor.u32 v1, v16;
	[tilespmem:v32+s18+$0x0] =	vst.idx.msk $0xffff, v28  }
0x84: {  	v28 =	vor.u32 v2, v24;
	[tilespmem:v20+s18+$0x0] =	vst.idx.msk $0xffff, v30;
	v20 =	vor.u32 v0, v26;
	v40 =	vld.idx.msk [tilespmem:v33+s14+$0x0], $0xffff  }
0x85: {  	v41 =	vor.u32 v3, v10;
	v23 =	vor.u32 v4, v24;
	v25 =	vor.u32 v3, v26;
	v29 =	vld.idx.msk [tilespmem:v22+s14+$0x0], $0xffff  }
.Ltmp3:
0x86: {  	v31 =	vor.u32 v4, v9;
	v33 =	vor.u32 v5, v26;
	v22 =	vmov v28;
	[tilespmem:v35+s18+$0x0] =	vst.idx.msk $0xffff, v36;
	(pc) =	sbr.rel @p2 .LBB2_5-.Ltmp3, $4  }
0x87: {  	v35 =	vor.u32 v6, v24;
	v36 =	vor.u32 v7, v26;
	[tilespmem:v12+s18+$0x0] =	vst.idx.msk $0xffff, v34;
	v26 =	vld.idx.msk [tilespmem:v38+s14+$0x0], $0xffff  }
0x88: {  	v24 =	vshll.u32 v16, $0x6;
	v12 =	vmov v18;
	v28 =	vld.idx.msk [tilespmem:v27+s14+$0x0], $0xffff;
	v27 =	vor.u32 v7, v37;
	[tilespmem:v8+s18+$0x0] =	vst.idx.msk $0xffff, v21  }
0x89: {  	v32 =	vor.u32 v0, v24;
	v18 =	vmovc v33;
	v8 =	vmovc v11;
	v11 =	vmov v15;
	v15 =	vmov v36;
	v30 =	vld.idx.msk [tilespmem:v39+s14+$0x0], $0xffff  }
0x8a: {  	s25 =	sadd.s32 $0x2, s25;
	s28 =	sadd.s32 $0x1, s26;
	v33 =	vor.u32 v2, v16;
	[tilespmem:v41+s18+$0x0] =	vst.idx.msk $0xffff, v40;
	v21 =	vld.idx.msk [tilespmem:v13+s14+$0x0], $0xffff;
	v13 =	vmov v17;
	v17 =	vmov v35  }
0x8b: {  	v34 =	vadd.s32 s28, v0  }
0x8c: {  	v35 =	vadd.s32 s26, v0;
	s25 =	sand.u32 $0x70, s26;
	v34 =	vand.u32 $0xF, v34  }
0x8d: {  	v35 =	vand.u32 $0xF, v35;
	v34 =	vor.u32 s25, v34  }
0x8e: {  	v35 =	vor.u32 s25, v35;
	v36 =	vor.u32 v1, v34  }
0x8f: {  	v37 =	vor.u32 v1, v35;
	_ =	sdelay $0x2  }
0x90: {  	v38 =	vshll.u32 v34, $0x6  }
0x91: {  	v39 =	vshll.u32 v35, $0x6;
	v40 =	vor.u32 v0, v38;
	v36 =	vld.idx.msk [tilespmem:v36+s14+$0x0], $0xffff  }
0x92: {  	v42 =	vor.u32 v2, v34;
	v41 =	vor.u32 v0, v39;
	v37 =	vld.idx.msk [tilespmem:v37+s14+$0x0], $0xffff  }
0x93: {  	[tilespmem:v19+s18+$0x0] =	vst.idx.msk $0xffff, v29;
	v59 =	vor.u32 v2, v35  }
0x94: {  	[tilespmem:v32+s18+$0x0] =	vst.idx.msk $0xffff, v28  }
0x95: {  	v63 =	vor.u32 v3, v24;
	[tilespmem:v20+s18+$0x0] =	vst.idx.msk $0xffff, v30;
	v62 =	vld.idx.msk [tilespmem:v33+s14+$0x0], $0xffff  }
0x96: {  	v43 =	vor.u32 v4, v16;
	v22 =	vld.idx.msk [tilespmem:v22+s14+$0x0], $0xffff;
	[tilespmem:v40+s18+$0x0] =	vst.idx.msk $0xffff, v36  }
0x97: {  	v45 =	vor.u32 v3, v38;
	[tilespmem:v41+s18+$0x0] =	vst.idx.msk $0xffff, v37;
	v44 =	vld.idx.msk [tilespmem:v42+s14+$0x0], $0xffff  }
0x98: {  	[tilespmem:v27+s18+$0x0] =	vst.idx.msk $0xffff, v26;
	v47 =	vor.u32 v4, v34;
	v46 =	vor.u32 v3, v39;
	v19 =	vld.idx.msk [tilespmem:v59+s14+$0x0], $0xffff  }
0x99: {  	v60 =	vld.idx.msk [tilespmem:v31+s14+$0x0], $0xffff;
	v61 =	vor.u32 v5, v10;
	v48 =	vor.u32 v4, v35;
	[tilespmem:v8+s18+$0x0] =	vst.idx.msk $0xffff, v21  }
0x9a: {  	v9 =	vor.u32 v6, v9;
	v14 =	vld.idx.msk [tilespmem:v14+s14+$0x0], $0xffff;
	[tilespmem:v63+s18+$0x0] =	vst.idx.msk $0xffff, v62  }
0x9b: {  	v49 =	vor.u32 v5, v24;
	[tilespmem:v25+s18+$0x0] =	vst.idx.msk $0xffff, v22;
	v20 =	vld.idx.msk [tilespmem:v43+s14+$0x0], $0xffff  }
0x9c: {  	v50 =	vor.u32 v6, v16;
	v23 =	vld.idx.msk [tilespmem:v23+s14+$0x0], $0xffff;
	[tilespmem:v45+s18+$0x0] =	vst.idx.msk $0xffff, v44  }
0x9d: {  	v52 =	vor.u32 v5, v38;
	[tilespmem:v46+s18+$0x0] =	vst.idx.msk $0xffff, v19;
	v51 =	vld.idx.msk [tilespmem:v47+s14+$0x0], $0xffff  }
0x9e: {  	v55 =	vor.u32 v6, v34;
	v53 =	vor.u32 v5, v39;
	[tilespmem:v61+s18+$0x0] =	vst.idx.msk $0xffff, v60;
	v54 =	vld.idx.msk [tilespmem:v48+s14+$0x0], $0xffff  }
0x9f: {  	v57 =	vor.u32 v7, v10;
	v56 =	vor.u32 v6, v35;
	[tilespmem:v12+s18+$0x0] =	vst.idx.msk $0xffff, v14;
	v9 =	vld.idx.msk [tilespmem:v9+s14+$0x0], $0xffff  }
0xa0: {  	v8 =	vld.idx.msk [tilespmem:v13+s14+$0x0], $0xffff;
	[tilespmem:v49+s18+$0x0] =	vst.idx.msk $0xffff, v20  }
0xa1: {  	v59 =	vor.u32 v7, v24;
	[tilespmem:v18+s18+$0x0] =	vst.idx.msk $0xffff, v23;
	v58 =	vld.idx.msk [tilespmem:v50+s14+$0x0], $0xffff  }
0xa2: {  	v17 =	vld.idx.msk [tilespmem:v17+s14+$0x0], $0xffff;
	[tilespmem:v52+s18+$0x0] =	vst.idx.msk $0xffff, v51  }
0xa3: {  	v61 =	vor.u32 v7, v38;
	[tilespmem:v53+s18+$0x0] =	vst.idx.msk $0xffff, v54;
	v60 =	vld.idx.msk [tilespmem:v55+s14+$0x0], $0xffff  }
0xa4: {  	v62 =	vor.u32 v7, v39;
	[tilespmem:v57+s18+$0x0] =	vst.idx.msk $0xffff, v9;
	v63 =	vld.idx.msk [tilespmem:v56+s14+$0x0], $0xffff  }
0xa5: {  	[tilespmem:v11+s18+$0x0] =	vst.idx.msk $0xffff, v8  }
0xa6: {  	[tilespmem:v59+s18+$0x0] =	vst.idx.msk $0xffff, v58  }
0xa7: {  	s23 =	sadd.s32 $0x1, s23;
	[tilespmem:v15+s18+$0x0] =	vst.idx.msk $0xffff, v17  }
0xa8: {  	p2 =	sne.s32 s23, $0x7A;
	[tilespmem:v61+s18+$0x0] =	vst.idx.msk $0xffff, v60  }
.Ltmp4:
0xa9: {  	[tilespmem:v62+s18+$0x0] =	vst.idx.msk $0xffff, v63;
	(pc) =	sbr.rel @p2 .LBB2_2-.Ltmp4, $4  }
0xaa: {  	s24 =	sshll.u32 s24, $0xA;
	_ =	swait.ge [sflag:s19], $0x2000  }
0xab: {  	s24 =	sand.u32 $0x1FFFFC00, s24;
	[sflag:s19] =	ssyncset.done $0x0  }
0xac: {  	s24 =	sadd.s32 s4, s24;
	[sflag:s19] =	ssyncadd.s32 $0xFFFFE000  }
0xad: {  	[hbm4b:s24+s3] =	stream.linear.scatter [tilespmem:s18], [sflag:$0x4], $0x2000, $0x38;
	[tilespmem:$0x8000] =	vst v63  }
.Ltmp5:
0xae: {  	(pc) =	sbr.rel @p0 .LBB2_11-.Ltmp5, $4  }
0xaf: {  	_ = 	snop  }
0xb0: {  	_ =	swait.ge [sflag:s20], $0x2000  }
0xb1: {  	[sflag:s20] =	ssyncset.done $0x0  }
0xb2: {  	[sflag:s20] =	ssyncadd.s32 $0xFFFFE000  }
0xb3: {  	s23 =	simm.s32 $0x1  }
0xb4: {  	s24 =	simm.s32 $0x0;
	v8 =	vadd.s32 s23, v0  }
0xb5: {  	s31 =	sand.u32 $0x70, s24;
	v8 =	vand.u32 $0xF, v8  }
0xb6: {  	v11 =	vor.u32 s31, v8;
	v8 =	vadd.s32 s24, v0  }
0xb7: {  	v9 =	vor.u32 v1, v11;
	v8 =	vand.u32 $0xF, v8  }
0xb8: {  	[tilespmem:s24], [sflag:$0x5] =	stream.strided.gather [hbm4b:s8+s12], $0x2000, s13, s12, $0x38;
	v8 =	vor.u32 s31, v8;
	[tilespmem:$0x8000] =	vst v63  }
0xb9: {  	_ =	swait.ge [sflag:s21], $0x2000;
	v10 =	vor.u32 v1, v8  }
0xba: {  	[sflag:s21] =	ssyncset.done $0x0  }
0xbb: {  	[sflag:s21] =	ssyncadd.s32 $0xFFFFE000;
	v21 =	vshll.u32 v11, $0x6  }
0xbc: {  	v13 =	vor.u32 v0, v21;
	v12 =	vld.idx.msk [tilespmem:v9+s3+$0x0], $0xffff  }
0xbd: {  	s25 =	simm.s32 $0x3;
	s26 =	simm.s32 $0x2;
	v15 =	vor.u32 v2, v11;
	v14 =	vshll.u32 v8, $0x6  }
0xbe: {  	v18 =	vadd.s32 s26, v0;
	v16 =	vor.u32 v0, v14;
	v9 =	vadd.s32 s25, v0;
	v10 =	vld.idx.msk [tilespmem:v10+s3+$0x0], $0xffff  }
0xbf: {  	s28 =	sand.u32 $0x70, s26;
	v18 =	vand.u32 $0xF, v18;
	v17 =	vor.u32 v2, v8;
	v9 =	vand.u32 $0xF, v9  }
0xc0: {  	v18 =	vor.u32 s28, v18;
	v27 =	vor.u32 v4, v11;
	v9 =	vor.u32 s28, v9  }
0xc1: {  	v26 =	vshll.u32 v18, $0x6;
	v29 =	vor.u32 v2, v18;
	v23 =	vor.u32 v1, v9;
	[tilespmem:v13+s16+$0x0] =	vst.idx.msk $0xffff, v12  }
0xc2: {  	v33 =	vor.u32 v6, v11;
	v25 =	vor.u32 v3, v21;
	v13 =	vor.u32 v1, v18;
	v15 =	vld.idx.msk [tilespmem:v15+s3+$0x0], $0xffff  }
0xc3: {  	v28 =	vor.u32 v0, v26;
	v19 =	vor.u32 v3, v26;
	[tilespmem:v16+s16+$0x0] =	vst.idx.msk $0xffff, v10  }
0xc4: {  	v11 =	vor.u32 v7, v26;
	v22 =	vor.u32 v4, v8;
	v20 =	vor.u32 v3, v14;
	v17 =	vld.idx.msk [tilespmem:v17+s3+$0x0], $0xffff  }
0xc5: {  	v34 =	vor.u32 v6, v8;
	v24 =	vor.u32 v5, v14;
	v10 =	vshll.u32 v9, $0x6  }
0xc6: {  	s29 =	simm.s32 $0x5;
	v8 =	vor.u32 v7, v14;
	v14 =	vor.u32 v4, v18;
	v23 =	vld.idx.msk [tilespmem:v23+s3+$0x0], $0xffff;
	v30 =	vor.u32 v0, v10  }
0xc7: {  	s30 =	simm.s32 $0x4;
	v32 =	vor.u32 v2, v9;
	v31 =	vld.idx.msk [tilespmem:v13+s3+$0x0], $0xffff;
	v13 =	vadd.s32 s29, v0;
	[tilespmem:v25+s16+$0x0] =	vst.idx.msk $0xffff, v15  }
0xc8: {  	s31 =	sand.u32 $0x70, s30;
	v15 =	vadd.s32 s30, v0;
	v13 =	vand.u32 $0xF, v13;
	v25 =	vld.idx.msk [tilespmem:v27+s3+$0x0], $0xffff;
	v27 =	vor.u32 v5, v21  }
0xc9: {  	v12 =	vor.u32 v5, v26;
	v15 =	vand.u32 $0xF, v15;
	v16 =	vor.u32 s31, v13;
	[tilespmem:v20+s16+$0x0] =	vst.idx.msk $0xffff, v17  }
0xca: {  	v39 =	vor.u32 v3, v10;
	v15 =	vor.u32 s31, v15;
	v35 =	vor.u32 v1, v16;
	v36 =	vld.idx.msk [tilespmem:v22+s3+$0x0], $0xffff  }
0xcb: {  	v13 =	vor.u32 v6, v18;
	[tilespmem:v30+s16+$0x0] =	vst.idx.msk $0xffff, v23;
	v37 =	vor.u32 v1, v15  }
0xcc: {  	v30 =	vshll.u32 v15, $0x6;
	v38 =	vld.idx.msk [tilespmem:v32+s3+$0x0], $0xffff;
	v22 =	vor.u32 v2, v15;
	[tilespmem:v28+s16+$0x0] =	vst.idx.msk $0xffff, v31  }
0xcd: {  	v23 =	vor.u32 v4, v15;
	v31 =	vor.u32 v4, v9;
	v29 =	vld.idx.msk [tilespmem:v29+s3+$0x0], $0xffff;
	[tilespmem:v27+s16+$0x0] =	vst.idx.msk $0xffff, v25  }
0xce: {  	v17 =	vor.u32 v6, v15;
	v20 =	vor.u32 v0, v30;
	v18 =	vor.u32 v5, v30;
	v26 =	vld.idx.msk [tilespmem:v33+s3+$0x0], $0xffff  }
0xcf: {  	v27 =	vor.u32 v7, v21;
	v28 =	vld.idx.msk [tilespmem:v35+s3+$0x0], $0xffff;
	[tilespmem:v24+s16+$0x0] =	vst.idx.msk $0xffff, v36;
	v24 =	vshll.u32 v16, $0x6  }
0xd0: {  	v15 =	vor.u32 v7, v30;
	v25 =	vor.u32 v3, v30;
	v30 =	vld.idx.msk [tilespmem:v37+s3+$0x0], $0xffff;
	v32 =	vor.u32 v0, v24  }
0xd1: {  	s23 =	simm.s32 $0x8;
	s24 =	simm.s32 $0x6;
	s25 =	simm.s32 $0x7;
	v33 =	vor.u32 v2, v16;
	[tilespmem:v39+s16+$0x0] =	vst.idx.msk $0xffff, v38;
	v21 =	vld.idx.msk [tilespmem:v34+s3+$0x0], $0xffff  }
.LBB2_9:
0xd2: {  	p2 =	slt.u32 s23, $0x7E;
	v34 =	vadd.s32 s24, v0;
	v35 =	vadd.s32 s25, v0;
	[tilespmem:v19+s16+$0x0] =	vst.idx.msk $0xffff, v29;
	v36 =	vld.idx.msk [tilespmem:v31+s3+$0x0], $0xffff;
	v19 =	vmovc v25;
	v37 =	vmov v10  }
0xd3: {  	s25 =	sand.u32 $0x70, s24;
	v10 =	vmovc v24;
	s24 =	smov.u32 s23;
	v25 =	vand.u32 $0xF, v34;
	v29 =	vand.u32 $0xF, v35;
	v34 =	vld.idx.msk [tilespmem:v14+s3+$0x0], $0xffff;
	v35 =	vor.u32 v5, v37;
	v14 =	vmovc v23  }
0xd4: {  	v38 =	vor.u32 v6, v9;
	v9 =	vmovc v16;
	v24 =	vor.u32 s25, v25;
	[tilespmem:v27+s16+$0x0] =	vst.idx.msk $0xffff, v26;
	v16 =	vor.u32 s25, v29  }
0xd5: {  	v26 =	vshll.u32 v24, $0x6;
	v39 =	vor.u32 v1, v24;
	v27 =	vor.u32 v1, v16;
	[tilespmem:v32+s16+$0x0] =	vst.idx.msk $0xffff, v28  }
0xd6: {  	v28 =	vor.u32 v2, v24;
	[tilespmem:v20+s16+$0x0] =	vst.idx.msk $0xffff, v30;
	v20 =	vor.u32 v0, v26;
	v40 =	vld.idx.msk [tilespmem:v33+s3+$0x0], $0xffff  }
0xd7: {  	v41 =	vor.u32 v3, v10;
	v23 =	vor.u32 v4, v24;
	v25 =	vor.u32 v3, v26;
	v29 =	vld.idx.msk [tilespmem:v22+s3+$0x0], $0xffff  }
.Ltmp6:
0xd8: {  	v31 =	vor.u32 v4, v9;
	v33 =	vor.u32 v5, v26;
	v22 =	vmov v28;
	[tilespmem:v35+s16+$0x0] =	vst.idx.msk $0xffff, v36;
	(pc) =	sbr.rel @p2 .LBB2_9-.Ltmp6, $4  }
0xd9: {  	v35 =	vor.u32 v6, v24;
	v36 =	vor.u32 v7, v26;
	[tilespmem:v12+s16+$0x0] =	vst.idx.msk $0xffff, v34;
	v26 =	vld.idx.msk [tilespmem:v38+s3+$0x0], $0xffff  }
0xda: {  	v24 =	vshll.u32 v16, $0x6;
	v12 =	vmov v18;
	v28 =	vld.idx.msk [tilespmem:v27+s3+$0x0], $0xffff;
	v27 =	vor.u32 v7, v37;
	[tilespmem:v8+s16+$0x0] =	vst.idx.msk $0xffff, v21  }
0xdb: {  	v32 =	vor.u32 v0, v24;
	v18 =	vmovc v33;
	v8 =	vmovc v11;
	v11 =	vmov v15;
	v15 =	vmov v36;
	v30 =	vld.idx.msk [tilespmem:v39+s3+$0x0], $0xffff  }
0xdc: {  	s23 =	sadd.s32 $0x2, s23;
	s25 =	sadd.s32 $0x1, s24;
	v33 =	vor.u32 v2, v16;
	[tilespmem:v41+s16+$0x0] =	vst.idx.msk $0xffff, v40;
	v21 =	vld.idx.msk [tilespmem:v13+s3+$0x0], $0xffff;
	v13 =	vmov v17;
	v17 =	vmov v35  }
0xdd: {  	v34 =	vadd.s32 s25, v0  }
0xde: {  	v35 =	vadd.s32 s24, v0;
	s23 =	sand.u32 $0x70, s24;
	v34 =	vand.u32 $0xF, v34  }
0xdf: {  	v35 =	vand.u32 $0xF, v35;
	v34 =	vor.u32 s23, v34  }
0xe0: {  	v35 =	vor.u32 s23, v35;
	v36 =	vor.u32 v1, v34  }
0xe1: {  	v37 =	vor.u32 v1, v35;
	_ =	sdelay $0x2  }
0xe2: {  	v38 =	vshll.u32 v34, $0x6  }
0xe3: {  	v39 =	vshll.u32 v35, $0x6;
	v40 =	vor.u32 v0, v38;
	v36 =	vld.idx.msk [tilespmem:v36+s3+$0x0], $0xffff  }
0xe4: {  	v42 =	vor.u32 v2, v34;
	v41 =	vor.u32 v0, v39;
	v37 =	vld.idx.msk [tilespmem:v37+s3+$0x0], $0xffff  }
0xe5: {  	[tilespmem:v19+s16+$0x0] =	vst.idx.msk $0xffff, v29;
	v59 =	vor.u32 v2, v35  }
0xe6: {  	[tilespmem:v32+s16+$0x0] =	vst.idx.msk $0xffff, v28  }
0xe7: {  	v63 =	vor.u32 v3, v24;
	[tilespmem:v20+s16+$0x0] =	vst.idx.msk $0xffff, v30;
	v62 =	vld.idx.msk [tilespmem:v33+s3+$0x0], $0xffff  }
0xe8: {  	v43 =	vor.u32 v4, v16;
	v22 =	vld.idx.msk [tilespmem:v22+s3+$0x0], $0xffff;
	[tilespmem:v40+s16+$0x0] =	vst.idx.msk $0xffff, v36  }
0xe9: {  	v45 =	vor.u32 v3, v38;
	[tilespmem:v41+s16+$0x0] =	vst.idx.msk $0xffff, v37;
	v44 =	vld.idx.msk [tilespmem:v42+s3+$0x0], $0xffff  }
0xea: {  	[tilespmem:v27+s16+$0x0] =	vst.idx.msk $0xffff, v26;
	v47 =	vor.u32 v4, v34;
	v46 =	vor.u32 v3, v39;
	v19 =	vld.idx.msk [tilespmem:v59+s3+$0x0], $0xffff  }
0xeb: {  	v60 =	vld.idx.msk [tilespmem:v31+s3+$0x0], $0xffff;
	v61 =	vor.u32 v5, v10;
	v48 =	vor.u32 v4, v35;
	[tilespmem:v8+s16+$0x0] =	vst.idx.msk $0xffff, v21  }
0xec: {  	v9 =	vor.u32 v6, v9;
	v14 =	vld.idx.msk [tilespmem:v14+s3+$0x0], $0xffff;
	[tilespmem:v63+s16+$0x0] =	vst.idx.msk $0xffff, v62  }
0xed: {  	v49 =	vor.u32 v5, v24;
	[tilespmem:v25+s16+$0x0] =	vst.idx.msk $0xffff, v22;
	v20 =	vld.idx.msk [tilespmem:v43+s3+$0x0], $0xffff  }
0xee: {  	v50 =	vor.u32 v6, v16;
	v23 =	vld.idx.msk [tilespmem:v23+s3+$0x0], $0xffff;
	[tilespmem:v45+s16+$0x0] =	vst.idx.msk $0xffff, v44  }
0xef: {  	v52 =	vor.u32 v5, v38;
	[tilespmem:v46+s16+$0x0] =	vst.idx.msk $0xffff, v19;
	v51 =	vld.idx.msk [tilespmem:v47+s3+$0x0], $0xffff  }
0xf0: {  	v55 =	vor.u32 v6, v34;
	v53 =	vor.u32 v5, v39;
	[tilespmem:v61+s16+$0x0] =	vst.idx.msk $0xffff, v60;
	v54 =	vld.idx.msk [tilespmem:v48+s3+$0x0], $0xffff  }
0xf1: {  	v57 =	vor.u32 v7, v10;
	v56 =	vor.u32 v6, v35;
	[tilespmem:v12+s16+$0x0] =	vst.idx.msk $0xffff, v14;
	v9 =	vld.idx.msk [tilespmem:v9+s3+$0x0], $0xffff  }
0xf2: {  	v8 =	vld.idx.msk [tilespmem:v13+s3+$0x0], $0xffff;
	[tilespmem:v49+s16+$0x0] =	vst.idx.msk $0xffff, v20  }
0xf3: {  	v59 =	vor.u32 v7, v24;
	[tilespmem:v18+s16+$0x0] =	vst.idx.msk $0xffff, v23;
	v58 =	vld.idx.msk [tilespmem:v50+s3+$0x0], $0xffff  }
0xf4: {  	v17 =	vld.idx.msk [tilespmem:v17+s3+$0x0], $0xffff;
	[tilespmem:v52+s16+$0x0] =	vst.idx.msk $0xffff, v51  }
0xf5: {  	v61 =	vor.u32 v7, v38;
	[tilespmem:v53+s16+$0x0] =	vst.idx.msk $0xffff, v54;
	v60 =	vld.idx.msk [tilespmem:v55+s3+$0x0], $0xffff  }
0xf6: {  	v62 =	vor.u32 v7, v39;
	[tilespmem:v57+s16+$0x0] =	vst.idx.msk $0xffff, v9;
	v63 =	vld.idx.msk [tilespmem:v56+s3+$0x0], $0xffff  }
0xf7: {  	[tilespmem:v11+s16+$0x0] =	vst.idx.msk $0xffff, v8  }
0xf8: {  	[tilespmem:v59+s16+$0x0] =	vst.idx.msk $0xffff, v58  }
0xf9: {  	[tilespmem:v15+s16+$0x0] =	vst.idx.msk $0xffff, v17  }
0xfa: {  	[tilespmem:v61+s16+$0x0] =	vst.idx.msk $0xffff, v60  }
0xfb: {  	s24 =	simm.s32 @p1 $0x4000;
	s23 =	simm.s32 @p1 $0x0;
	[tilespmem:v62+s16+$0x0] =	vst.idx.msk $0xffff, v63  }
0xfc: {  	[hbm4b:s10+s23] =	stream.linear.scatter @p1 [tilespmem:s24], [sflag:$0x5], $0x1000, $0x38;
	[tilespmem:$0x8000] =	vst v63  }
0xfd: {  	s23 =	simm.s32 @p1 $0x5  }
0xfe: {  	_ =	swait.ge @p1 [sflag:s23], $0x1000  }
0xff: {  	[sflag:s23] =	ssyncset.done @p1 $0x0  }
0x100: {  	s24 =	simm.s32 @!p1 $0x4000;
	[sflag:s23] =	ssyncadd.s32 @p1 $0xFFFFF000;
	s23 =	simm.s32 @!p1 $0x0  }
0x101: {  	[hbm4b:s9+s23] =	stream.linear.scatter @!p1 [tilespmem:s24], [sflag:$0x5], $0x2000, $0x38;
	[tilespmem:$0x8000] =	vst v63  }
.Ltmp7:
0x102: {  	_ = 	snop;
	(pc) =	sbr.rel .LBB2_11-.Ltmp7, $4  }
0x103: {  	s23 =	simm.s32 @!p1 $0x5  }
0x104: {  	_ =	swait.ge @!p1 [sflag:s23], $0x2000  }
0x105: {  	[sflag:s23] =	ssyncset.done @!p1 $0x0  }
0x106: {  	[sflag:s23] =	ssyncadd.s32 @!p1 $0xFFFFE000  }
.LBB2_12:
0x107: {  	_ =	sfence.sel $0x180000  }
0x108: {  	[bflag:$0x0] =	sbarrier.arrive $0xFFFF  }
0x109: {  	p0 =	sne.s32 s2, $0x0;
	_ =	strace $0x90000047  }
0x10a: {  	s0 =	sadd.s32 @!p0 $0x100000, s0;
	[bflag:$0x2] =	sbarrier.arrive $0xFFFF  }
0x10b: {  	[sflag:s0] =	ssyncadd.tile.s32 @!p0 $0x1;
	_ =	shalt  }
.Lfunc_end2:
_tile_overlayer_lowered:
.L_overlay_start_2:
0x10c: {  	(tag) =	ssettag $0x2  }
0x10d: {  	s0 =	rddreg [dreg:$0x0];
	s2 =	stileid.u32  }
0x10e: {  	s1 =	rddreg [dreg:$0x1];
	p0 =	sne.s32 s2, $0x0  }
0x10f: {  	s3 =	rddreg [dreg:$0x2];
	[bflag:$0x3] =	sbarrier.arrive $0xFFFF;
	s2 =	simm.s32 @!p0 $0x1C05  }
0x110: {  	[timem:s3], [sflag:s2] =	dma.local @!p0 [hbm:s0], s1  }
0x111: {  	s0 =	simm.s32 @!p0 $0x5  }
0x112: {  	_ =	swait.ge @!p0 [sflag:s0], s1  }
0x113: {  	s1 =	ssub.s32 @!p0 $0x0, s1;
	[sflag:s0] =	ssyncset.done @!p0 $0x0  }
0x114: {  	[sflag:s0] =	ssyncadd.s32 @!p0 s1  }
0x115: {  	[bflag:$0x3] =	sbarrier.arrive $0xFFFF  }
0x116: {  	_ =	shalt  }

// kernel: kernel.7.cloned.1.call-start
scs
__scs_entry_jumppad:
0x0: {  	(pc) =	sbr.rel $0x88, $3  }
0x1: {  	(tag) =	ssettag $0x0;
	lr =	simm.s32 $0x1  }
0x2: {  	[smem:$0x3F9F] =	sst lr;
	_ =	strace $0xD0000000  }
0x3: {  	_ = 	snop  }
0x4: {  	_ = 	snop  }
0x5: {  	_ = 	snop  }
0x6: {  	_ = 	snop  }
0x7: {  	_ = 	snop  }
__scs_overlays_trampoline_lowered:
0x8: {  	[smem:$0x3FAE] =	sst s0  }
0x9: {  	[smem:$0x3FAF] =	sst s1  }
0xa: {  	[smem:$0x3FB0] =	sst s2  }
0xb: {  	[smem:$0x3FB1] =	sst s3  }
0xc: {  	[smem:$0x3FB2] =	sst s4  }
0xd: {  	[smem:$0x3FB3] =	sst s5  }
0xe: {  	[smem:$0x3FB4] =	sst s6  }
0xf: {  	[smem:$0x3FB5] =	sst s7  }
0x10: {  	[smem:$0x3FB6] =	sst s8  }
0x11: {  	[smem:$0x3FB7] =	sst s9;
	s0 =	simm.s32 @!p0 $0x0  }
0x12: {  	s1 =	sld [smem:$0x3F9D];
	s0 =	simm.s32 @p0 $0x1  }
0x13: {  	[smem:$0x3FB8] =	sst s0;
	s0 =	simm.s32 @!p1 $0x0  }
0x14: {  	s2 =	sld [smem:$0x3F9C];
	s0 =	simm.s32 @p1 $0x1  }
0x15: {  	[smem:$0x3FB9] =	sst s0;
	s0 =	simm.s32 @!p2 $0x0  }
0x16: {  	s3 =	sld [smem:$0x3FDB];
	s0 =	simm.s32 @p2 $0x1  }
0x17: {  	s4 =	simm.s32 $0x1BF5;
	[smem:$0x3FBB] =	sst s0  }
0x18: {  	s0 =	sld [smem:$0x3F9E];
	_ =	swait.ge [sflag:s4], $0x0  }
0x19: {  	s7 =	sld [smem:$0x3F9F]  }
0x1a: {  	s8 =	sadd.s32 $0xFFFFE003, lr  }
0x1b: {  	s9 =	sadd.s32 $0xFFFFFEF7, lr;
	s5 =	simm.s32 $0xFFFFFFFF;
	p2 =	slt.u32 s8, $0xFFFFF086  }
0x1c: {  	p1 =	slt.u32 s9, $0xF7A;
	s5 =	simm.s32 @!p2 $0x0  }
0x1d: {  	s5 =	simm.s32 @p1 $0x1;
	p0 =	seq.s32 s7, s2  }
0x1e: {  	s7 =	smul.u32 @!p0 $0xF7A, s2;
	p2 =	seq.s32 @!p0 s5, $0x0  }
0x1f: {  	s9 =	smul.u32 $0xF7A, s1;
	s8 =	simm.s32 @!p0 $0x1BF5;
	p2 =	por !p2, p0  }
0x20: {  	[sflag:s8] =	ssyncset.s32 @!p0 $0xFFFFF086;
	s6 =	sadd.s32 @!p0 s3, s7;
	s7 =	simm.s32 @!p0 $0x108  }
0x21: {  	s3 =	sadd.s32 s3, s9;
	s6 =	sadd.s32 @!p0 $0x88, s6;
	s7 =	simm.s32 @p2 $0x1082  }
0x22: {  	[simem:s7], [sflag:s8] =	dma.local @!p0 [hbm:s6], $0xF7A  }
0x23: {  	s9 =	sor.u32 $0xD0000000, s2;
	s6 =	simm.s32 $0x108;
	_ =	swait.ge @!p0 [sflag:s8], $0x0  }
0x24: {  	s3 =	sadd.s32 $0x88, s3;
	s6 =	simm.s32 @!p1 $0x1082;
	[sflag:s4] =	ssyncset.s32 $0xFFFFF086  }
0x25: {  	[simem:s6], [sflag:s4] =	dma.local [hbm:s3], $0xF7A  }
0x26: {  	[smem:$0x3F9F] =	sst s1;
	(tag) =	ssettag s2;
	_ =	strace s9  }
0x27: {  	s1 =	sld [smem:$0x3FAF]  }
0x28: {  	s2 =	sld [smem:$0x3FB0]  }
0x29: {  	s4 =	sld [smem:$0x3FB2]  }
0x2a: {  	p0 =	seq.s32 s5, $0x0;
	s5 =	sld [smem:$0x3FB3]  }
0x2b: {  	s6 =	sld [smem:$0x3FB4]  }
0x2c: {  	s7 =	sld [smem:$0x3FB5]  }
0x2d: {  	s3 =	simm.s32 $0x108;
	s8 =	sld [smem:$0x3FB6]  }
0x2e: {  	s3 =	simm.s32 @!p0 $0x1082;
	s9 =	sld [smem:$0x3FB7]  }
0x2f: {  	lr =	sadd.s32 s0, s3;
	s0 =	sld [smem:$0x3FAE]  }
0x30: {  	s3 =	sld [smem:$0x3FB1]  }
0x31: {  	[smem:$0x3FBA] =	sst s10  }
0x32: {  	s10 =	sld [smem:$0x3FB8];
	_ =	sdelay $0x3  }
0x33: {  	p0 =	seq.s32 s10, $0x1;
	s10 =	sld [smem:$0x3FBA];
	_ =	sdelay $0x3  }
0x34: {  	[smem:$0x3FBA] =	sst s10  }
0x35: {  	s10 =	sld [smem:$0x3FB9];
	_ =	sdelay $0x3  }
0x36: {  	p1 =	seq.s32 s10, $0x1;
	s10 =	sld [smem:$0x3FBA];
	_ =	sdelay $0x3  }
0x37: {  	[smem:$0x3FBA] =	sst s10  }
0x38: {  	s10 =	sld [smem:$0x3FBB]  }
0x39: {  	_ = 	snop;
	(pc) =	sbr.ind lr, $3  }
0x3a: {  	_ = 	snop  }
0x3b: {  	_ = 	snop  }
0x3c: {  	p2 =	seq.s32 s10, $0x1;
	s10 =	sld [smem:$0x3FBA]  }
0x3d: {  	_ =	shalt  }
0x3e: {  	_ =	shalt  }
0x3f: {  	_ =	shalt  }
0x40: {  	_ =	shalt  }
0x41: {  	_ =	shalt  }
0x42: {  	_ =	shalt  }
0x43: {  	_ =	shalt  }
0x44: {  	_ =	shalt  }
0x45: {  	_ =	shalt  }
0x46: {  	_ =	shalt  }
0x47: {  	_ =	shalt  }
0x48: {  	_ =	shalt  }
0x49: {  	_ =	shalt  }
0x4a: {  	_ =	shalt  }
0x4b: {  	_ =	shalt  }
0x4c: {  	_ =	shalt  }
0x4d: {  	_ =	shalt  }
0x4e: {  	_ =	shalt  }
0x4f: {  	_ =	shalt  }
0x50: {  	_ =	shalt  }
0x51: {  	_ =	shalt  }
0x52: {  	_ =	shalt  }
0x53: {  	_ =	shalt  }
0x54: {  	_ =	shalt  }
0x55: {  	_ =	shalt  }
0x56: {  	_ =	shalt  }
0x57: {  	_ =	shalt  }
0x58: {  	_ =	shalt  }
0x59: {  	_ =	shalt  }
0x5a: {  	_ =	shalt  }
0x5b: {  	_ =	shalt  }
0x5c: {  	_ =	shalt  }
0x5d: {  	_ =	shalt  }
0x5e: {  	_ =	shalt  }
0x5f: {  	_ =	shalt  }
0x60: {  	_ =	shalt  }
0x61: {  	_ =	shalt  }
0x62: {  	_ =	shalt  }
0x63: {  	_ =	shalt  }
0x64: {  	_ =	shalt  }
0x65: {  	_ =	shalt  }
0x66: {  	_ =	shalt  }
0x67: {  	_ =	shalt  }
0x68: {  	_ =	shalt  }
0x69: {  	_ =	shalt  }
0x6a: {  	_ =	shalt  }
0x6b: {  	_ =	shalt  }
0x6c: {  	_ =	shalt  }
0x6d: {  	_ =	shalt  }
0x6e: {  	_ =	shalt  }
0x6f: {  	_ =	shalt  }
0x70: {  	_ =	shalt  }
0x71: {  	_ =	shalt  }
0x72: {  	_ =	shalt  }
0x73: {  	_ =	shalt  }
0x74: {  	_ =	shalt  }
0x75: {  	_ =	shalt  }
0x76: {  	_ =	shalt  }
0x77: {  	_ =	shalt  }
0x78: {  	_ =	shalt  }
0x79: {  	_ =	shalt  }
0x7a: {  	_ =	shalt  }
0x7b: {  	_ =	shalt  }
0x7c: {  	_ =	shalt  }
0x7d: {  	_ =	shalt  }
0x7e: {  	_ =	shalt  }
0x7f: {  	_ =	shalt  }
0x80: {  	_ =	shalt  }
0x81: {  	_ =	shalt  }
0x82: {  	_ =	shalt  }
0x83: {  	_ =	shalt  }
0x84: {  	_ =	shalt  }
0x85: {  	_ =	shalt  }
0x86: {  	_ =	shalt  }
0x87: {  	_ =	shalt  }
.Lfunc_end0:
.L_simem_size_0:
called_computation.1_lowered:
.L_overlay_start_0:
0x88: {  	s2 =	sld [smem:$0x3FD9]  }
0x89: {  	s3 =	sld [smem:$0x3FFE];
	_ =	sdelay $0x1  }
0x8a: {  	s1 =	srdreg.scid  }
0x8b: {  	s0 =	sand.u32 $0x1, s1  }
0x8c: {  	s17 =	sshll.u32 s0, $0xA;
	s2 =	sadd.s32 s3, s2  }
0x8d: {  	s2 =	sadd.s32 s2, s17  }
0x8e: {  	[smem:$0x3FC6] =	sst s2  }
0x8f: {  	_ = 	snop  }
0x90: {  	s2 =	sld [smem:$0x3FD0];
	(tm) =	ssettm $0x1  }
0x91: {  	s18 =	sld [smem:$0x3FFB];
	_ =	sdelay $0x3  }
0x92: {  	_ =	strace s18  }
0x93: {  	s3 =	sld [smem:$0x3FFC];
	_ =	sdelay $0x3  }
0x94: {  	_ =	strace s3  }
0x95: {  	s3 =	sld [smem:$0x3FFD];
	_ =	sdelay $0x3  }
0x96: {  	_ =	strace s3  }
0x97: {  	_ =	strace $0x8FFFFFFF  }
0x98: {  	s19 =	sld [smem:$0x3FDB];
	_ =	sdelay $0x1  }
0x99: {  	s4 =	simm.s32 $_scs_section_size  }
0x9a: {  	s5 =	simm.s32 $_size__tile_overlayer_lowered;
	s6 =	simm.s32 $_tile_overlayer_lowered  }
0x9b: {  	s22 =	simm.s32 $0x1BFF;
	s21 =	sshll.u32 s6, $0x1;
	s3 =	sadd.s32 s4, s19  }
0x9c: {  	s7 =	simm.s32 $0x0;
	s20 =	sshll.u32 s5, $0x1;
	s5 =	sadd.s32 s21, s3  }
0x9d: {  	[timem:s7], [sflag:s22] =	dma.local [hbm:s5], s20  }
0x9e: {  	_ =	swait.ge [sflag:s22], s20  }
0x9f: {  	s4 =	ssub.s32 $0x0, s20;
	[sflag:s22] =	ssyncset.done $0x0  }
0xa0: {  	[sflag:s22] =	ssyncadd.s32 s4;
	_ =	sdelay $0x1  }
0xa1: {  	s23 =	simm.s32 $0x1B8B  }
0xa2: {  	_ =	swait.ge [sflag:s23], $0x1  }
0xa3: {  	[sflag:s23] =	ssyncset.done $0x0  }
0xa4: {  	s25 =	simm.s32 $0x1B8E;
	s24 =	sld [smem:$0x3FFE];
	[sflag:s23] =	ssyncadd.s32 $0xFFFFFFFF  }
0xa5: {  	s26 =	simm.s32 $execute0_lowered;
	[smem:$0x3FD2] =	sst s25  }
0xa6: {  	s5 =	sshll.u32 s26, $0x1;
	_ =	strace $0x80000049;
	[dreg:$0x1] =	wrdreg $0xFFFFFFFF  }
0xa7: {  	s28 =	simm.s32 $_size_execute0_lowered;
	s3 =	sadd.s32 s3, s5;
	[dreg:$0x0] =	wrdreg $0x0  }
0xa8: {  	s5 =	sshll.u32 s28, $0x1;
	[dreg:$0x2] =	wrdreg s3  }
0xa9: {  	[dreg:$0x3] =	wrdreg s5  }
0xaa: {  	[dreg:$0x4] =	wrdreg $0xC0  }
0xab: {  	_ =	task [dreg:s7], $0x5FFFF  }
0xac: {  	[dreg:$0x1] =	wrdreg $0xFFFFFFFF  }
0xad: {  	[dreg:$0x0] =	wrdreg $0x60  }
0xae: {  	[dreg:$0x2] =	wrdreg s24  }
0xaf: {  	[dreg:$0x3] =	wrdreg s2  }
0xb0: {  	[dreg:$0x4] =	wrdreg $0x9  }
0xb1: {  	_ =	task.clear_ibuf [dreg:s7], $0x5FFFF;
	_ =	strace $0x90000049  }
0xb2: {  	s29 =	simm.s32 $0x9;
	_ =	strace $0x8000004B  }
0xb3: {  	_ =	swait.ge [sflag:s29], $0x1  }
0xb4: {  	[sflag:s29] =	ssyncadd.s32 $0xFFFFFFFF  }
0xb5: {  	_ =	strace $0x9000004B  }
0xb6: {  	_ =	sfence  }
0xb7: {  	s30 =	sld [smem:$0x0];
	_ =	sdelay $0x2  }
0xb8: {  	s31 =	sshll.u32 s1, $0xD;
	s1 =	sshrl.u32 s1, $0x2  }
0xb9: {  	s3 =	sand.u32 $0x4000, s31;
	s1 =	sadd.s32 s1, s30  }
0xba: {  	s0 =	sor.u32 s3, s0;
	s1 =	sshll.u32 s1, $0x11  }
0xbb: {  	s0 =	sor.u32 s1, s0  }
0xbc: {  	s0 =	sadd.s32 $0x8F2B, s0  }
0xbd: {  	[sflag:s0] =	ssyncadd.remote.s32 $0x1  }
0xbe: {  	_ =	sfence.sel $0xFFFF  }
0xbf: {  	[dreg:$0x0] =	wrdreg $0xFFFFFFFF;
	(pc) =	sbr.abs _section_cstart, $3  }
0xc0: {  	[dreg:$0x1] =	wrdreg $0xFFFFFFFF  }
0xc1: {  	_ =	task.clear_ibuf [dreg:s7], $0x2FFFF;
	_ =	strace $0x9FFFFFFF  }
0xc2: {  	(tm) =	ssettm $0x7FFFFFFF  }
0xc3: {  	_ =	shalt  }
tec
execute0_lowered:
.L_overlay_start_1:
0x0: {  	(tag) =	ssettag $0x1  }
0x1: {  	s0 =	rddreg [dreg:$0x0]  }
0x2: {  	s8 =	rddreg [dreg:$0x1];
	s3 =	simm.s32 $0x0;
	s1 =	srdreg.scid  }
0x3: {  	s2 =	stileid.u32;
	s19 =	simm.s32 $0x80;
	s28 =	simm.s32 $0x4200  }
0x4: {  	s29 =	simm.s32 $0x400;
	s30 =	simm.s32 $0x8000;
	s31 =	simm.s32 $0x3  }
0x5: {  	s9 =	simm.s32 $0x7;
	s10 =	simm.s32 $0x8;
	[smem:$0x7FF] =	sst s3  }
0x6: {  	s1 =	sand.u32 $0x1, s1;
	s2 =	sshll.u32 s2, $0x1;
	s4 =	sadd.s32 $0x7A1C00, s0  }
0x7: {  	s5 =	sadd.s32 $0xA00, s0;
	s15 =	sadd.s32 $0x8000, s8;
	s16 =	sadd.s32 $0x10000, s8  }
0x8: {  	s17 =	sadd.s32 $0x18000, s8;
	s8 =	simm.s32 $0x4;
	s3 =	simm.s32 $0x0  }
0x9: {  	_ =	strace $0x8000004A;
	s20 =	ssub.s32 $0x2, s1;
	s1 =	sor.u32 s1, s2  }
0xa: {  	s21 =	sshrl.u32 s20, $0x1;
	s6 =	sshll.u32 s1, $0x4;
	s7 =	sshll.u32 s1, $0x7  }
0xb: {  	s1 =	simm.s32 $0x6200;
	s22 =	ssub.s32 s20, s21;
	s23 =	sadd.s32 s4, s6  }
0xc: {  	v0 =	vlaneseq.u32;
	s11 =	sor.u32 $0x4000, s7;
	s24 =	sadd.s32 $0x200, s23;
	[dreg:$0x3] =	wrdreg s23  }
0xd: {  	v1 =	vmul.u32 $0x40, v0;
	v3 =	vor.u32 $0x10, v0;
	v5 =	vor.u32 $0x20, v0;
	s12 =	sor.u32 $0x5000, s7;
	s25 =	sadd.s32 $0x400, s23;
	[dreg:$0x4] =	wrdreg s24  }
0xe: {  	v7 =	vor.u32 $0x30, v0;
	v9 =	vor.u32 $0x40, v0;
	v11 =	vor.u32 $0x50, v0;
	s13 =	sor.u32 $0x6000, s7;
	s26 =	sadd.s32 $0x600, s23;
	[dreg:$0x5] =	wrdreg s25  }
0xf: {  	v13 =	vor.u32 $0x60, v0;
	v15 =	vor.u32 $0x70, v0;
	v2 =	vor.u32 $0x400, v1;
	s14 =	sor.u32 $0x7000, s7;
	s0 =	smax.u32 s22, $0x1;
	[dreg:$0x6] =	wrdreg s26  }
0x10: {  	v4 =	vor.u32 $0x800, v1;
	v6 =	vor.u32 $0xC00, v1;
	v8 =	vor.u32 $0x1000, v1;
	s23 =	simm.s32 $0x200;
	[dreg:$0x7] =	wrdreg s0;
	s24 =	simm.s32 $0x2  }
0x11: {  	v10 =	vor.u32 $0x1400, v1;
	v12 =	vor.u32 $0x1800, v1;
	v14 =	vor.u32 $0x1C00, v1;
	s25 =	simm.s32 $0x2200;
	s26 =	simm.s32 $0x5;
	s0 =	simm.s32 $0x6  }
.LBB2_1:
0x12: {  	[dreg:$0x8] =	wrdreg s3  }
0x13: {  	s2 =	simm.s32 $0x0;
	s22 =	rddreg [dreg:$0x3]  }
0x14: {  	[tilespmem:s2], [sflag:$0x1] =	stream.linear.gather [hbm4b:s22+s2], $0x80, $0x38;
	[tilespmem:$0x8200] =	vst v63  }
0x15: {  	s6 =	rddreg [dreg:$0x4]  }
0x16: {  	[tilespmem:s19], [sflag:$0x2] =	stream.linear.gather [hbm4b:s6+s2], $0x80, $0x38;
	[tilespmem:$0x8200] =	vst v63  }
0x17: {  	s18 =	rddreg [dreg:$0x5];
	s6 =	simm.s32 $0x100  }
0x18: {  	[tilespmem:s6], [sflag:$0x3] =	stream.linear.gather [hbm4b:s18+s2], $0x80, $0x38;
	[tilespmem:$0x8200] =	vst v63  }
0x19: {  	s20 =	rddreg [dreg:$0x6];
	s21 =	simm.s32 $0x180;
	s22 =	simm.s32 $0x1  }
0x1a: {  	[tilespmem:s21], [sflag:$0x4] =	stream.linear.gather [hbm4b:s20+s2], $0x80, $0x38;
	[tilespmem:$0x8200] =	vst v63  }
0x1b: {  	_ =	swait.ge [sflag:s22], $0x80  }
0x1c: {  	[sflag:s22] =	ssyncset.done $0x0  }
0x1d: {  	s6 =	simm.s32 $0x0;
	[sflag:s22] =	ssyncadd.s32 $0xFFFFFF80  }
0x1e: {  	[tilespmem:s23], [sflag:$0x5] =	stream.indirect.gather [hbm4b:s5+s19], $0x40, s2, s19, $0xb8;
	[tilespmem:$0x8200] =	vst v63  }
.LBB2_2:
0x1f: {  	_ =	swait.ge [sflag:s24], $0x80;
	p0 =	seq.s32 s6, $0x31  }
0x20: {  	[sflag:s24] =	ssyncset.done $0x0;
	p1 =	seq.s32 @!p0 s6, $0x0  }
0x21: {  	[sflag:s24] =	ssyncadd.s32 $0xFFFFFF80;
	p1 =	por p0, !p1  }
0x22: {  	[tilespmem:s25], [sflag:$0x6] =	stream.indirect.gather [hbm4b:s5+s19], $0x40, s19, s19, $0xb8;
	[tilespmem:$0x8200] =	vst v63  }
.Ltmp0:
0x23: {  	s3 =	sshll.u32 @!p0 s6, $0xE;
	(pc) =	sbr.rel @!p1 .LBB2_3-.Ltmp0, $4  }
0x24: {  	s2 =	sadd.s32 @!p0 s11, s3;
	_ =	swait.ge [sflag:s26], $0x2000  }
0x25: {  	s2 =	sshrl.u32 @!p0 s2, $0x3;
	[sflag:s26] =	ssyncset.done $0x0  }
0x26: {  	s18 =	simm.s32 @!p0 $0x0;
	s2 =	sadd.s32 @!p0 s4, s2;
	[sflag:s26] =	ssyncadd.s32 $0xFFFFE000  }
0x27: {  	[tilespmem:s18], [sflag:$0x1] =	stream.linear.gather @!p0 [hbm4b:s2+s18], $0x80, $0x38;
	[tilespmem:$0x8200] =	vst v63  }
.Ltmp1:
0x28: {  	(pc) =	sbr.rel .LBB2_5-.Ltmp1, $4  }
0x29: {  	_ = 	snop  }
0x2a: {  	_ =	swait.ge [sflag:s9], $0x2000  }
0x2b: {  	[sflag:s9] =	ssyncset.done $0x0  }
0x2c: {  	p1 =	por $0x0, $0x0;
	[sflag:s9] =	ssyncadd.s32 $0xFFFFE000  }
.LBB2_3:
0x2d: {  	p1 =	por @!p0 $0x1, $0x1  }
.LBB2_5:
0x2e: {  	s2 =	simm.s32 $0x1  }
0x2f: {  	s18 =	simm.s32 $0x0;
	v16 =	vadd.s32 s2, v0  }
0x30: {  	s20 =	sand.u32 $0x30, s18;
	v17 =	vand.u32 $0xF, v16  }
0x31: {  	v17 =	vor.u32 s20, v17  }
0x32: {  	v18 =	vand.u32 $0x7, v16;
	v19 =	vand.u32 $0x38, v17  }
0x33: {  	v27 =	vor.u32 v18, v19  }
0x34: {  	v18 =	vadd.s32 s18, v0;
	v19 =	vor.u32 v1, v27  }
0x35: {  	v16 =	vshll.u32 v16, $0x7;
	v20 =	vand.u32 $0xF, v18  }
0x36: {  	v16 =	vand.u32 $0x380, v16;
	v17 =	vshll.u32 v17, $0x7;
	v20 =	vor.u32 s20, v20  }
0x37: {  	v17 =	vand.u32 $0x1C00, v17;
	v21 =	vand.u32 $0x7, v18;
	v22 =	vand.u32 $0x38, v20  }
0x38: {  	v29 =	vor.u32 v16, v17;
	v26 =	vor.u32 v21, v22  }
0x39: {  	v16 =	vor.u32 v1, v26;
	v17 =	vld.idx.msk [tilespmem:v19+s23+$0x0], $0xffff;
	v19 =	vor.u32 v0, v29  }
0x3a: {  	v21 =	vor.u32 v2, v27  }
0x3b: {  	v18 =	vshll.u32 v18, $0x7;
	v20 =	vshll.u32 v20, $0x7  }
0x3c: {  	v18 =	vand.u32 $0x380, v18;
	v20 =	vand.u32 $0x1C00, v20  }
0x3d: {  	v28 =	vor.u32 v18, v20  }
0x3e: {  	v18 =	vor.u32 v0, v28;
	v16 =	vld.idx.msk [tilespmem:v16+s23+$0x0], $0xffff;
	[tilespmem:v19+s28+$0x0] =	vst.idx.msk $0xffff, v17  }
0x3f: {  	v20 =	vor.u32 v3, v29;
	v17 =	vor.u32 v2, v26;
	v19 =	vld.idx.msk [tilespmem:v21+s23+$0x0], $0xffff  }
0x40: {  	v21 =	vor.u32 v4, v27  }
0x41: {  	s21 =	simm.s32 $0x3;
	v25 =	vor.u32 v6, v27  }
0x42: {  	s22 =	simm.s32 $0x2;
	v55 =	vor.u32 v12, v27;
	v39 =	vor.u32 v10, v27;
	v22 =	vadd.s32 s21, v0  }
0x43: {  	s20 =	sand.u32 $0x30, s22;
	v34 =	vor.u32 v7, v29;
	v24 =	vor.u32 v3, v28;
	[tilespmem:v18+s28+$0x0] =	vst.idx.msk $0xffff, v16;
	v18 =	vand.u32 $0xF, v22  }
0x44: {  	v16 =	vor.u32 v4, v26;
	v23 =	vld.idx.msk [tilespmem:v17+s23+$0x0], $0xffff;
	v18 =	vor.u32 s20, v18;
	[tilespmem:v20+s28+$0x0] =	vst.idx.msk $0xffff, v19  }
0x45: {  	v17 =	vand.u32 $0x7, v22;
	v19 =	vor.u32 v5, v29;
	v20 =	vld.idx.msk [tilespmem:v21+s23+$0x0], $0xffff;
	v21 =	vand.u32 $0x38, v18  }
0x46: {  	v37 =	vor.u32 v9, v29;
	v50 =	vor.u32 v13, v29;
	v17 =	vor.u32 v17, v21  }
0x47: {  	v41 =	vor.u32 v10, v26;
	v21 =	vadd.s32 s22, v0;
	v30 =	vor.u32 v1, v17  }
0x48: {  	v31 =	vor.u32 v5, v28;
	v22 =	vshll.u32 v22, $0x7;
	v32 =	vand.u32 $0xF, v21  }
0x49: {  	v22 =	vand.u32 $0x380, v22;
	v18 =	vshll.u32 v18, $0x7;
	v32 =	vor.u32 s20, v32;
	[tilespmem:v24+s28+$0x0] =	vst.idx.msk $0xffff, v23  }
0x4a: {  	v18 =	vand.u32 $0x1C00, v18;
	v33 =	vand.u32 $0x7, v21;
	v23 =	vand.u32 $0x38, v32;
	v24 =	vld.idx.msk [tilespmem:v16+s23+$0x0], $0xffff;
	[tilespmem:v19+s28+$0x0] =	vst.idx.msk $0xffff, v20  }
0x4b: {  	v16 =	vor.u32 v22, v18;
	v22 =	vor.u32 v6, v26;
	v19 =	vor.u32 v33, v23;
	v25 =	vld.idx.msk [tilespmem:v25+s23+$0x0], $0xffff  }
0x4c: {  	v35 =	vor.u32 v9, v28;
	v33 =	vor.u32 v1, v19;
	v23 =	vld.idx.msk [tilespmem:v30+s23+$0x0], $0xffff;
	v30 =	vor.u32 v0, v16  }
0x4d: {  	v36 =	vor.u32 v11, v28;
	v20 =	vshll.u32 v21, $0x7;
	v21 =	vor.u32 v8, v27  }
0x4e: {  	v54 =	vor.u32 v2, v17;
	v40 =	vor.u32 v4, v17;
	v18 =	vshll.u32 v32, $0x7  }
0x4f: {  	v42 =	vor.u32 v6, v17;
	v18 =	vand.u32 $0x1C00, v18;
	v20 =	vand.u32 $0x380, v20;
	[tilespmem:v31+s28+$0x0] =	vst.idx.msk $0xffff, v24  }
0x50: {  	v18 =	vor.u32 v20, v18;
	v24 =	vor.u32 v7, v28;
	v22 =	vld.idx.msk [tilespmem:v22+s23+$0x0], $0xffff;
	[tilespmem:v34+s28+$0x0] =	vst.idx.msk $0xffff, v25  }
0x51: {  	v31 =	vor.u32 v8, v26;
	v25 =	vor.u32 v0, v18;
	[tilespmem:v30+s28+$0x0] =	vst.idx.msk $0xffff, v23;
	v23 =	vld.idx.msk [tilespmem:v33+s23+$0x0], $0xffff  }
0x52: {  	v38 =	vor.u32 v3, v16;
	v45 =	vor.u32 v5, v16;
	v56 =	vor.u32 v2, v19;
	v21 =	vld.idx.msk [tilespmem:v21+s23+$0x0], $0xffff  }
0x53: {  	v53 =	vor.u32 v7, v16;
	v27 =	vor.u32 v14, v27;
	v43 =	vor.u32 v4, v19;
	v32 =	vld.idx.msk [tilespmem:v54+s23+$0x0], $0xffff  }
0x54: {  	v51 =	vor.u32 v6, v19;
	v20 =	vor.u32 v9, v18;
	v44 =	vor.u32 v5, v18  }
0x55: {  	s21 =	simm.s32 $0x4;
	s22 =	simm.s32 $0x5;
	v46 =	vor.u32 v3, v18;
	v30 =	vor.u32 v12, v26;
	[tilespmem:v24+s28+$0x0] =	vst.idx.msk $0xffff, v22  }
0x56: {  	v24 =	vor.u32 v11, v29;
	[tilespmem:v25+s28+$0x0] =	vst.idx.msk $0xffff, v23;
	v23 =	vld.idx.msk [tilespmem:v31+s23+$0x0], $0xffff;
	v25 =	vadd.s32 s21, v0;
	v31 =	vadd.s32 s22, v0  }
0x57: {  	s2 =	sand.u32 $0x30, s21;
	[tilespmem:v37+s28+$0x0] =	vst.idx.msk $0xffff, v21;
	v34 =	vld.idx.msk [tilespmem:v56+s23+$0x0], $0xffff;
	v21 =	vand.u32 $0xF, v25;
	v22 =	vand.u32 $0x7, v25;
	v57 =	vand.u32 $0xF, v31  }
0x58: {  	[tilespmem:v38+s28+$0x0] =	vst.idx.msk $0xffff, v32;
	v58 =	vld.idx.msk [tilespmem:v39+s23+$0x0], $0xffff;
	v60 =	vand.u32 $0x7, v31;
	v59 =	vor.u32 s2, v21;
	v21 =	vor.u32 s2, v57  }
0x59: {  	v31 =	vshll.u32 v31, $0x7;
	v61 =	vld.idx.msk [tilespmem:v40+s23+$0x0], $0xffff;
	v62 =	vand.u32 $0x38, v59;
	v47 =	vand.u32 $0x38, v21  }
0x5a: {  	v48 =	vshll.u32 v21, $0x7;
	v21 =	vor.u32 v22, v62;
	v22 =	vor.u32 v60, v47  }
0x5b: {  	v29 =	vor.u32 v15, v29;
	v31 =	vand.u32 $0x380, v31;
	v47 =	vor.u32 v1, v22;
	[tilespmem:v35+s28+$0x0] =	vst.idx.msk $0xffff, v23  }
0x5c: {  	v63 =	vand.u32 $0x1C00, v48;
	v40 =	vor.u32 v1, v21;
	v23 =	vshll.u32 v59, $0x7;
	[tilespmem:v46+s28+$0x0] =	vst.idx.msk $0xffff, v34;
	v48 =	vld.idx.msk [tilespmem:v41+s23+$0x0], $0xffff  }
0x5d: {  	v49 =	vand.u32 $0x1C00, v23;
	v23 =	vor.u32 v31, v63;
	[tilespmem:v24+s28+$0x0] =	vst.idx.msk $0xffff, v58;
	v31 =	vld.idx.msk [tilespmem:v43+s23+$0x0], $0xffff  }
0x5e: {  	v25 =	vshll.u32 v25, $0x7;
	v56 =	vor.u32 v8, v17;
	[tilespmem:v45+s28+$0x0] =	vst.idx.msk $0xffff, v61;
	v32 =	vld.idx.msk [tilespmem:v55+s23+$0x0], $0xffff  }
0x5f: {  	v39 =	vor.u32 v9, v16;
	v25 =	vand.u32 $0x380, v25;
	v62 =	vor.u32 v14, v26;
	v52 =	vld.idx.msk [tilespmem:v42+s23+$0x0], $0xffff  }
0x60: {  	v26 =	vor.u32 v12, v19;
	v24 =	vor.u32 v25, v49;
	v55 =	vor.u32 v0, v23;
	v54 =	vld.idx.msk [tilespmem:v47+s23+$0x0], $0xffff  }
0x61: {  	v57 =	vor.u32 v2, v22;
	v59 =	vor.u32 v0, v24;
	v58 =	vld.idx.msk [tilespmem:v40+s23+$0x0], $0xffff;
	[tilespmem:v36+s28+$0x0] =	vst.idx.msk $0xffff, v48  }
0x62: {  	v35 =	vor.u32 v8, v19;
	[tilespmem:v44+s28+$0x0] =	vst.idx.msk $0xffff, v31;
	v31 =	vor.u32 v13, v28;
	v60 =	vld.idx.msk [tilespmem:v30+s23+$0x0], $0xffff  }
0x63: {  	v34 =	vor.u32 v10, v17;
	v61 =	vor.u32 v7, v18;
	[tilespmem:v50+s28+$0x0] =	vst.idx.msk $0xffff, v32;
	v63 =	vld.idx.msk [tilespmem:v51+s23+$0x0], $0xffff  }
0x64: {  	v41 =	vor.u32 v4, v22;
	v43 =	vor.u32 v2, v21;
	[tilespmem:v53+s28+$0x0] =	vst.idx.msk $0xffff, v52  }
0x65: {  	v25 =	vor.u32 v9, v24;
	v42 =	vor.u32 v3, v23;
	v33 =	vld.idx.msk [tilespmem:v27+s23+$0x0], $0xffff;
	[tilespmem:v55+s28+$0x0] =	vst.idx.msk $0xffff, v54  }
0x66: {  	v36 =	vor.u32 v6, v22;
	v30 =	vor.u32 v15, v28;
	v38 =	vld.idx.msk [tilespmem:v56+s23+$0x0], $0xffff;
	[tilespmem:v59+s28+$0x0] =	vst.idx.msk $0xffff, v58  }
0x67: {  	v28 =	vor.u32 v12, v17;
	v32 =	vor.u32 v10, v19;
	v40 =	vld.idx.msk [tilespmem:v57+s23+$0x0], $0xffff;
	[tilespmem:v31+s28+$0x0] =	vst.idx.msk $0xffff, v60  }
0x68: {  	s18 =	simm.s32 $0x6;
	s22 =	simm.s32 $0x8;
	v27 =	vor.u32 v11, v18;
	v31 =	vor.u32 v11, v16;
	[tilespmem:v61+s28+$0x0] =	vst.idx.msk $0xffff, v63;
	v37 =	vld.idx.msk [tilespmem:v62+s23+$0x0], $0xffff  }
.LBB2_6:
0x69: {  	p2 =	slt.u32 s22, $0x3E;
	v44 =	vor.u32 v4, v21;
	v45 =	vor.u32 v5, v24  }
0x6a: {  	s2 =	sadd.s32 $0x1, s18;
	v46 =	vor.u32 v5, v23;
	v35 =	vld.idx.msk [tilespmem:v35+s23+$0x0], $0xffff;
	v47 =	vmovc v16;
	v16 =	vmovc v23;
	v48 =	vmov v18;
	v18 =	vmov v24;
	s20 =	smov.u32 s22;
	s22 =	sadd.s32 $0x2, s22  }
0x6b: {  	v23 =	vadd.s32 s18, v0;
	v24 =	vadd.s32 s2, v0;
	v43 =	vld.idx.msk [tilespmem:v43+s23+$0x0], $0xffff;
	v49 =	vor.u32 v3, v18;
	[tilespmem:v39+s28+$0x0] =	vst.idx.msk $0xffff, v38  }
0x6c: {  	s2 =	sand.u32 $0x30, s18;
	v38 =	vand.u32 $0xF, v23;
	v39 =	vand.u32 $0x7, v23;
	s18 =	smov.u32 s20;
	v50 =	vand.u32 $0xF, v24;
	[tilespmem:v42+s28+$0x0] =	vst.idx.msk $0xffff, v40;
	v34 =	vld.idx.msk [tilespmem:v34+s23+$0x0], $0xffff  }
0x6d: {  	v38 =	vor.u32 s2, v38;
	v42 =	vand.u32 $0x7, v24;
	v40 =	vor.u32 s2, v50;
	v41 =	vld.idx.msk [tilespmem:v41+s23+$0x0], $0xffff  }
0x6e: {  	v50 =	vand.u32 $0x38, v38;
	v51 =	vand.u32 $0x38, v40;
	v40 =	vshll.u32 v40, $0x7;
	[tilespmem:v29+s28+$0x0] =	vst.idx.msk $0xffff, v33  }
0x6f: {  	v50 =	vor.u32 v39, v50;
	v29 =	vor.u32 v42, v51;
	v33 =	vand.u32 $0x1C00, v40;
	[tilespmem:v30+s28+$0x0] =	vst.idx.msk $0xffff, v37  }
0x70: {  	v24 =	vshll.u32 v24, $0x7;
	v30 =	vor.u32 v1, v50;
	v37 =	vor.u32 v1, v29;
	[tilespmem:v20+s28+$0x0] =	vst.idx.msk $0xffff, v35  }
0x71: {  	v23 =	vshll.u32 v23, $0x7;
	v24 =	vand.u32 $0x380, v24;
	v35 =	vshll.u32 v38, $0x7;
	v20 =	vmovc v25;
	[tilespmem:v49+s28+$0x0] =	vst.idx.msk $0xffff, v43;
	v32 =	vld.idx.msk [tilespmem:v32+s23+$0x0], $0xffff  }
0x72: {  	v25 =	vand.u32 $0x1C00, v35;
	v35 =	vand.u32 $0x380, v23;
	v23 =	vor.u32 v24, v33;
	v33 =	vld.idx.msk [tilespmem:v44+s23+$0x0], $0xffff;
	[tilespmem:v31+s28+$0x0] =	vst.idx.msk $0xffff, v34  }
0x73: {  	v24 =	vor.u32 v35, v25;
	v31 =	vor.u32 v6, v21;
	[tilespmem:v46+s28+$0x0] =	vst.idx.msk $0xffff, v41;
	v28 =	vld.idx.msk [tilespmem:v28+s23+$0x0], $0xffff  }
0x74: {  	v35 =	vor.u32 v13, v47;
	v25 =	vor.u32 v9, v24;
	v34 =	vld.idx.msk [tilespmem:v36+s23+$0x0], $0xffff  }
0x75: {  	v38 =	vor.u32 v14, v17;
	v17 =	vmovc v22;
	v22 =	vmov v29;
	v36 =	vld.idx.msk [tilespmem:v37+s23+$0x0], $0xffff;
	v37 =	vor.u32 v7, v16  }
0x76: {  	v40 =	vor.u32 v8, v17;
	v39 =	vor.u32 v0, v23  }
0x77: {  	v29 =	vor.u32 v15, v47;
	v42 =	vor.u32 v2, v22;
	v41 =	vld.idx.msk [tilespmem:v30+s23+$0x0], $0xffff;
	[tilespmem:v27+s28+$0x0] =	vst.idx.msk $0xffff, v32  }
0x78: {  	v32 =	vor.u32 v0, v24;
	[tilespmem:v45+s28+$0x0] =	vst.idx.msk $0xffff, v33;
	v44 =	vld.idx.msk [tilespmem:v26+s23+$0x0], $0xffff;
	v45 =	vor.u32 v13, v48  }
0x79: {  	v47 =	vor.u32 v14, v19;
	v46 =	vor.u32 v7, v18;
	v31 =	vld.idx.msk [tilespmem:v31+s23+$0x0], $0xffff;
	[tilespmem:v35+s28+$0x0] =	vst.idx.msk $0xffff, v28  }
0x7a: {  	v30 =	vor.u32 v15, v48;
	v35 =	vor.u32 v8, v21;
	[tilespmem:v37+s28+$0x0] =	vst.idx.msk $0xffff, v34;
	v33 =	vld.idx.msk [tilespmem:v38+s23+$0x0], $0xffff  }
.Ltmp2:
0x7b: {  	v26 =	vor.u32 v12, v21;
	v28 =	vor.u32 v12, v17;
	[tilespmem:v39+s28+$0x0] =	vst.idx.msk $0xffff, v36;
	v38 =	vld.idx.msk [tilespmem:v40+s23+$0x0], $0xffff;
	(pc) =	sbr.rel @p2 .LBB2_6-.Ltmp2, $4  }
0x7c: {  	v43 =	vor.u32 v2, v50;
	v27 =	vor.u32 v11, v18;
	v39 =	vor.u32 v9, v16;
	v40 =	vld.idx.msk [tilespmem:v42+s23+$0x0], $0xffff  }
0x7d: {  	v19 =	vmov v21;
	v34 =	vor.u32 v10, v17;
	v42 =	vor.u32 v3, v23;
	[tilespmem:v32+s28+$0x0] =	vst.idx.msk $0xffff, v41  }
0x7e: {  	v21 =	vmov v50;
	v41 =	vor.u32 v4, v22;
	v32 =	vor.u32 v10, v19;
	[tilespmem:v45+s28+$0x0] =	vst.idx.msk $0xffff, v44  }
0x7f: {  	v36 =	vor.u32 v6, v22;
	[tilespmem:v46+s28+$0x0] =	vst.idx.msk $0xffff, v31;
	v31 =	vor.u32 v11, v16;
	v37 =	vld.idx.msk [tilespmem:v47+s23+$0x0], $0xffff  }
0x80: {  	s2 =	sadd.s32 $0x1, s18  }
0x81: {  	v44 =	vadd.s32 s2, v0  }
0x82: {  	v45 =	vadd.s32 s18, v0;
	s22 =	sand.u32 $0x30, s18;
	v46 =	vand.u32 $0xF, v44  }
0x83: {  	v47 =	vand.u32 $0xF, v45;
	v46 =	vor.u32 s22, v46  }
0x84: {  	v47 =	vor.u32 s22, v47;
	v48 =	vand.u32 $0x7, v44;
	v49 =	vand.u32 $0x38, v46  }
0x85: {  	v50 =	vand.u32 $0x7, v45;
	v51 =	vand.u32 $0x38, v47;
	v48 =	vor.u32 v48, v49  }
0x86: {  	v49 =	vor.u32 v50, v51;
	v56 =	vor.u32 v1, v48  }
0x87: {  	v51 =	vor.u32 v1, v49  }
0x88: {  	v45 =	vshll.u32 v45, $0x7;
	v44 =	vshll.u32 v44, $0x7;
	v46 =	vshll.u32 v46, $0x7  }
0x89: {  	v47 =	vshll.u32 v47, $0x7;
	v44 =	vand.u32 $0x380, v44;
	v46 =	vand.u32 $0x1C00, v46  }
0x8a: {  	v45 =	vand.u32 $0x380, v45;
	v47 =	vand.u32 $0x1C00, v47;
	v44 =	vor.u32 v44, v46  }
0x8b: {  	v45 =	vor.u32 v45, v47;
	v58 =	vor.u32 v0, v44;
	v57 =	vld.idx.msk [tilespmem:v56+s23+$0x0], $0xffff  }
0x8c: {  	v60 =	vor.u32 v2, v48;
	v52 =	vor.u32 v0, v45;
	v59 =	vld.idx.msk [tilespmem:v51+s23+$0x0], $0xffff  }
0x8d: {  	v53 =	vor.u32 v2, v49;
	_ =	sdelay $0x2  }
0x8e: {  	v43 =	vld.idx.msk [tilespmem:v43+s23+$0x0], $0xffff;
	v54 =	vor.u32 v3, v24;
	[tilespmem:v58+s28+$0x0] =	vst.idx.msk $0xffff, v57  }
0x8f: {  	v61 =	vor.u32 v4, v21;
	v62 =	vor.u32 v3, v44;
	[tilespmem:v52+s28+$0x0] =	vst.idx.msk $0xffff, v59;
	v47 =	vld.idx.msk [tilespmem:v60+s23+$0x0], $0xffff  }
0x90: {  	v63 =	vor.u32 v4, v48;
	v57 =	vor.u32 v3, v45;
	v52 =	vld.idx.msk [tilespmem:v53+s23+$0x0], $0xffff  }
0x91: {  	v55 =	vor.u32 v4, v49  }
0x92: {  	[tilespmem:v42+s28+$0x0] =	vst.idx.msk $0xffff, v40  }
0x93: {  	v41 =	vld.idx.msk [tilespmem:v41+s23+$0x0], $0xffff;
	[tilespmem:v54+s28+$0x0] =	vst.idx.msk $0xffff, v43;
	v58 =	vor.u32 v5, v23  }
0x94: {  	v43 =	vld.idx.msk [tilespmem:v61+s23+$0x0], $0xffff;
	v59 =	vor.u32 v5, v24;
	[tilespmem:v62+s28+$0x0] =	vst.idx.msk $0xffff, v47  }
0x95: {  	v61 =	vor.u32 v5, v44;
	v60 =	vor.u32 v6, v21;
	[tilespmem:v57+s28+$0x0] =	vst.idx.msk $0xffff, v52;
	v50 =	vld.idx.msk [tilespmem:v63+s23+$0x0], $0xffff  }
0x96: {  	v62 =	vor.u32 v6, v48;
	v63 =	vor.u32 v5, v45;
	v53 =	vld.idx.msk [tilespmem:v55+s23+$0x0], $0xffff  }
0x97: {  	v57 =	vor.u32 v6, v49  }
0x98: {  	[tilespmem:v58+s28+$0x0] =	vst.idx.msk $0xffff, v41  }
0x99: {  	[tilespmem:v59+s28+$0x0] =	vst.idx.msk $0xffff, v43;
	v58 =	vor.u32 v7, v23;
	v36 =	vld.idx.msk [tilespmem:v36+s23+$0x0], $0xffff  }
0x9a: {  	v59 =	vor.u32 v8, v22;
	v42 =	vld.idx.msk [tilespmem:v60+s23+$0x0], $0xffff;
	v60 =	vor.u32 v7, v24;
	[tilespmem:v61+s28+$0x0] =	vst.idx.msk $0xffff, v50  }
0x9b: {  	[tilespmem:v63+s28+$0x0] =	vst.idx.msk $0xffff, v53;
	v61 =	vor.u32 v8, v21;
	v47 =	vld.idx.msk [tilespmem:v62+s23+$0x0], $0xffff;
	v62 =	vor.u32 v7, v44  }
0x9c: {  	[tilespmem:v39+s28+$0x0] =	vst.idx.msk $0xffff, v38;
	v56 =	vor.u32 v7, v45;
	v63 =	vor.u32 v8, v48;
	v55 =	vld.idx.msk [tilespmem:v57+s23+$0x0], $0xffff  }
0x9d: {  	[tilespmem:v29+s28+$0x0] =	vst.idx.msk $0xffff, v33;
	v29 =	vor.u32 v8, v49  }
0x9e: {  	[tilespmem:v58+s28+$0x0] =	vst.idx.msk $0xffff, v36;
	v57 =	vld.idx.msk [tilespmem:v35+s23+$0x0], $0xffff  }
0x9f: {  	[tilespmem:v60+s28+$0x0] =	vst.idx.msk $0xffff, v42;
	v58 =	vld.idx.msk [tilespmem:v59+s23+$0x0], $0xffff;
	v59 =	vor.u32 v9, v23  }
0xa0: {  	v60 =	vor.u32 v10, v22;
	v61 =	vld.idx.msk [tilespmem:v61+s23+$0x0], $0xffff;
	[tilespmem:v62+s28+$0x0] =	vst.idx.msk $0xffff, v47  }
0xa1: {  	v62 =	vor.u32 v10, v21;
	[tilespmem:v56+s28+$0x0] =	vst.idx.msk $0xffff, v55;
	v38 =	vld.idx.msk [tilespmem:v63+s23+$0x0], $0xffff;
	v63 =	vor.u32 v9, v44  }
0xa2: {  	[tilespmem:v30+s28+$0x0] =	vst.idx.msk $0xffff, v37;
	v30 =	vor.u32 v9, v45;
	v46 =	vor.u32 v10, v48;
	v29 =	vld.idx.msk [tilespmem:v29+s23+$0x0], $0xffff  }
0xa3: {  	v34 =	vld.idx.msk [tilespmem:v34+s23+$0x0], $0xffff;
	[tilespmem:v20+s28+$0x0] =	vst.idx.msk $0xffff, v57;
	v20 =	vor.u32 v10, v49  }
0xa4: {  	[tilespmem:v59+s28+$0x0] =	vst.idx.msk $0xffff, v58;
	v32 =	vld.idx.msk [tilespmem:v32+s23+$0x0], $0xffff  }
0xa5: {  	v47 =	vor.u32 v11, v23;
	v35 =	vld.idx.msk [tilespmem:v60+s23+$0x0], $0xffff;
	[tilespmem:v25+s28+$0x0] =	vst.idx.msk $0xffff, v61  }
0xa6: {  	v50 =	vor.u32 v11, v24;
	v25 =	vor.u32 v12, v22;
	v51 =	vld.idx.msk [tilespmem:v62+s23+$0x0], $0xffff;
	[tilespmem:v63+s28+$0x0] =	vst.idx.msk $0xffff, v38  }
0xa7: {  	v52 =	vor.u32 v12, v21;
	v53 =	vor.u32 v11, v44;
	[tilespmem:v30+s28+$0x0] =	vst.idx.msk $0xffff, v29;
	v37 =	vld.idx.msk [tilespmem:v46+s23+$0x0], $0xffff  }
0xa8: {  	[tilespmem:v31+s28+$0x0] =	vst.idx.msk $0xffff, v34;
	v29 =	vor.u32 v12, v48;
	v30 =	vor.u32 v11, v45;
	v20 =	vld.idx.msk [tilespmem:v20+s23+$0x0], $0xffff  }
0xa9: {  	v31 =	vor.u32 v13, v16;
	v28 =	vld.idx.msk [tilespmem:v28+s23+$0x0], $0xffff;
	[tilespmem:v27+s28+$0x0] =	vst.idx.msk $0xffff, v32;
	v27 =	vor.u32 v12, v49  }
0xaa: {  	v17 =	vor.u32 v14, v17;
	v54 =	vor.u32 v13, v18;
	[tilespmem:v47+s28+$0x0] =	vst.idx.msk $0xffff, v35;
	v26 =	vld.idx.msk [tilespmem:v26+s23+$0x0], $0xffff  }
0xab: {  	v19 =	vor.u32 v14, v19;
	v55 =	vor.u32 v13, v23;
	v25 =	vld.idx.msk [tilespmem:v25+s23+$0x0], $0xffff;
	[tilespmem:v50+s28+$0x0] =	vst.idx.msk $0xffff, v51  }
0xac: {  	v57 =	vor.u32 v13, v24;
	v22 =	vor.u32 v14, v22;
	v56 =	vld.idx.msk [tilespmem:v52+s23+$0x0], $0xffff;
	[tilespmem:v53+s28+$0x0] =	vst.idx.msk $0xffff, v37  }
0xad: {  	v58 =	vor.u32 v13, v44;
	v21 =	vor.u32 v14, v21;
	[tilespmem:v30+s28+$0x0] =	vst.idx.msk $0xffff, v20;
	v29 =	vld.idx.msk [tilespmem:v29+s23+$0x0], $0xffff  }
0xae: {  	[tilespmem:v31+s28+$0x0] =	vst.idx.msk $0xffff, v28;
	v28 =	vor.u32 v13, v45;
	v20 =	vor.u32 v14, v48;
	v27 =	vld.idx.msk [tilespmem:v27+s23+$0x0], $0xffff  }
0xaf: {  	v16 =	vor.u32 v15, v16;
	v17 =	vld.idx.msk [tilespmem:v17+s23+$0x0], $0xffff;
	[tilespmem:v54+s28+$0x0] =	vst.idx.msk $0xffff, v26;
	v26 =	vor.u32 v14, v49  }
0xb0: {  	v18 =	vor.u32 v15, v18;
	v19 =	vld.idx.msk [tilespmem:v19+s23+$0x0], $0xffff;
	[tilespmem:v55+s28+$0x0] =	vst.idx.msk $0xffff, v25  }
0xb1: {  	v23 =	vor.u32 v15, v23;
	v22 =	vld.idx.msk [tilespmem:v22+s23+$0x0], $0xffff;
	[tilespmem:v57+s28+$0x0] =	vst.idx.msk $0xffff, v56  }
0xb2: {  	v24 =	vor.u32 v15, v24;
	v21 =	vld.idx.msk [tilespmem:v21+s23+$0x0], $0xffff;
	[tilespmem:v58+s28+$0x0] =	vst.idx.msk $0xffff, v29  }
0xb3: {  	v25 =	vor.u32 v15, v44;
	[tilespmem:v28+s28+$0x0] =	vst.idx.msk $0xffff, v27;
	v20 =	vld.idx.msk [tilespmem:v20+s23+$0x0], $0xffff  }
0xb4: {  	[tilespmem:v16+s28+$0x0] =	vst.idx.msk $0xffff, v17;
	v16 =	vor.u32 v15, v45;
	v17 =	vld.idx.msk [tilespmem:v26+s23+$0x0], $0xffff  }
0xb5: {  	[tilespmem:v18+s28+$0x0] =	vst.idx.msk $0xffff, v19  }
0xb6: {  	[tilespmem:v23+s28+$0x0] =	vst.idx.msk $0xffff, v22  }
0xb7: {  	s18 =	sshll.u32 s6, $0x11;
	[tilespmem:v24+s28+$0x0] =	vst.idx.msk $0xffff, v21  }
0xb8: {  	s20 =	rddreg [dreg:$0x1];
	s22 =	sor.u32 s7, s18;
	[tilespmem:v25+s28+$0x0] =	vst.idx.msk $0xffff, v20  }
0xb9: {  	s2 =	sadd.s32 s20, s22;
	[tilespmem:v16+s28+$0x0] =	vst.idx.msk $0xffff, v17  }
0xba: {  	[hbm4b:s2+s29] =	stream.strided.scatter [tilespmem:s28], [sflag:$0x7], $0x2000, s30, s29, $0x38;
	[tilespmem:$0x8200] =	vst v63  }
0xbb: {  	_ =	swait.ge [sflag:s31], $0x80  }
0xbc: {  	[sflag:s31] =	ssyncset.done $0x0  }
0xbd: {  	s21 =	simm.s32 $0x100;
	[sflag:s31] =	ssyncadd.s32 $0xFFFFFF80  }
0xbe: {  	[tilespmem:s23], [sflag:$0x5] =	stream.indirect.gather [hbm4b:s5+s19], $0x40, s21, s19, $0xb8;
	[tilespmem:$0x8200] =	vst v63  }
0xbf: {  	s2 =	sadd.s32 @!p0 s12, s3;
	_ =	swait.ge [sflag:s0], $0x2000  }
0xc0: {  	s18 =	simm.s32 @!p0 $0x0;
	s2 =	sshrl.u32 @!p0 s2, $0x3;
	[sflag:s0] =	ssyncset.done $0x0  }
0xc1: {  	s20 =	simm.s32 @!p0 $0x80;
	s2 =	sadd.s32 @!p0 s4, s2;
	[sflag:s0] =	ssyncadd.s32 $0xFFFFE000  }
0xc2: {  	[tilespmem:s20], [sflag:$0x2] =	stream.linear.gather @!p0 [hbm4b:s2+s18], $0x80, $0x38;
	[tilespmem:$0x8200] =	vst v63  }
0xc3: {  	s18 =	simm.s32 $0x1  }
0xc4: {  	s20 =	simm.s32 $0x0;
	v16 =	vadd.s32 s18, v0  }
0xc5: {  	s21 =	sand.u32 $0x30, s20;
	v17 =	vand.u32 $0xF, v16  }
0xc6: {  	v17 =	vor.u32 s21, v17  }
0xc7: {  	v18 =	vand.u32 $0x7, v16;
	v19 =	vand.u32 $0x38, v17  }
0xc8: {  	v27 =	vor.u32 v18, v19  }
0xc9: {  	v18 =	vadd.s32 s20, v0;
	v19 =	vor.u32 v1, v27  }
0xca: {  	p1 =	por p0, !p1;
	v16 =	vshll.u32 v16, $0x7;
	v20 =	vand.u32 $0xF, v18  }
0xcb: {  	_ =	swait.ge @p1 [sflag:s10], $0x2000;
	v16 =	vand.u32 $0x380, v16;
	v17 =	vshll.u32 v17, $0x7;
	v20 =	vor.u32 s21, v20  }
0xcc: {  	[sflag:s10] =	ssyncset.done @p1 $0x0;
	v17 =	vand.u32 $0x1C00, v17;
	v21 =	vand.u32 $0x7, v18;
	v22 =	vand.u32 $0x38, v20  }
0xcd: {  	[sflag:s10] =	ssyncadd.s32 @p1 $0xFFFFE000;
	v29 =	vor.u32 v16, v17;
	v26 =	vor.u32 v21, v22  }
0xce: {  	v16 =	vor.u32 v1, v26;
	v17 =	vld.idx.msk [tilespmem:v19+s25+$0x0], $0xffff;
	v19 =	vor.u32 v0, v29  }
0xcf: {  	v21 =	vor.u32 v2, v27  }
0xd0: {  	v18 =	vshll.u32 v18, $0x7;
	v20 =	vshll.u32 v20, $0x7  }
0xd1: {  	v18 =	vand.u32 $0x380, v18;
	v20 =	vand.u32 $0x1C00, v20  }
0xd2: {  	v28 =	vor.u32 v18, v20  }
0xd3: {  	v18 =	vor.u32 v0, v28;
	v16 =	vld.idx.msk [tilespmem:v16+s25+$0x0], $0xffff;
	[tilespmem:v19+s1+$0x0] =	vst.idx.msk $0xffff, v17  }
0xd4: {  	v20 =	vor.u32 v3, v29;
	v17 =	vor.u32 v2, v26;
	v19 =	vld.idx.msk [tilespmem:v21+s25+$0x0], $0xffff  }
0xd5: {  	v21 =	vor.u32 v4, v27  }
0xd6: {  	s18 =	simm.s32 $0x3  }
0xd7: {  	s20 =	simm.s32 $0x2;
	v22 =	vadd.s32 s18, v0  }
0xd8: {  	s21 =	sand.u32 $0x30, s20;
	v24 =	vor.u32 v3, v28;
	[tilespmem:v18+s1+$0x0] =	vst.idx.msk $0xffff, v16;
	v18 =	vand.u32 $0xF, v22  }
0xd9: {  	v16 =	vor.u32 v4, v26;
	v23 =	vld.idx.msk [tilespmem:v17+s25+$0x0], $0xffff;
	v18 =	vor.u32 s21, v18;
	[tilespmem:v20+s1+$0x0] =	vst.idx.msk $0xffff, v19  }
0xda: {  	v17 =	vand.u32 $0x7, v22;
	v19 =	vor.u32 v5, v29;
	v20 =	vld.idx.msk [tilespmem:v21+s25+$0x0], $0xffff;
	v21 =	vand.u32 $0x38, v18  }
0xdb: {  	v25 =	vor.u32 v6, v27;
	v50 =	vor.u32 v10, v27;
	v17 =	vor.u32 v17, v21  }
0xdc: {  	v61 =	vor.u32 v7, v29;
	v21 =	vadd.s32 s20, v0;
	v30 =	vor.u32 v1, v17  }
0xdd: {  	v31 =	vor.u32 v5, v28;
	v22 =	vshll.u32 v22, $0x7;
	v59 =	vand.u32 $0xF, v21  }
0xde: {  	v22 =	vand.u32 $0x380, v22;
	v18 =	vshll.u32 v18, $0x7;
	v32 =	vor.u32 s21, v59;
	[tilespmem:v24+s1+$0x0] =	vst.idx.msk $0xffff, v23  }
0xdf: {  	v18 =	vand.u32 $0x1C00, v18;
	v60 =	vand.u32 $0x7, v21;
	v23 =	vand.u32 $0x38, v32;
	v24 =	vld.idx.msk [tilespmem:v16+s25+$0x0], $0xffff;
	[tilespmem:v19+s1+$0x0] =	vst.idx.msk $0xffff, v20  }
0xe0: {  	v16 =	vor.u32 v22, v18;
	v22 =	vor.u32 v6, v26;
	v19 =	vor.u32 v60, v23;
	v25 =	vld.idx.msk [tilespmem:v25+s25+$0x0], $0xffff  }
0xe1: {  	v48 =	vor.u32 v9, v29;
	v33 =	vor.u32 v1, v19;
	v23 =	vld.idx.msk [tilespmem:v30+s25+$0x0], $0xffff;
	v30 =	vor.u32 v0, v16  }
0xe2: {  	v41 =	vor.u32 v10, v26;
	v20 =	vshll.u32 v21, $0x7;
	v21 =	vor.u32 v8, v27  }
0xe3: {  	v35 =	vor.u32 v9, v28;
	v36 =	vor.u32 v11, v28;
	v18 =	vshll.u32 v32, $0x7  }
0xe4: {  	v62 =	vor.u32 v2, v17;
	v18 =	vand.u32 $0x1C00, v18;
	v20 =	vand.u32 $0x380, v20;
	[tilespmem:v31+s1+$0x0] =	vst.idx.msk $0xffff, v24  }
0xe5: {  	v18 =	vor.u32 v20, v18;
	v24 =	vor.u32 v7, v28;
	v22 =	vld.idx.msk [tilespmem:v22+s25+$0x0], $0xffff;
	[tilespmem:v61+s1+$0x0] =	vst.idx.msk $0xffff, v25  }
0xe6: {  	v51 =	vor.u32 v4, v17;
	v25 =	vor.u32 v0, v18;
	[tilespmem:v30+s1+$0x0] =	vst.idx.msk $0xffff, v23;
	v23 =	vld.idx.msk [tilespmem:v33+s25+$0x0], $0xffff  }
0xe7: {  	v42 =	vor.u32 v6, v17;
	v49 =	vor.u32 v3, v16;
	v31 =	vor.u32 v8, v26;
	v21 =	vld.idx.msk [tilespmem:v21+s25+$0x0], $0xffff  }
0xe8: {  	v53 =	vor.u32 v5, v16;
	v39 =	vor.u32 v9, v16;
	v63 =	vor.u32 v2, v19  }
0xe9: {  	v52 =	vor.u32 v4, v19;
	v20 =	vor.u32 v9, v18;
	v44 =	vor.u32 v5, v18;
	v32 =	vld.idx.msk [tilespmem:v62+s25+$0x0], $0xffff  }
0xea: {  	s20 =	simm.s32 $0x4;
	v54 =	vor.u32 v3, v18;
	v30 =	vor.u32 v12, v26;
	[tilespmem:v24+s1+$0x0] =	vst.idx.msk $0xffff, v22  }
0xeb: {  	s21 =	simm.s32 $0x5;
	v33 =	vor.u32 v12, v27;
	v27 =	vor.u32 v14, v27;
	[tilespmem:v25+s1+$0x0] =	vst.idx.msk $0xffff, v23;
	v25 =	vadd.s32 s20, v0  }
0xec: {  	v24 =	vor.u32 v11, v29;
	v23 =	vld.idx.msk [tilespmem:v31+s25+$0x0], $0xffff;
	v31 =	vadd.s32 s21, v0;
	[tilespmem:v48+s1+$0x0] =	vst.idx.msk $0xffff, v21;
	v21 =	vand.u32 $0xF, v25  }
0xed: {  	s2 =	sand.u32 $0x30, s20;
	v34 =	vld.idx.msk [tilespmem:v63+s25+$0x0], $0xffff;
	v22 =	vand.u32 $0x7, v25;
	v55 =	vand.u32 $0xF, v31;
	v58 =	vand.u32 $0x7, v31  }
0xee: {  	[tilespmem:v49+s1+$0x0] =	vst.idx.msk $0xffff, v32;
	v56 =	vld.idx.msk [tilespmem:v50+s25+$0x0], $0xffff;
	v31 =	vshll.u32 v31, $0x7;
	v57 =	vor.u32 s2, v21;
	v21 =	vor.u32 s2, v55  }
0xef: {  	v50 =	vor.u32 v13, v29;
	v59 =	vld.idx.msk [tilespmem:v51+s25+$0x0], $0xffff;
	v60 =	vand.u32 $0x38, v57;
	v61 =	vand.u32 $0x38, v21  }
0xf0: {  	v62 =	vshll.u32 v21, $0x7;
	v21 =	vor.u32 v22, v60;
	v22 =	vor.u32 v58, v61  }
0xf1: {  	v29 =	vor.u32 v15, v29;
	v31 =	vand.u32 $0x380, v31;
	v47 =	vor.u32 v1, v22;
	[tilespmem:v35+s1+$0x0] =	vst.idx.msk $0xffff, v23  }
0xf2: {  	v63 =	vand.u32 $0x1C00, v62;
	v40 =	vor.u32 v1, v21;
	v23 =	vshll.u32 v57, $0x7;
	[tilespmem:v54+s1+$0x0] =	vst.idx.msk $0xffff, v34;
	v48 =	vld.idx.msk [tilespmem:v41+s25+$0x0], $0xffff  }
0xf3: {  	v25 =	vshll.u32 v25, $0x7;
	v49 =	vand.u32 $0x1C00, v23;
	v23 =	vor.u32 v31, v63;
	[tilespmem:v24+s1+$0x0] =	vst.idx.msk $0xffff, v56;
	v31 =	vld.idx.msk [tilespmem:v52+s25+$0x0], $0xffff  }
0xf4: {  	v25 =	vand.u32 $0x380, v25;
	v51 =	vor.u32 v6, v19;
	[tilespmem:v53+s1+$0x0] =	vst.idx.msk $0xffff, v59;
	v32 =	vld.idx.msk [tilespmem:v33+s25+$0x0], $0xffff  }
0xf5: {  	v61 =	vor.u32 v7, v18;
	v62 =	vor.u32 v14, v26;
	v53 =	vor.u32 v7, v16;
	v52 =	vld.idx.msk [tilespmem:v42+s25+$0x0], $0xffff  }
0xf6: {  	v26 =	vor.u32 v12, v19;
	v24 =	vor.u32 v25, v49;
	v55 =	vor.u32 v0, v23;
	v54 =	vld.idx.msk [tilespmem:v47+s25+$0x0], $0xffff  }
0xf7: {  	v56 =	vor.u32 v8, v17;
	v59 =	vor.u32 v0, v24;
	v58 =	vld.idx.msk [tilespmem:v40+s25+$0x0], $0xffff;
	[tilespmem:v36+s1+$0x0] =	vst.idx.msk $0xffff, v48  }
0xf8: {  	v57 =	vor.u32 v2, v22;
	[tilespmem:v44+s1+$0x0] =	vst.idx.msk $0xffff, v31;
	v31 =	vor.u32 v13, v28;
	v60 =	vld.idx.msk [tilespmem:v30+s25+$0x0], $0xffff  }
0xf9: {  	v35 =	vor.u32 v8, v19;
	v43 =	vor.u32 v2, v21;
	[tilespmem:v50+s1+$0x0] =	vst.idx.msk $0xffff, v32;
	v63 =	vld.idx.msk [tilespmem:v51+s25+$0x0], $0xffff  }
0xfa: {  	v34 =	vor.u32 v10, v17;
	v41 =	vor.u32 v4, v22;
	[tilespmem:v53+s1+$0x0] =	vst.idx.msk $0xffff, v52  }
0xfb: {  	v25 =	vor.u32 v9, v24;
	v42 =	vor.u32 v3, v23;
	v33 =	vld.idx.msk [tilespmem:v27+s25+$0x0], $0xffff;
	[tilespmem:v55+s1+$0x0] =	vst.idx.msk $0xffff, v54  }
0xfc: {  	v36 =	vor.u32 v6, v22;
	v30 =	vor.u32 v15, v28;
	v38 =	vld.idx.msk [tilespmem:v56+s25+$0x0], $0xffff;
	[tilespmem:v59+s1+$0x0] =	vst.idx.msk $0xffff, v58  }
0xfd: {  	v28 =	vor.u32 v12, v17;
	v32 =	vor.u32 v10, v19;
	v40 =	vld.idx.msk [tilespmem:v57+s25+$0x0], $0xffff;
	[tilespmem:v31+s1+$0x0] =	vst.idx.msk $0xffff, v60  }
0xfe: {  	s18 =	simm.s32 $0x8;
	s2 =	simm.s32 $0x6;
	v27 =	vor.u32 v11, v18;
	v31 =	vor.u32 v11, v16;
	[tilespmem:v61+s1+$0x0] =	vst.idx.msk $0xffff, v63;
	v37 =	vld.idx.msk [tilespmem:v62+s25+$0x0], $0xffff  }
.LBB2_8:
0xff: {  	p1 =	slt.u32 s18, $0x3E;
	v44 =	vor.u32 v4, v21;
	v45 =	vor.u32 v5, v24  }
0x100: {  	s20 =	sadd.s32 $0x1, s2;
	v46 =	vor.u32 v5, v23;
	v35 =	vld.idx.msk [tilespmem:v35+s25+$0x0], $0xffff;
	v47 =	vmovc v16;
	v16 =	vmovc v23;
	v48 =	vmov v18;
	v18 =	vmov v24;
	s21 =	smov.u32 s18;
	s18 =	sadd.s32 $0x2, s18  }
0x101: {  	v23 =	vadd.s32 s2, v0;
	v24 =	vadd.s32 s20, v0;
	v43 =	vld.idx.msk [tilespmem:v43+s25+$0x0], $0xffff;
	v49 =	vor.u32 v3, v18;
	[tilespmem:v39+s1+$0x0] =	vst.idx.msk $0xffff, v38  }
0x102: {  	s20 =	sand.u32 $0x30, s2;
	v38 =	vand.u32 $0xF, v23;
	v39 =	vand.u32 $0x7, v23;
	s2 =	smov.u32 s21;
	v50 =	vand.u32 $0xF, v24;
	[tilespmem:v42+s1+$0x0] =	vst.idx.msk $0xffff, v40;
	v34 =	vld.idx.msk [tilespmem:v34+s25+$0x0], $0xffff  }
0x103: {  	v38 =	vor.u32 s20, v38;
	v42 =	vand.u32 $0x7, v24;
	v40 =	vor.u32 s20, v50;
	v41 =	vld.idx.msk [tilespmem:v41+s25+$0x0], $0xffff  }
0x104: {  	v50 =	vand.u32 $0x38, v38;
	v51 =	vand.u32 $0x38, v40;
	v40 =	vshll.u32 v40, $0x7;
	[tilespmem:v29+s1+$0x0] =	vst.idx.msk $0xffff, v33  }
0x105: {  	v50 =	vor.u32 v39, v50;
	v29 =	vor.u32 v42, v51;
	v33 =	vand.u32 $0x1C00, v40;
	[tilespmem:v30+s1+$0x0] =	vst.idx.msk $0xffff, v37  }
0x106: {  	v24 =	vshll.u32 v24, $0x7;
	v30 =	vor.u32 v1, v50;
	v37 =	vor.u32 v1, v29;
	[tilespmem:v20+s1+$0x0] =	vst.idx.msk $0xffff, v35  }
0x107: {  	v23 =	vshll.u32 v23, $0x7;
	v24 =	vand.u32 $0x380, v24;
	v35 =	vshll.u32 v38, $0x7;
	v20 =	vmovc v25;
	[tilespmem:v49+s1+$0x0] =	vst.idx.msk $0xffff, v43;
	v32 =	vld.idx.msk [tilespmem:v32+s25+$0x0], $0xffff  }
0x108: {  	v25 =	vand.u32 $0x1C00, v35;
	v35 =	vand.u32 $0x380, v23;
	v23 =	vor.u32 v24, v33;
	v33 =	vld.idx.msk [tilespmem:v44+s25+$0x0], $0xffff;
	[tilespmem:v31+s1+$0x0] =	vst.idx.msk $0xffff, v34  }
0x109: {  	v24 =	vor.u32 v35, v25;
	v31 =	vor.u32 v6, v21;
	[tilespmem:v46+s1+$0x0] =	vst.idx.msk $0xffff, v41;
	v28 =	vld.idx.msk [tilespmem:v28+s25+$0x0], $0xffff  }
0x10a: {  	v35 =	vor.u32 v13, v47;
	v25 =	vor.u32 v9, v24;
	v34 =	vld.idx.msk [tilespmem:v36+s25+$0x0], $0xffff  }
0x10b: {  	v38 =	vor.u32 v14, v17;
	v17 =	vmovc v22;
	v22 =	vmov v29;
	v36 =	vld.idx.msk [tilespmem:v37+s25+$0x0], $0xffff;
	v37 =	vor.u32 v7, v16  }
0x10c: {  	v40 =	vor.u32 v8, v17;
	v39 =	vor.u32 v0, v23  }
0x10d: {  	v29 =	vor.u32 v15, v47;
	v42 =	vor.u32 v2, v22;
	v41 =	vld.idx.msk [tilespmem:v30+s25+$0x0], $0xffff;
	[tilespmem:v27+s1+$0x0] =	vst.idx.msk $0xffff, v32  }
0x10e: {  	v32 =	vor.u32 v0, v24;
	[tilespmem:v45+s1+$0x0] =	vst.idx.msk $0xffff, v33;
	v44 =	vld.idx.msk [tilespmem:v26+s25+$0x0], $0xffff;
	v45 =	vor.u32 v13, v48  }
0x10f: {  	v47 =	vor.u32 v14, v19;
	v46 =	vor.u32 v7, v18;
	v31 =	vld.idx.msk [tilespmem:v31+s25+$0x0], $0xffff;
	[tilespmem:v35+s1+$0x0] =	vst.idx.msk $0xffff, v28  }
0x110: {  	v30 =	vor.u32 v15, v48;
	v35 =	vor.u32 v8, v21;
	[tilespmem:v37+s1+$0x0] =	vst.idx.msk $0xffff, v34;
	v33 =	vld.idx.msk [tilespmem:v38+s25+$0x0], $0xffff  }
.Ltmp3:
0x111: {  	v26 =	vor.u32 v12, v21;
	v28 =	vor.u32 v12, v17;
	[tilespmem:v39+s1+$0x0] =	vst.idx.msk $0xffff, v36;
	v38 =	vld.idx.msk [tilespmem:v40+s25+$0x0], $0xffff;
	(pc) =	sbr.rel @p1 .LBB2_8-.Ltmp3, $4  }
0x112: {  	v43 =	vor.u32 v2, v50;
	v27 =	vor.u32 v11, v18;
	v39 =	vor.u32 v9, v16;
	v40 =	vld.idx.msk [tilespmem:v42+s25+$0x0], $0xffff  }
0x113: {  	v19 =	vmov v21;
	v34 =	vor.u32 v10, v17;
	v42 =	vor.u32 v3, v23;
	[tilespmem:v32+s1+$0x0] =	vst.idx.msk $0xffff, v41  }
0x114: {  	v21 =	vmov v50;
	v41 =	vor.u32 v4, v22;
	v32 =	vor.u32 v10, v19;
	[tilespmem:v45+s1+$0x0] =	vst.idx.msk $0xffff, v44  }
0x115: {  	v36 =	vor.u32 v6, v22;
	[tilespmem:v46+s1+$0x0] =	vst.idx.msk $0xffff, v31;
	v31 =	vor.u32 v11, v16;
	v37 =	vld.idx.msk [tilespmem:v47+s25+$0x0], $0xffff  }
0x116: {  	s18 =	sadd.s32 $0x1, s2  }
0x117: {  	v44 =	vadd.s32 s18, v0  }
0x118: {  	v45 =	vadd.s32 s2, v0;
	s20 =	sand.u32 $0x30, s2;
	v46 =	vand.u32 $0xF, v44  }
0x119: {  	v47 =	vand.u32 $0xF, v45;
	v46 =	vor.u32 s20, v46  }
0x11a: {  	v47 =	vor.u32 s20, v47;
	v48 =	vand.u32 $0x7, v44;
	v49 =	vand.u32 $0x38, v46  }
0x11b: {  	v50 =	vand.u32 $0x7, v45;
	v51 =	vand.u32 $0x38, v47;
	v48 =	vor.u32 v48, v49  }
0x11c: {  	v49 =	vor.u32 v50, v51;
	v56 =	vor.u32 v1, v48  }
0x11d: {  	v51 =	vor.u32 v1, v49  }
0x11e: {  	v45 =	vshll.u32 v45, $0x7;
	v44 =	vshll.u32 v44, $0x7;
	v46 =	vshll.u32 v46, $0x7  }
0x11f: {  	v47 =	vshll.u32 v47, $0x7;
	v44 =	vand.u32 $0x380, v44;
	v46 =	vand.u32 $0x1C00, v46  }
0x120: {  	v45 =	vand.u32 $0x380, v45;
	v47 =	vand.u32 $0x1C00, v47;
	v44 =	vor.u32 v44, v46  }
0x121: {  	v45 =	vor.u32 v45, v47;
	v58 =	vor.u32 v0, v44;
	v57 =	vld.idx.msk [tilespmem:v56+s25+$0x0], $0xffff  }
0x122: {  	v60 =	vor.u32 v2, v48;
	v52 =	vor.u32 v0, v45;
	v59 =	vld.idx.msk [tilespmem:v51+s25+$0x0], $0xffff  }
0x123: {  	v53 =	vor.u32 v2, v49;
	_ =	sdelay $0x2  }
0x124: {  	v43 =	vld.idx.msk [tilespmem:v43+s25+$0x0], $0xffff;
	v54 =	vor.u32 v3, v24;
	[tilespmem:v58+s1+$0x0] =	vst.idx.msk $0xffff, v57  }
0x125: {  	v61 =	vor.u32 v4, v21;
	v62 =	vor.u32 v3, v44;
	[tilespmem:v52+s1+$0x0] =	vst.idx.msk $0xffff, v59;
	v47 =	vld.idx.msk [tilespmem:v60+s25+$0x0], $0xffff  }
0x126: {  	v63 =	vor.u32 v4, v48;
	v57 =	vor.u32 v3, v45;
	v52 =	vld.idx.msk [tilespmem:v53+s25+$0x0], $0xffff  }
0x127: {  	v55 =	vor.u32 v4, v49  }
0x128: {  	[tilespmem:v42+s1+$0x0] =	vst.idx.msk $0xffff, v40  }
0x129: {  	v41 =	vld.idx.msk [tilespmem:v41+s25+$0x0], $0xffff;
	[tilespmem:v54+s1+$0x0] =	vst.idx.msk $0xffff, v43;
	v58 =	vor.u32 v5, v23  }
0x12a: {  	v43 =	vld.idx.msk [tilespmem:v61+s25+$0x0], $0xffff;
	v59 =	vor.u32 v5, v24;
	[tilespmem:v62+s1+$0x0] =	vst.idx.msk $0xffff, v47  }
0x12b: {  	v61 =	vor.u32 v5, v44;
	v60 =	vor.u32 v6, v21;
	[tilespmem:v57+s1+$0x0] =	vst.idx.msk $0xffff, v52;
	v50 =	vld.idx.msk [tilespmem:v63+s25+$0x0], $0xffff  }
0x12c: {  	v62 =	vor.u32 v6, v48;
	v63 =	vor.u32 v5, v45;
	v53 =	vld.idx.msk [tilespmem:v55+s25+$0x0], $0xffff  }
0x12d: {  	v57 =	vor.u32 v6, v49  }
0x12e: {  	[tilespmem:v58+s1+$0x0] =	vst.idx.msk $0xffff, v41  }
0x12f: {  	[tilespmem:v59+s1+$0x0] =	vst.idx.msk $0xffff, v43;
	v58 =	vor.u32 v7, v23;
	v36 =	vld.idx.msk [tilespmem:v36+s25+$0x0], $0xffff  }
0x130: {  	v59 =	vor.u32 v8, v22;
	v42 =	vld.idx.msk [tilespmem:v60+s25+$0x0], $0xffff;
	v60 =	vor.u32 v7, v24;
	[tilespmem:v61+s1+$0x0] =	vst.idx.msk $0xffff, v50  }
0x131: {  	[tilespmem:v63+s1+$0x0] =	vst.idx.msk $0xffff, v53;
	v61 =	vor.u32 v8, v21;
	v47 =	vld.idx.msk [tilespmem:v62+s25+$0x0], $0xffff;
	v62 =	vor.u32 v7, v44  }
0x132: {  	[tilespmem:v39+s1+$0x0] =	vst.idx.msk $0xffff, v38;
	v56 =	vor.u32 v7, v45;
	v63 =	vor.u32 v8, v48;
	v55 =	vld.idx.msk [tilespmem:v57+s25+$0x0], $0xffff  }
0x133: {  	[tilespmem:v29+s1+$0x0] =	vst.idx.msk $0xffff, v33;
	v29 =	vor.u32 v8, v49  }
0x134: {  	[tilespmem:v58+s1+$0x0] =	vst.idx.msk $0xffff, v36;
	v57 =	vld.idx.msk [tilespmem:v35+s25+$0x0], $0xffff  }
0x135: {  	[tilespmem:v60+s1+$0x0] =	vst.idx.msk $0xffff, v42;
	v58 =	vld.idx.msk [tilespmem:v59+s25+$0x0], $0xffff;
	v59 =	vor.u32 v9, v23  }
0x136: {  	v60 =	vor.u32 v10, v22;
	v61 =	vld.idx.msk [tilespmem:v61+s25+$0x0], $0xffff;
	[tilespmem:v62+s1+$0x0] =	vst.idx.msk $0xffff, v47  }
0x137: {  	v62 =	vor.u32 v10, v21;
	[tilespmem:v56+s1+$0x0] =	vst.idx.msk $0xffff, v55;
	v38 =	vld.idx.msk [tilespmem:v63+s25+$0x0], $0xffff;
	v63 =	vor.u32 v9, v44  }
0x138: {  	[tilespmem:v30+s1+$0x0] =	vst.idx.msk $0xffff, v37;
	v30 =	vor.u32 v9, v45;
	v46 =	vor.u32 v10, v48;
	v29 =	vld.idx.msk [tilespmem:v29+s25+$0x0], $0xffff  }
0x139: {  	v34 =	vld.idx.msk [tilespmem:v34+s25+$0x0], $0xffff;
	[tilespmem:v20+s1+$0x0] =	vst.idx.msk $0xffff, v57;
	v20 =	vor.u32 v10, v49  }
0x13a: {  	[tilespmem:v59+s1+$0x0] =	vst.idx.msk $0xffff, v58;
	v32 =	vld.idx.msk [tilespmem:v32+s25+$0x0], $0xffff  }
0x13b: {  	v47 =	vor.u32 v11, v23;
	v35 =	vld.idx.msk [tilespmem:v60+s25+$0x0], $0xffff;
	[tilespmem:v25+s1+$0x0] =	vst.idx.msk $0xffff, v61  }
0x13c: {  	v50 =	vor.u32 v11, v24;
	v25 =	vor.u32 v12, v22;
	v51 =	vld.idx.msk [tilespmem:v62+s25+$0x0], $0xffff;
	[tilespmem:v63+s1+$0x0] =	vst.idx.msk $0xffff, v38  }
0x13d: {  	v52 =	vor.u32 v12, v21;
	v53 =	vor.u32 v11, v44;
	[tilespmem:v30+s1+$0x0] =	vst.idx.msk $0xffff, v29;
	v37 =	vld.idx.msk [tilespmem:v46+s25+$0x0], $0xffff  }
0x13e: {  	[tilespmem:v31+s1+$0x0] =	vst.idx.msk $0xffff, v34;
	v29 =	vor.u32 v12, v48;
	v30 =	vor.u32 v11, v45;
	v20 =	vld.idx.msk [tilespmem:v20+s25+$0x0], $0xffff  }
0x13f: {  	v31 =	vor.u32 v13, v16;
	v28 =	vld.idx.msk [tilespmem:v28+s25+$0x0], $0xffff;
	[tilespmem:v27+s1+$0x0] =	vst.idx.msk $0xffff, v32;
	v27 =	vor.u32 v12, v49  }
0x140: {  	v17 =	vor.u32 v14, v17;
	v54 =	vor.u32 v13, v18;
	[tilespmem:v47+s1+$0x0] =	vst.idx.msk $0xffff, v35;
	v26 =	vld.idx.msk [tilespmem:v26+s25+$0x0], $0xffff  }
0x141: {  	v19 =	vor.u32 v14, v19;
	v55 =	vor.u32 v13, v23;
	v25 =	vld.idx.msk [tilespmem:v25+s25+$0x0], $0xffff;
	[tilespmem:v50+s1+$0x0] =	vst.idx.msk $0xffff, v51  }
0x142: {  	v57 =	vor.u32 v13, v24;
	v22 =	vor.u32 v14, v22;
	v56 =	vld.idx.msk [tilespmem:v52+s25+$0x0], $0xffff;
	[tilespmem:v53+s1+$0x0] =	vst.idx.msk $0xffff, v37  }
0x143: {  	v58 =	vor.u32 v13, v44;
	v21 =	vor.u32 v14, v21;
	[tilespmem:v30+s1+$0x0] =	vst.idx.msk $0xffff, v20;
	v29 =	vld.idx.msk [tilespmem:v29+s25+$0x0], $0xffff  }
0x144: {  	[tilespmem:v31+s1+$0x0] =	vst.idx.msk $0xffff, v28;
	v28 =	vor.u32 v13, v45;
	v20 =	vor.u32 v14, v48;
	v27 =	vld.idx.msk [tilespmem:v27+s25+$0x0], $0xffff  }
0x145: {  	v16 =	vor.u32 v15, v16;
	v17 =	vld.idx.msk [tilespmem:v17+s25+$0x0], $0xffff;
	[tilespmem:v54+s1+$0x0] =	vst.idx.msk $0xffff, v26;
	v26 =	vor.u32 v14, v49  }
0x146: {  	v18 =	vor.u32 v15, v18;
	v19 =	vld.idx.msk [tilespmem:v19+s25+$0x0], $0xffff;
	[tilespmem:v55+s1+$0x0] =	vst.idx.msk $0xffff, v25  }
0x147: {  	v23 =	vor.u32 v15, v23;
	v22 =	vld.idx.msk [tilespmem:v22+s25+$0x0], $0xffff;
	[tilespmem:v57+s1+$0x0] =	vst.idx.msk $0xffff, v56  }
0x148: {  	v24 =	vor.u32 v15, v24;
	v21 =	vld.idx.msk [tilespmem:v21+s25+$0x0], $0xffff;
	[tilespmem:v58+s1+$0x0] =	vst.idx.msk $0xffff, v29  }
0x149: {  	v25 =	vor.u32 v15, v44;
	[tilespmem:v28+s1+$0x0] =	vst.idx.msk $0xffff, v27;
	v20 =	vld.idx.msk [tilespmem:v20+s25+$0x0], $0xffff  }
0x14a: {  	[tilespmem:v16+s1+$0x0] =	vst.idx.msk $0xffff, v17;
	v16 =	vor.u32 v15, v45;
	v17 =	vld.idx.msk [tilespmem:v26+s25+$0x0], $0xffff  }
0x14b: {  	[tilespmem:v18+s1+$0x0] =	vst.idx.msk $0xffff, v19  }
0x14c: {  	[tilespmem:v23+s1+$0x0] =	vst.idx.msk $0xffff, v22  }
0x14d: {  	[tilespmem:v24+s1+$0x0] =	vst.idx.msk $0xffff, v21  }
0x14e: {  	[tilespmem:v25+s1+$0x0] =	vst.idx.msk $0xffff, v20  }
0x14f: {  	s21 =	sadd.s32 s22, s15;
	[tilespmem:v16+s1+$0x0] =	vst.idx.msk $0xffff, v17  }
0x150: {  	[hbm4b:s21+s29] =	stream.strided.scatter [tilespmem:s1], [sflag:$0x8], $0x2000, s30, s29, $0x38;
	[tilespmem:$0x8200] =	vst v63  }
0x151: {  	_ =	swait.ge [sflag:s8], $0x80  }
0x152: {  	[sflag:s8] =	ssyncset.done $0x0  }
0x153: {  	s18 =	simm.s32 $0x180;
	s20 =	simm.s32 $0x1;
	[sflag:s8] =	ssyncadd.s32 $0xFFFFFF80  }
0x154: {  	[tilespmem:s25], [sflag:$0x6] =	stream.indirect.gather [hbm4b:s5+s19], $0x40, s18, s19, $0xb8;
	[tilespmem:$0x8200] =	vst v63  }
0x155: {  	v16 =	vadd.s32 s20, v0;
	s18 =	simm.s32 $0x0  }
0x156: {  	v17 =	vand.u32 $0xF, v16;
	s21 =	sand.u32 $0x30, s18  }
0x157: {  	s3 =	sadd.s32 @!p0 s13, s3;
	v17 =	vor.u32 s21, v17  }
0x158: {  	s3 =	sshrl.u32 @!p0 s3, $0x3;
	v18 =	vand.u32 $0x7, v16;
	_ =	swait.ge [sflag:s26], $0x2000;
	v19 =	vand.u32 $0x38, v17  }
0x159: {  	s3 =	sadd.s32 @!p0 s4, s3;
	[sflag:s26] =	ssyncset.done $0x0;
	v26 =	vor.u32 v18, v19  }
0x15a: {  	s20 =	simm.s32 @!p0 $0x0;
	[sflag:s26] =	ssyncadd.s32 $0xFFFFE000;
	v18 =	vadd.s32 s18, v0;
	s18 =	simm.s32 @!p0 $0x100;
	v19 =	vor.u32 v1, v26  }
0x15b: {  	v16 =	vshll.u32 v16, $0x7;
	[tilespmem:s18], [sflag:$0x3] =	stream.linear.gather @!p0 [hbm4b:s3+s20], $0x80, $0x38;
	v20 =	vand.u32 $0xF, v18;
	[tilespmem:$0x8200] =	vst v63  }
0x15c: {  	v16 =	vand.u32 $0x380, v16;
	v17 =	vshll.u32 v17, $0x7;
	_ =	swait.ge [sflag:s9], $0x2000;
	v20 =	vor.u32 s21, v20  }
0x15d: {  	v17 =	vand.u32 $0x1C00, v17;
	v21 =	vand.u32 $0x7, v18;
	[sflag:s9] =	ssyncset.done $0x0;
	v22 =	vand.u32 $0x38, v20  }
0x15e: {  	v29 =	vor.u32 v16, v17;
	[sflag:s9] =	ssyncadd.s32 $0xFFFFE000;
	v27 =	vor.u32 v21, v22  }
0x15f: {  	v16 =	vor.u32 v1, v27;
	v17 =	vld.idx.msk [tilespmem:v19+s23+$0x0], $0xffff;
	v19 =	vor.u32 v0, v29  }
0x160: {  	v21 =	vor.u32 v2, v26  }
0x161: {  	v18 =	vshll.u32 v18, $0x7;
	v20 =	vshll.u32 v20, $0x7  }
0x162: {  	v18 =	vand.u32 $0x380, v18;
	v20 =	vand.u32 $0x1C00, v20  }
0x163: {  	v28 =	vor.u32 v18, v20  }
0x164: {  	v18 =	vor.u32 v0, v28;
	v16 =	vld.idx.msk [tilespmem:v16+s23+$0x0], $0xffff;
	[tilespmem:v19+s28+$0x0] =	vst.idx.msk $0xffff, v17  }
0x165: {  	v20 =	vor.u32 v3, v29;
	v17 =	vor.u32 v2, v27;
	v19 =	vld.idx.msk [tilespmem:v21+s23+$0x0], $0xffff  }
0x166: {  	v21 =	vor.u32 v4, v26  }
0x167: {  	s20 =	simm.s32 $0x3  }
0x168: {  	s21 =	simm.s32 $0x2;
	v22 =	vadd.s32 s20, v0  }
0x169: {  	s18 =	sand.u32 $0x30, s21;
	v24 =	vor.u32 v3, v28;
	[tilespmem:v18+s28+$0x0] =	vst.idx.msk $0xffff, v16;
	v18 =	vand.u32 $0xF, v22  }
0x16a: {  	v16 =	vor.u32 v4, v27;
	v23 =	vld.idx.msk [tilespmem:v17+s23+$0x0], $0xffff;
	v18 =	vor.u32 s18, v18;
	[tilespmem:v20+s28+$0x0] =	vst.idx.msk $0xffff, v19  }
0x16b: {  	v17 =	vand.u32 $0x7, v22;
	v19 =	vor.u32 v5, v29;
	v20 =	vld.idx.msk [tilespmem:v21+s23+$0x0], $0xffff;
	v21 =	vand.u32 $0x38, v18  }
0x16c: {  	v25 =	vor.u32 v6, v26;
	v50 =	vor.u32 v10, v26;
	v17 =	vor.u32 v17, v21  }
0x16d: {  	v61 =	vor.u32 v7, v29;
	v21 =	vadd.s32 s21, v0;
	v30 =	vor.u32 v1, v17  }
0x16e: {  	v31 =	vor.u32 v5, v28;
	v22 =	vshll.u32 v22, $0x7;
	v59 =	vand.u32 $0xF, v21  }
0x16f: {  	v22 =	vand.u32 $0x380, v22;
	v18 =	vshll.u32 v18, $0x7;
	v32 =	vor.u32 s18, v59;
	[tilespmem:v24+s28+$0x0] =	vst.idx.msk $0xffff, v23  }
0x170: {  	v18 =	vand.u32 $0x1C00, v18;
	v60 =	vand.u32 $0x7, v21;
	v23 =	vand.u32 $0x38, v32;
	v24 =	vld.idx.msk [tilespmem:v16+s23+$0x0], $0xffff;
	[tilespmem:v19+s28+$0x0] =	vst.idx.msk $0xffff, v20  }
0x171: {  	v16 =	vor.u32 v22, v18;
	v22 =	vor.u32 v6, v27;
	v19 =	vor.u32 v60, v23;
	v25 =	vld.idx.msk [tilespmem:v25+s23+$0x0], $0xffff  }
0x172: {  	v48 =	vor.u32 v9, v29;
	v33 =	vor.u32 v1, v19;
	v23 =	vld.idx.msk [tilespmem:v30+s23+$0x0], $0xffff;
	v30 =	vor.u32 v0, v16  }
0x173: {  	v41 =	vor.u32 v10, v27;
	v20 =	vshll.u32 v21, $0x7;
	v21 =	vor.u32 v8, v26  }
0x174: {  	v35 =	vor.u32 v9, v28;
	v36 =	vor.u32 v11, v28;
	v18 =	vshll.u32 v32, $0x7  }
0x175: {  	v62 =	vor.u32 v2, v17;
	v18 =	vand.u32 $0x1C00, v18;
	v20 =	vand.u32 $0x380, v20;
	[tilespmem:v31+s28+$0x0] =	vst.idx.msk $0xffff, v24  }
0x176: {  	v18 =	vor.u32 v20, v18;
	v24 =	vor.u32 v7, v28;
	v22 =	vld.idx.msk [tilespmem:v22+s23+$0x0], $0xffff;
	[tilespmem:v61+s28+$0x0] =	vst.idx.msk $0xffff, v25  }
0x177: {  	v51 =	vor.u32 v4, v17;
	v25 =	vor.u32 v0, v18;
	[tilespmem:v30+s28+$0x0] =	vst.idx.msk $0xffff, v23;
	v23 =	vld.idx.msk [tilespmem:v33+s23+$0x0], $0xffff  }
0x178: {  	v42 =	vor.u32 v6, v17;
	v49 =	vor.u32 v3, v16;
	v31 =	vor.u32 v8, v27;
	v21 =	vld.idx.msk [tilespmem:v21+s23+$0x0], $0xffff  }
0x179: {  	v53 =	vor.u32 v5, v16;
	v39 =	vor.u32 v9, v16;
	v63 =	vor.u32 v2, v19  }
0x17a: {  	v52 =	vor.u32 v4, v19;
	v20 =	vor.u32 v9, v18;
	v44 =	vor.u32 v5, v18;
	v32 =	vld.idx.msk [tilespmem:v62+s23+$0x0], $0xffff  }
0x17b: {  	s20 =	simm.s32 $0x4;
	v54 =	vor.u32 v3, v18;
	v30 =	vor.u32 v12, v27;
	[tilespmem:v24+s28+$0x0] =	vst.idx.msk $0xffff, v22  }
0x17c: {  	s21 =	simm.s32 $0x5;
	v33 =	vor.u32 v12, v26;
	v24 =	vor.u32 v11, v29;
	[tilespmem:v25+s28+$0x0] =	vst.idx.msk $0xffff, v23;
	v25 =	vadd.s32 s20, v0  }
0x17d: {  	v23 =	vld.idx.msk [tilespmem:v31+s23+$0x0], $0xffff;
	v31 =	vadd.s32 s21, v0;
	[tilespmem:v48+s28+$0x0] =	vst.idx.msk $0xffff, v21;
	v21 =	vand.u32 $0xF, v25;
	v22 =	vand.u32 $0x7, v25  }
0x17e: {  	s2 =	sand.u32 $0x30, s20;
	v34 =	vld.idx.msk [tilespmem:v63+s23+$0x0], $0xffff;
	v55 =	vand.u32 $0xF, v31;
	v58 =	vand.u32 $0x7, v31;
	v31 =	vshll.u32 v31, $0x7  }
0x17f: {  	[tilespmem:v49+s28+$0x0] =	vst.idx.msk $0xffff, v32;
	v56 =	vld.idx.msk [tilespmem:v50+s23+$0x0], $0xffff;
	v25 =	vshll.u32 v25, $0x7;
	v57 =	vor.u32 s2, v21;
	v21 =	vor.u32 s2, v55  }
0x180: {  	v50 =	vor.u32 v13, v29;
	v59 =	vld.idx.msk [tilespmem:v51+s23+$0x0], $0xffff;
	v60 =	vand.u32 $0x38, v57;
	v61 =	vand.u32 $0x38, v21  }
0x181: {  	v62 =	vshll.u32 v21, $0x7;
	v21 =	vor.u32 v22, v60;
	v22 =	vor.u32 v58, v61  }
0x182: {  	v29 =	vor.u32 v15, v29;
	v31 =	vand.u32 $0x380, v31;
	v47 =	vor.u32 v1, v22;
	[tilespmem:v35+s28+$0x0] =	vst.idx.msk $0xffff, v23  }
0x183: {  	v63 =	vand.u32 $0x1C00, v62;
	v40 =	vor.u32 v1, v21;
	v23 =	vshll.u32 v57, $0x7;
	[tilespmem:v54+s28+$0x0] =	vst.idx.msk $0xffff, v34;
	v48 =	vld.idx.msk [tilespmem:v41+s23+$0x0], $0xffff  }
0x184: {  	v25 =	vand.u32 $0x380, v25;
	v49 =	vand.u32 $0x1C00, v23;
	v23 =	vor.u32 v31, v63;
	[tilespmem:v24+s28+$0x0] =	vst.idx.msk $0xffff, v56;
	v31 =	vld.idx.msk [tilespmem:v52+s23+$0x0], $0xffff  }
0x185: {  	v51 =	vor.u32 v6, v19;
	v55 =	vor.u32 v14, v26;
	[tilespmem:v53+s28+$0x0] =	vst.idx.msk $0xffff, v59;
	v32 =	vld.idx.msk [tilespmem:v33+s23+$0x0], $0xffff  }
0x186: {  	v61 =	vor.u32 v7, v18;
	v62 =	vor.u32 v14, v27;
	v53 =	vor.u32 v7, v16;
	v52 =	vld.idx.msk [tilespmem:v42+s23+$0x0], $0xffff  }
0x187: {  	v27 =	vor.u32 v11, v18;
	v24 =	vor.u32 v25, v49;
	v26 =	vor.u32 v0, v23;
	v54 =	vld.idx.msk [tilespmem:v47+s23+$0x0], $0xffff  }
0x188: {  	v56 =	vor.u32 v8, v17;
	v59 =	vor.u32 v0, v24;
	v58 =	vld.idx.msk [tilespmem:v40+s23+$0x0], $0xffff;
	[tilespmem:v36+s28+$0x0] =	vst.idx.msk $0xffff, v48  }
0x189: {  	v57 =	vor.u32 v2, v22;
	[tilespmem:v44+s28+$0x0] =	vst.idx.msk $0xffff, v31;
	v31 =	vor.u32 v13, v28;
	v60 =	vld.idx.msk [tilespmem:v30+s23+$0x0], $0xffff  }
0x18a: {  	v35 =	vor.u32 v8, v19;
	v43 =	vor.u32 v2, v21;
	[tilespmem:v50+s28+$0x0] =	vst.idx.msk $0xffff, v32;
	v63 =	vld.idx.msk [tilespmem:v51+s23+$0x0], $0xffff  }
0x18b: {  	v34 =	vor.u32 v10, v17;
	v41 =	vor.u32 v4, v22;
	[tilespmem:v53+s28+$0x0] =	vst.idx.msk $0xffff, v52  }
0x18c: {  	v25 =	vor.u32 v9, v24;
	v42 =	vor.u32 v3, v23;
	v33 =	vld.idx.msk [tilespmem:v55+s23+$0x0], $0xffff;
	[tilespmem:v26+s28+$0x0] =	vst.idx.msk $0xffff, v54  }
0x18d: {  	v36 =	vor.u32 v6, v22;
	v30 =	vor.u32 v15, v28;
	v38 =	vld.idx.msk [tilespmem:v56+s23+$0x0], $0xffff;
	[tilespmem:v59+s28+$0x0] =	vst.idx.msk $0xffff, v58  }
0x18e: {  	v28 =	vor.u32 v12, v17;
	v32 =	vor.u32 v10, v19;
	v40 =	vld.idx.msk [tilespmem:v57+s23+$0x0], $0xffff;
	[tilespmem:v31+s28+$0x0] =	vst.idx.msk $0xffff, v60  }
0x18f: {  	s3 =	simm.s32 $0x8;
	s2 =	simm.s32 $0x6;
	v26 =	vor.u32 v12, v19;
	v31 =	vor.u32 v11, v16;
	[tilespmem:v61+s28+$0x0] =	vst.idx.msk $0xffff, v63;
	v37 =	vld.idx.msk [tilespmem:v62+s23+$0x0], $0xffff  }
.LBB2_10:
0x190: {  	p0 =	slt.u32 s3, $0x3E;
	v44 =	vor.u32 v4, v21;
	v45 =	vor.u32 v5, v24  }
0x191: {  	s18 =	sadd.s32 $0x1, s2;
	v46 =	vor.u32 v5, v23;
	v35 =	vld.idx.msk [tilespmem:v35+s23+$0x0], $0xffff;
	v47 =	vmovc v16;
	v16 =	vmovc v23;
	v48 =	vmov v18;
	v18 =	vmov v24;
	s20 =	smov.u32 s3;
	s3 =	sadd.s32 $0x2, s3  }
0x192: {  	v23 =	vadd.s32 s2, v0;
	v24 =	vadd.s32 s18, v0;
	v43 =	vld.idx.msk [tilespmem:v43+s23+$0x0], $0xffff;
	v49 =	vor.u32 v3, v18;
	[tilespmem:v39+s28+$0x0] =	vst.idx.msk $0xffff, v38  }
0x193: {  	s18 =	sand.u32 $0x30, s2;
	v38 =	vand.u32 $0xF, v23;
	v39 =	vand.u32 $0x7, v23;
	s2 =	smov.u32 s20;
	v50 =	vand.u32 $0xF, v24;
	[tilespmem:v42+s28+$0x0] =	vst.idx.msk $0xffff, v40;
	v34 =	vld.idx.msk [tilespmem:v34+s23+$0x0], $0xffff  }
0x194: {  	v38 =	vor.u32 s18, v38;
	v42 =	vand.u32 $0x7, v24;
	v40 =	vor.u32 s18, v50;
	v41 =	vld.idx.msk [tilespmem:v41+s23+$0x0], $0xffff  }
0x195: {  	v50 =	vand.u32 $0x38, v38;
	v51 =	vand.u32 $0x38, v40;
	v40 =	vshll.u32 v40, $0x7;
	[tilespmem:v29+s28+$0x0] =	vst.idx.msk $0xffff, v33  }
0x196: {  	v50 =	vor.u32 v39, v50;
	v29 =	vor.u32 v42, v51;
	v33 =	vand.u32 $0x1C00, v40;
	[tilespmem:v30+s28+$0x0] =	vst.idx.msk $0xffff, v37  }
0x197: {  	v24 =	vshll.u32 v24, $0x7;
	v30 =	vor.u32 v1, v50;
	v37 =	vor.u32 v1, v29;
	[tilespmem:v20+s28+$0x0] =	vst.idx.msk $0xffff, v35  }
0x198: {  	v23 =	vshll.u32 v23, $0x7;
	v24 =	vand.u32 $0x380, v24;
	v35 =	vshll.u32 v38, $0x7;
	v20 =	vmovc v25;
	[tilespmem:v49+s28+$0x0] =	vst.idx.msk $0xffff, v43;
	v32 =	vld.idx.msk [tilespmem:v32+s23+$0x0], $0xffff  }
0x199: {  	v25 =	vand.u32 $0x1C00, v35;
	v35 =	vand.u32 $0x380, v23;
	v23 =	vor.u32 v24, v33;
	v33 =	vld.idx.msk [tilespmem:v44+s23+$0x0], $0xffff;
	[tilespmem:v31+s28+$0x0] =	vst.idx.msk $0xffff, v34  }
0x19a: {  	v24 =	vor.u32 v35, v25;
	v31 =	vor.u32 v6, v21;
	[tilespmem:v46+s28+$0x0] =	vst.idx.msk $0xffff, v41;
	v28 =	vld.idx.msk [tilespmem:v28+s23+$0x0], $0xffff  }
0x19b: {  	v35 =	vor.u32 v13, v47;
	v25 =	vor.u32 v9, v24;
	v34 =	vld.idx.msk [tilespmem:v36+s23+$0x0], $0xffff  }
0x19c: {  	v38 =	vor.u32 v14, v17;
	v17 =	vmovc v22;
	v22 =	vmov v29;
	v36 =	vld.idx.msk [tilespmem:v37+s23+$0x0], $0xffff;
	v37 =	vor.u32 v7, v16  }
0x19d: {  	v40 =	vor.u32 v8, v17;
	v39 =	vor.u32 v0, v23  }
0x19e: {  	v29 =	vor.u32 v15, v47;
	v42 =	vor.u32 v2, v22;
	v41 =	vld.idx.msk [tilespmem:v30+s23+$0x0], $0xffff;
	[tilespmem:v27+s28+$0x0] =	vst.idx.msk $0xffff, v32  }
0x19f: {  	v32 =	vor.u32 v0, v24;
	[tilespmem:v45+s28+$0x0] =	vst.idx.msk $0xffff, v33;
	v44 =	vld.idx.msk [tilespmem:v26+s23+$0x0], $0xffff;
	v45 =	vor.u32 v13, v48  }
0x1a0: {  	v47 =	vor.u32 v14, v19;
	v46 =	vor.u32 v7, v18;
	v31 =	vld.idx.msk [tilespmem:v31+s23+$0x0], $0xffff;
	[tilespmem:v35+s28+$0x0] =	vst.idx.msk $0xffff, v28  }
0x1a1: {  	v30 =	vor.u32 v15, v48;
	v35 =	vor.u32 v8, v21;
	[tilespmem:v37+s28+$0x0] =	vst.idx.msk $0xffff, v34;
	v33 =	vld.idx.msk [tilespmem:v38+s23+$0x0], $0xffff  }
.Ltmp4:
0x1a2: {  	v26 =	vor.u32 v12, v21;
	v28 =	vor.u32 v12, v17;
	[tilespmem:v39+s28+$0x0] =	vst.idx.msk $0xffff, v36;
	v38 =	vld.idx.msk [tilespmem:v40+s23+$0x0], $0xffff;
	(pc) =	sbr.rel @p0 .LBB2_10-.Ltmp4, $4  }
0x1a3: {  	v43 =	vor.u32 v2, v50;
	v27 =	vor.u32 v11, v18;
	v39 =	vor.u32 v9, v16;
	v40 =	vld.idx.msk [tilespmem:v42+s23+$0x0], $0xffff  }
0x1a4: {  	v19 =	vmov v21;
	v34 =	vor.u32 v10, v17;
	v42 =	vor.u32 v3, v23;
	[tilespmem:v32+s28+$0x0] =	vst.idx.msk $0xffff, v41  }
0x1a5: {  	v21 =	vmov v50;
	v41 =	vor.u32 v4, v22;
	v32 =	vor.u32 v10, v19;
	[tilespmem:v45+s28+$0x0] =	vst.idx.msk $0xffff, v44  }
0x1a6: {  	v36 =	vor.u32 v6, v22;
	[tilespmem:v46+s28+$0x0] =	vst.idx.msk $0xffff, v31;
	v31 =	vor.u32 v11, v16;
	v37 =	vld.idx.msk [tilespmem:v47+s23+$0x0], $0xffff  }
0x1a7: {  	s3 =	sadd.s32 $0x1, s2  }
0x1a8: {  	v44 =	vadd.s32 s3, v0  }
0x1a9: {  	v45 =	vadd.s32 s2, v0;
	s3 =	sand.u32 $0x30, s2;
	v46 =	vand.u32 $0xF, v44  }
0x1aa: {  	v47 =	vand.u32 $0xF, v45;
	v46 =	vor.u32 s3, v46  }
0x1ab: {  	v47 =	vor.u32 s3, v47;
	v48 =	vand.u32 $0x7, v44;
	v49 =	vand.u32 $0x38, v46  }
0x1ac: {  	v50 =	vand.u32 $0x7, v45;
	v51 =	vand.u32 $0x38, v47;
	v48 =	vor.u32 v48, v49  }
0x1ad: {  	v49 =	vor.u32 v50, v51;
	v56 =	vor.u32 v1, v48  }
0x1ae: {  	v51 =	vor.u32 v1, v49  }
0x1af: {  	v45 =	vshll.u32 v45, $0x7;
	v44 =	vshll.u32 v44, $0x7;
	v46 =	vshll.u32 v46, $0x7  }
0x1b0: {  	v47 =	vshll.u32 v47, $0x7;
	v44 =	vand.u32 $0x380, v44;
	v46 =	vand.u32 $0x1C00, v46  }
0x1b1: {  	v45 =	vand.u32 $0x380, v45;
	v47 =	vand.u32 $0x1C00, v47;
	v44 =	vor.u32 v44, v46  }
0x1b2: {  	v45 =	vor.u32 v45, v47;
	v58 =	vor.u32 v0, v44;
	v57 =	vld.idx.msk [tilespmem:v56+s23+$0x0], $0xffff  }
0x1b3: {  	v60 =	vor.u32 v2, v48;
	v52 =	vor.u32 v0, v45;
	v59 =	vld.idx.msk [tilespmem:v51+s23+$0x0], $0xffff  }
0x1b4: {  	v53 =	vor.u32 v2, v49;
	_ =	sdelay $0x2  }
0x1b5: {  	v43 =	vld.idx.msk [tilespmem:v43+s23+$0x0], $0xffff;
	v54 =	vor.u32 v3, v24;
	[tilespmem:v58+s28+$0x0] =	vst.idx.msk $0xffff, v57  }
0x1b6: {  	v61 =	vor.u32 v4, v21;
	v62 =	vor.u32 v3, v44;
	[tilespmem:v52+s28+$0x0] =	vst.idx.msk $0xffff, v59;
	v47 =	vld.idx.msk [tilespmem:v60+s23+$0x0], $0xffff  }
0x1b7: {  	v63 =	vor.u32 v4, v48;
	v57 =	vor.u32 v3, v45;
	v52 =	vld.idx.msk [tilespmem:v53+s23+$0x0], $0xffff  }
0x1b8: {  	v55 =	vor.u32 v4, v49  }
0x1b9: {  	[tilespmem:v42+s28+$0x0] =	vst.idx.msk $0xffff, v40  }
0x1ba: {  	v41 =	vld.idx.msk [tilespmem:v41+s23+$0x0], $0xffff;
	[tilespmem:v54+s28+$0x0] =	vst.idx.msk $0xffff, v43;
	v58 =	vor.u32 v5, v23  }
0x1bb: {  	v43 =	vld.idx.msk [tilespmem:v61+s23+$0x0], $0xffff;
	v59 =	vor.u32 v5, v24;
	[tilespmem:v62+s28+$0x0] =	vst.idx.msk $0xffff, v47  }
0x1bc: {  	v61 =	vor.u32 v5, v44;
	v60 =	vor.u32 v6, v21;
	[tilespmem:v57+s28+$0x0] =	vst.idx.msk $0xffff, v52;
	v50 =	vld.idx.msk [tilespmem:v63+s23+$0x0], $0xffff  }
0x1bd: {  	v62 =	vor.u32 v6, v48;
	v63 =	vor.u32 v5, v45;
	v53 =	vld.idx.msk [tilespmem:v55+s23+$0x0], $0xffff  }
0x1be: {  	v57 =	vor.u32 v6, v49  }
0x1bf: {  	[tilespmem:v58+s28+$0x0] =	vst.idx.msk $0xffff, v41  }
0x1c0: {  	[tilespmem:v59+s28+$0x0] =	vst.idx.msk $0xffff, v43;
	v58 =	vor.u32 v7, v23;
	v36 =	vld.idx.msk [tilespmem:v36+s23+$0x0], $0xffff  }
0x1c1: {  	v59 =	vor.u32 v8, v22;
	v42 =	vld.idx.msk [tilespmem:v60+s23+$0x0], $0xffff;
	v60 =	vor.u32 v7, v24;
	[tilespmem:v61+s28+$0x0] =	vst.idx.msk $0xffff, v50  }
0x1c2: {  	[tilespmem:v63+s28+$0x0] =	vst.idx.msk $0xffff, v53;
	v61 =	vor.u32 v8, v21;
	v47 =	vld.idx.msk [tilespmem:v62+s23+$0x0], $0xffff;
	v62 =	vor.u32 v7, v44  }
0x1c3: {  	[tilespmem:v39+s28+$0x0] =	vst.idx.msk $0xffff, v38;
	v56 =	vor.u32 v7, v45;
	v63 =	vor.u32 v8, v48;
	v55 =	vld.idx.msk [tilespmem:v57+s23+$0x0], $0xffff  }
0x1c4: {  	[tilespmem:v29+s28+$0x0] =	vst.idx.msk $0xffff, v33;
	v29 =	vor.u32 v8, v49  }
0x1c5: {  	[tilespmem:v58+s28+$0x0] =	vst.idx.msk $0xffff, v36;
	v57 =	vld.idx.msk [tilespmem:v35+s23+$0x0], $0xffff  }
0x1c6: {  	[tilespmem:v60+s28+$0x0] =	vst.idx.msk $0xffff, v42;
	v58 =	vld.idx.msk [tilespmem:v59+s23+$0x0], $0xffff;
	v59 =	vor.u32 v9, v23  }
0x1c7: {  	v60 =	vor.u32 v10, v22;
	v61 =	vld.idx.msk [tilespmem:v61+s23+$0x0], $0xffff;
	[tilespmem:v62+s28+$0x0] =	vst.idx.msk $0xffff, v47  }
0x1c8: {  	v62 =	vor.u32 v10, v21;
	[tilespmem:v56+s28+$0x0] =	vst.idx.msk $0xffff, v55;
	v38 =	vld.idx.msk [tilespmem:v63+s23+$0x0], $0xffff;
	v63 =	vor.u32 v9, v44  }
0x1c9: {  	[tilespmem:v30+s28+$0x0] =	vst.idx.msk $0xffff, v37;
	v30 =	vor.u32 v9, v45;
	v46 =	vor.u32 v10, v48;
	v29 =	vld.idx.msk [tilespmem:v29+s23+$0x0], $0xffff  }
0x1ca: {  	v34 =	vld.idx.msk [tilespmem:v34+s23+$0x0], $0xffff;
	[tilespmem:v20+s28+$0x0] =	vst.idx.msk $0xffff, v57;
	v20 =	vor.u32 v10, v49  }
0x1cb: {  	[tilespmem:v59+s28+$0x0] =	vst.idx.msk $0xffff, v58;
	v32 =	vld.idx.msk [tilespmem:v32+s23+$0x0], $0xffff  }
0x1cc: {  	v47 =	vor.u32 v11, v23;
	v35 =	vld.idx.msk [tilespmem:v60+s23+$0x0], $0xffff;
	[tilespmem:v25+s28+$0x0] =	vst.idx.msk $0xffff, v61  }
0x1cd: {  	v50 =	vor.u32 v11, v24;
	v25 =	vor.u32 v12, v22;
	v51 =	vld.idx.msk [tilespmem:v62+s23+$0x0], $0xffff;
	[tilespmem:v63+s28+$0x0] =	vst.idx.msk $0xffff, v38  }
0x1ce: {  	v52 =	vor.u32 v12, v21;
	v53 =	vor.u32 v11, v44;
	[tilespmem:v30+s28+$0x0] =	vst.idx.msk $0xffff, v29;
	v37 =	vld.idx.msk [tilespmem:v46+s23+$0x0], $0xffff  }
0x1cf: {  	[tilespmem:v31+s28+$0x0] =	vst.idx.msk $0xffff, v34;
	v29 =	vor.u32 v12, v48;
	v30 =	vor.u32 v11, v45;
	v20 =	vld.idx.msk [tilespmem:v20+s23+$0x0], $0xffff  }
0x1d0: {  	v31 =	vor.u32 v13, v16;
	v28 =	vld.idx.msk [tilespmem:v28+s23+$0x0], $0xffff;
	[tilespmem:v27+s28+$0x0] =	vst.idx.msk $0xffff, v32;
	v27 =	vor.u32 v12, v49  }
0x1d1: {  	v17 =	vor.u32 v14, v17;
	v54 =	vor.u32 v13, v18;
	[tilespmem:v47+s28+$0x0] =	vst.idx.msk $0xffff, v35;
	v26 =	vld.idx.msk [tilespmem:v26+s23+$0x0], $0xffff  }
0x1d2: {  	v19 =	vor.u32 v14, v19;
	v55 =	vor.u32 v13, v23;
	v25 =	vld.idx.msk [tilespmem:v25+s23+$0x0], $0xffff;
	[tilespmem:v50+s28+$0x0] =	vst.idx.msk $0xffff, v51  }
0x1d3: {  	v57 =	vor.u32 v13, v24;
	v22 =	vor.u32 v14, v22;
	v56 =	vld.idx.msk [tilespmem:v52+s23+$0x0], $0xffff;
	[tilespmem:v53+s28+$0x0] =	vst.idx.msk $0xffff, v37  }
0x1d4: {  	v58 =	vor.u32 v13, v44;
	v21 =	vor.u32 v14, v21;
	[tilespmem:v30+s28+$0x0] =	vst.idx.msk $0xffff, v20;
	v29 =	vld.idx.msk [tilespmem:v29+s23+$0x0], $0xffff  }
0x1d5: {  	[tilespmem:v31+s28+$0x0] =	vst.idx.msk $0xffff, v28;
	v28 =	vor.u32 v13, v45;
	v20 =	vor.u32 v14, v48;
	v27 =	vld.idx.msk [tilespmem:v27+s23+$0x0], $0xffff  }
0x1d6: {  	v16 =	vor.u32 v15, v16;
	v17 =	vld.idx.msk [tilespmem:v17+s23+$0x0], $0xffff;
	[tilespmem:v54+s28+$0x0] =	vst.idx.msk $0xffff, v26;
	v26 =	vor.u32 v14, v49  }
0x1d7: {  	v18 =	vor.u32 v15, v18;
	v19 =	vld.idx.msk [tilespmem:v19+s23+$0x0], $0xffff;
	[tilespmem:v55+s28+$0x0] =	vst.idx.msk $0xffff, v25  }
0x1d8: {  	v23 =	vor.u32 v15, v23;
	v22 =	vld.idx.msk [tilespmem:v22+s23+$0x0], $0xffff;
	[tilespmem:v57+s28+$0x0] =	vst.idx.msk $0xffff, v56  }
0x1d9: {  	v24 =	vor.u32 v15, v24;
	v21 =	vld.idx.msk [tilespmem:v21+s23+$0x0], $0xffff;
	[tilespmem:v58+s28+$0x0] =	vst.idx.msk $0xffff, v29  }
0x1da: {  	v25 =	vor.u32 v15, v44;
	[tilespmem:v28+s28+$0x0] =	vst.idx.msk $0xffff, v27;
	v20 =	vld.idx.msk [tilespmem:v20+s23+$0x0], $0xffff  }
0x1db: {  	[tilespmem:v16+s28+$0x0] =	vst.idx.msk $0xffff, v17;
	v16 =	vor.u32 v15, v45;
	v17 =	vld.idx.msk [tilespmem:v26+s23+$0x0], $0xffff  }
0x1dc: {  	[tilespmem:v18+s28+$0x0] =	vst.idx.msk $0xffff, v19  }
0x1dd: {  	[tilespmem:v23+s28+$0x0] =	vst.idx.msk $0xffff, v22  }
0x1de: {  	[tilespmem:v24+s28+$0x0] =	vst.idx.msk $0xffff, v21  }
0x1df: {  	p0 =	sne.s32 s6, $0x31;
	[tilespmem:v25+s28+$0x0] =	vst.idx.msk $0xffff, v20  }
0x1e0: {  	s18 =	sadd.s32 s22, s16;
	s2 =	simm.s32 @p0 $0x1;
	[tilespmem:v16+s28+$0x0] =	vst.idx.msk $0xffff, v17  }
0x1e1: {  	[hbm4b:s18+s29] =	stream.strided.scatter [tilespmem:s28], [sflag:$0x7], $0x2000, s30, s29, $0x38;
	[tilespmem:$0x8200] =	vst v63  }
0x1e2: {  	_ =	swait.ge @p0 [sflag:s2], $0x80  }
0x1e3: {  	s3 =	simm.s32 @p0 $0x0;
	[sflag:s2] =	ssyncset.done @p0 $0x0  }
0x1e4: {  	s18 =	simm.s32 @p0 $0x200;
	[sflag:s2] =	ssyncadd.s32 @p0 $0xFFFFFF80;
	s2 =	simm.s32 @p0 $0x80  }
0x1e5: {  	[tilespmem:s18], [sflag:$0x5] =	stream.indirect.gather @p0 [hbm4b:s5+s2], $0x40, s3, s2, $0xb8;
	[tilespmem:$0x8200] =	vst v63  }
0x1e6: {  	s2 =	simm.s32 @p0 $0x6  }
0x1e7: {  	s18 =	sshll.u32 @p0 s6, $0xE;
	_ =	swait.ge @p0 [sflag:s2], $0x2000  }
0x1e8: {  	s20 =	simm.s32 $0x1;
	s18 =	sadd.s32 @p0 s14, s18;
	[sflag:s2] =	ssyncset.done @p0 $0x0  }
0x1e9: {  	v16 =	vadd.s32 s20, v0;
	[sflag:s2] =	ssyncadd.s32 @p0 $0xFFFFE000;
	s2 =	sshrl.u32 @p0 s18, $0x3;
	s18 =	simm.s32 $0x0  }
0x1ea: {  	s20 =	simm.s32 @p0 $0x180;
	v17 =	vand.u32 $0xF, v16;
	s2 =	sadd.s32 @p0 s4, s2;
	s21 =	sand.u32 $0x30, s18  }
0x1eb: {  	[tilespmem:s20], [sflag:$0x4] =	stream.linear.gather @p0 [hbm4b:s2+s3], $0x80, $0x38;
	v17 =	vor.u32 s21, v17;
	[tilespmem:$0x8200] =	vst v63  }
0x1ec: {  	v18 =	vand.u32 $0x7, v16;
	s2 =	simm.s32 @!p0 $0x6;
	v19 =	vand.u32 $0x38, v17  }
0x1ed: {  	_ =	swait.ge @!p0 [sflag:s2], $0x2000;
	v26 =	vor.u32 v18, v19  }
0x1ee: {  	[sflag:s2] =	ssyncset.done @!p0 $0x0;
	v18 =	vadd.s32 s18, v0;
	v19 =	vor.u32 v1, v26  }
0x1ef: {  	v16 =	vshll.u32 v16, $0x7;
	[sflag:s2] =	ssyncadd.s32 @!p0 $0xFFFFE000;
	v20 =	vand.u32 $0xF, v18  }
0x1f0: {  	v16 =	vand.u32 $0x380, v16;
	v17 =	vshll.u32 v17, $0x7;
	_ =	swait.ge [sflag:s10], $0x2000;
	v20 =	vor.u32 s21, v20  }
0x1f1: {  	v17 =	vand.u32 $0x1C00, v17;
	v21 =	vand.u32 $0x7, v18;
	[sflag:s10] =	ssyncset.done $0x0;
	v22 =	vand.u32 $0x38, v20  }
0x1f2: {  	v29 =	vor.u32 v16, v17;
	[sflag:s10] =	ssyncadd.s32 $0xFFFFE000;
	v27 =	vor.u32 v21, v22  }
0x1f3: {  	v16 =	vor.u32 v1, v27;
	v17 =	vld.idx.msk [tilespmem:v19+s25+$0x0], $0xffff;
	v19 =	vor.u32 v0, v29  }
0x1f4: {  	v21 =	vor.u32 v2, v26  }
0x1f5: {  	v18 =	vshll.u32 v18, $0x7;
	v20 =	vshll.u32 v20, $0x7  }
0x1f6: {  	v18 =	vand.u32 $0x380, v18;
	v20 =	vand.u32 $0x1C00, v20  }
0x1f7: {  	v28 =	vor.u32 v18, v20  }
0x1f8: {  	v18 =	vor.u32 v0, v28;
	v16 =	vld.idx.msk [tilespmem:v16+s25+$0x0], $0xffff;
	[tilespmem:v19+s1+$0x0] =	vst.idx.msk $0xffff, v17  }
0x1f9: {  	v20 =	vor.u32 v3, v29;
	v17 =	vor.u32 v2, v27;
	v19 =	vld.idx.msk [tilespmem:v21+s25+$0x0], $0xffff  }
0x1fa: {  	v21 =	vor.u32 v4, v26  }
0x1fb: {  	s20 =	simm.s32 $0x3  }
0x1fc: {  	s21 =	simm.s32 $0x2;
	v22 =	vadd.s32 s20, v0  }
0x1fd: {  	s18 =	sand.u32 $0x30, s21;
	v24 =	vor.u32 v3, v28;
	[tilespmem:v18+s1+$0x0] =	vst.idx.msk $0xffff, v16;
	v18 =	vand.u32 $0xF, v22  }
0x1fe: {  	v16 =	vor.u32 v4, v27;
	v23 =	vld.idx.msk [tilespmem:v17+s25+$0x0], $0xffff;
	v18 =	vor.u32 s18, v18;
	[tilespmem:v20+s1+$0x0] =	vst.idx.msk $0xffff, v19  }
0x1ff: {  	v17 =	vand.u32 $0x7, v22;
	v19 =	vor.u32 v5, v29;
	v20 =	vld.idx.msk [tilespmem:v21+s25+$0x0], $0xffff;
	v21 =	vand.u32 $0x38, v18  }
0x200: {  	v25 =	vor.u32 v6, v26;
	v50 =	vor.u32 v10, v26;
	v17 =	vor.u32 v17, v21  }
0x201: {  	v61 =	vor.u32 v7, v29;
	v21 =	vadd.s32 s21, v0;
	v30 =	vor.u32 v1, v17  }
0x202: {  	v31 =	vor.u32 v5, v28;
	v22 =	vshll.u32 v22, $0x7;
	v59 =	vand.u32 $0xF, v21  }
0x203: {  	v22 =	vand.u32 $0x380, v22;
	v18 =	vshll.u32 v18, $0x7;
	v32 =	vor.u32 s18, v59;
	[tilespmem:v24+s1+$0x0] =	vst.idx.msk $0xffff, v23  }
0x204: {  	v18 =	vand.u32 $0x1C00, v18;
	v60 =	vand.u32 $0x7, v21;
	v23 =	vand.u32 $0x38, v32;
	v24 =	vld.idx.msk [tilespmem:v16+s25+$0x0], $0xffff;
	[tilespmem:v19+s1+$0x0] =	vst.idx.msk $0xffff, v20  }
0x205: {  	v16 =	vor.u32 v22, v18;
	v22 =	vor.u32 v6, v27;
	v19 =	vor.u32 v60, v23;
	v25 =	vld.idx.msk [tilespmem:v25+s25+$0x0], $0xffff  }
0x206: {  	v48 =	vor.u32 v9, v29;
	v33 =	vor.u32 v1, v19;
	v23 =	vld.idx.msk [tilespmem:v30+s25+$0x0], $0xffff;
	v30 =	vor.u32 v0, v16  }
0x207: {  	v41 =	vor.u32 v10, v27;
	v20 =	vshll.u32 v21, $0x7;
	v21 =	vor.u32 v8, v26  }
0x208: {  	v35 =	vor.u32 v9, v28;
	v36 =	vor.u32 v11, v28;
	v18 =	vshll.u32 v32, $0x7  }
0x209: {  	v62 =	vor.u32 v2, v17;
	v18 =	vand.u32 $0x1C00, v18;
	v20 =	vand.u32 $0x380, v20;
	[tilespmem:v31+s1+$0x0] =	vst.idx.msk $0xffff, v24  }
0x20a: {  	v18 =	vor.u32 v20, v18;
	v24 =	vor.u32 v7, v28;
	v22 =	vld.idx.msk [tilespmem:v22+s25+$0x0], $0xffff;
	[tilespmem:v61+s1+$0x0] =	vst.idx.msk $0xffff, v25  }
0x20b: {  	v51 =	vor.u32 v4, v17;
	v25 =	vor.u32 v0, v18;
	[tilespmem:v30+s1+$0x0] =	vst.idx.msk $0xffff, v23;
	v23 =	vld.idx.msk [tilespmem:v33+s25+$0x0], $0xffff  }
0x20c: {  	v42 =	vor.u32 v6, v17;
	v49 =	vor.u32 v3, v16;
	v31 =	vor.u32 v8, v27;
	v21 =	vld.idx.msk [tilespmem:v21+s25+$0x0], $0xffff  }
0x20d: {  	v53 =	vor.u32 v5, v16;
	v39 =	vor.u32 v9, v16;
	v63 =	vor.u32 v2, v19  }
0x20e: {  	v52 =	vor.u32 v4, v19;
	v20 =	vor.u32 v9, v18;
	v44 =	vor.u32 v5, v18;
	v32 =	vld.idx.msk [tilespmem:v62+s25+$0x0], $0xffff  }
0x20f: {  	s20 =	simm.s32 $0x4;
	v54 =	vor.u32 v3, v18;
	v30 =	vor.u32 v12, v27;
	[tilespmem:v24+s1+$0x0] =	vst.idx.msk $0xffff, v22  }
0x210: {  	s21 =	simm.s32 $0x5;
	v33 =	vor.u32 v12, v26;
	v24 =	vor.u32 v11, v29;
	[tilespmem:v25+s1+$0x0] =	vst.idx.msk $0xffff, v23;
	v25 =	vadd.s32 s20, v0  }
0x211: {  	v23 =	vld.idx.msk [tilespmem:v31+s25+$0x0], $0xffff;
	v31 =	vadd.s32 s21, v0;
	[tilespmem:v48+s1+$0x0] =	vst.idx.msk $0xffff, v21;
	v21 =	vand.u32 $0xF, v25;
	v22 =	vand.u32 $0x7, v25  }
0x212: {  	s2 =	sand.u32 $0x30, s20;
	v34 =	vld.idx.msk [tilespmem:v63+s25+$0x0], $0xffff;
	v55 =	vand.u32 $0xF, v31;
	v58 =	vand.u32 $0x7, v31;
	v31 =	vshll.u32 v31, $0x7  }
0x213: {  	[tilespmem:v49+s1+$0x0] =	vst.idx.msk $0xffff, v32;
	v56 =	vld.idx.msk [tilespmem:v50+s25+$0x0], $0xffff;
	v25 =	vshll.u32 v25, $0x7;
	v57 =	vor.u32 s2, v21;
	v21 =	vor.u32 s2, v55  }
0x214: {  	v50 =	vor.u32 v13, v29;
	v59 =	vld.idx.msk [tilespmem:v51+s25+$0x0], $0xffff;
	v60 =	vand.u32 $0x38, v57;
	v61 =	vand.u32 $0x38, v21  }
0x215: {  	v62 =	vshll.u32 v21, $0x7;
	v21 =	vor.u32 v22, v60;
	v22 =	vor.u32 v58, v61  }
0x216: {  	v29 =	vor.u32 v15, v29;
	v31 =	vand.u32 $0x380, v31;
	v47 =	vor.u32 v1, v22;
	[tilespmem:v35+s1+$0x0] =	vst.idx.msk $0xffff, v23  }
0x217: {  	v63 =	vand.u32 $0x1C00, v62;
	v40 =	vor.u32 v1, v21;
	v23 =	vshll.u32 v57, $0x7;
	[tilespmem:v54+s1+$0x0] =	vst.idx.msk $0xffff, v34;
	v48 =	vld.idx.msk [tilespmem:v41+s25+$0x0], $0xffff  }
0x218: {  	v25 =	vand.u32 $0x380, v25;
	v49 =	vand.u32 $0x1C00, v23;
	v23 =	vor.u32 v31, v63;
	[tilespmem:v24+s1+$0x0] =	vst.idx.msk $0xffff, v56;
	v31 =	vld.idx.msk [tilespmem:v52+s25+$0x0], $0xffff  }
0x219: {  	v51 =	vor.u32 v6, v19;
	v55 =	vor.u32 v14, v26;
	[tilespmem:v53+s1+$0x0] =	vst.idx.msk $0xffff, v59;
	v32 =	vld.idx.msk [tilespmem:v33+s25+$0x0], $0xffff  }
0x21a: {  	v61 =	vor.u32 v7, v18;
	v62 =	vor.u32 v14, v27;
	v53 =	vor.u32 v7, v16;
	v52 =	vld.idx.msk [tilespmem:v42+s25+$0x0], $0xffff  }
0x21b: {  	v27 =	vor.u32 v11, v18;
	v24 =	vor.u32 v25, v49;
	v26 =	vor.u32 v0, v23;
	v54 =	vld.idx.msk [tilespmem:v47+s25+$0x0], $0xffff  }
0x21c: {  	v56 =	vor.u32 v8, v17;
	v59 =	vor.u32 v0, v24;
	v58 =	vld.idx.msk [tilespmem:v40+s25+$0x0], $0xffff;
	[tilespmem:v36+s1+$0x0] =	vst.idx.msk $0xffff, v48  }
0x21d: {  	v57 =	vor.u32 v2, v22;
	[tilespmem:v44+s1+$0x0] =	vst.idx.msk $0xffff, v31;
	v31 =	vor.u32 v13, v28;
	v60 =	vld.idx.msk [tilespmem:v30+s25+$0x0], $0xffff  }
0x21e: {  	v35 =	vor.u32 v8, v19;
	v43 =	vor.u32 v2, v21;
	[tilespmem:v50+s1+$0x0] =	vst.idx.msk $0xffff, v32;
	v63 =	vld.idx.msk [tilespmem:v51+s25+$0x0], $0xffff  }
0x21f: {  	v34 =	vor.u32 v10, v17;
	v41 =	vor.u32 v4, v22;
	[tilespmem:v53+s1+$0x0] =	vst.idx.msk $0xffff, v52  }
0x220: {  	v25 =	vor.u32 v9, v24;
	v42 =	vor.u32 v3, v23;
	v33 =	vld.idx.msk [tilespmem:v55+s25+$0x0], $0xffff;
	[tilespmem:v26+s1+$0x0] =	vst.idx.msk $0xffff, v54  }
0x221: {  	v36 =	vor.u32 v6, v22;
	v30 =	vor.u32 v15, v28;
	v38 =	vld.idx.msk [tilespmem:v56+s25+$0x0], $0xffff;
	[tilespmem:v59+s1+$0x0] =	vst.idx.msk $0xffff, v58  }
0x222: {  	v28 =	vor.u32 v12, v17;
	v32 =	vor.u32 v10, v19;
	v40 =	vld.idx.msk [tilespmem:v57+s25+$0x0], $0xffff;
	[tilespmem:v31+s1+$0x0] =	vst.idx.msk $0xffff, v60  }
0x223: {  	s3 =	simm.s32 $0x8;
	s2 =	simm.s32 $0x6;
	v26 =	vor.u32 v12, v19;
	v31 =	vor.u32 v11, v16;
	[tilespmem:v61+s1+$0x0] =	vst.idx.msk $0xffff, v63;
	v37 =	vld.idx.msk [tilespmem:v62+s25+$0x0], $0xffff  }
.LBB2_12:
0x224: {  	p0 =	slt.u32 s3, $0x3E;
	v44 =	vor.u32 v4, v21;
	v45 =	vor.u32 v5, v24  }
0x225: {  	s18 =	sadd.s32 $0x1, s2;
	v46 =	vor.u32 v5, v23;
	v35 =	vld.idx.msk [tilespmem:v35+s25+$0x0], $0xffff;
	v47 =	vmovc v16;
	v16 =	vmovc v23;
	v48 =	vmov v18;
	v18 =	vmov v24;
	s20 =	smov.u32 s3;
	s3 =	sadd.s32 $0x2, s3  }
0x226: {  	v23 =	vadd.s32 s2, v0;
	v24 =	vadd.s32 s18, v0;
	v43 =	vld.idx.msk [tilespmem:v43+s25+$0x0], $0xffff;
	v49 =	vor.u32 v3, v18;
	[tilespmem:v39+s1+$0x0] =	vst.idx.msk $0xffff, v38  }
0x227: {  	s18 =	sand.u32 $0x30, s2;
	v38 =	vand.u32 $0xF, v23;
	v39 =	vand.u32 $0x7, v23;
	s2 =	smov.u32 s20;
	v50 =	vand.u32 $0xF, v24;
	[tilespmem:v42+s1+$0x0] =	vst.idx.msk $0xffff, v40;
	v34 =	vld.idx.msk [tilespmem:v34+s25+$0x0], $0xffff  }
0x228: {  	v38 =	vor.u32 s18, v38;
	v42 =	vand.u32 $0x7, v24;
	v40 =	vor.u32 s18, v50;
	v41 =	vld.idx.msk [tilespmem:v41+s25+$0x0], $0xffff  }
0x229: {  	v50 =	vand.u32 $0x38, v38;
	v51 =	vand.u32 $0x38, v40;
	v40 =	vshll.u32 v40, $0x7;
	[tilespmem:v29+s1+$0x0] =	vst.idx.msk $0xffff, v33  }
0x22a: {  	v50 =	vor.u32 v39, v50;
	v29 =	vor.u32 v42, v51;
	v33 =	vand.u32 $0x1C00, v40;
	[tilespmem:v30+s1+$0x0] =	vst.idx.msk $0xffff, v37  }
0x22b: {  	v24 =	vshll.u32 v24, $0x7;
	v30 =	vor.u32 v1, v50;
	v37 =	vor.u32 v1, v29;
	[tilespmem:v20+s1+$0x0] =	vst.idx.msk $0xffff, v35  }
0x22c: {  	v23 =	vshll.u32 v23, $0x7;
	v24 =	vand.u32 $0x380, v24;
	v35 =	vshll.u32 v38, $0x7;
	v20 =	vmovc v25;
	[tilespmem:v49+s1+$0x0] =	vst.idx.msk $0xffff, v43;
	v32 =	vld.idx.msk [tilespmem:v32+s25+$0x0], $0xffff  }
0x22d: {  	v25 =	vand.u32 $0x1C00, v35;
	v35 =	vand.u32 $0x380, v23;
	v23 =	vor.u32 v24, v33;
	v33 =	vld.idx.msk [tilespmem:v44+s25+$0x0], $0xffff;
	[tilespmem:v31+s1+$0x0] =	vst.idx.msk $0xffff, v34  }
0x22e: {  	v24 =	vor.u32 v35, v25;
	v31 =	vor.u32 v6, v21;
	[tilespmem:v46+s1+$0x0] =	vst.idx.msk $0xffff, v41;
	v28 =	vld.idx.msk [tilespmem:v28+s25+$0x0], $0xffff  }
0x22f: {  	v35 =	vor.u32 v13, v47;
	v25 =	vor.u32 v9, v24;
	v34 =	vld.idx.msk [tilespmem:v36+s25+$0x0], $0xffff  }
0x230: {  	v38 =	vor.u32 v14, v17;
	v17 =	vmovc v22;
	v22 =	vmov v29;
	v36 =	vld.idx.msk [tilespmem:v37+s25+$0x0], $0xffff;
	v37 =	vor.u32 v7, v16  }
0x231: {  	v40 =	vor.u32 v8, v17;
	v39 =	vor.u32 v0, v23  }
0x232: {  	v29 =	vor.u32 v15, v47;
	v42 =	vor.u32 v2, v22;
	v41 =	vld.idx.msk [tilespmem:v30+s25+$0x0], $0xffff;
	[tilespmem:v27+s1+$0x0] =	vst.idx.msk $0xffff, v32  }
0x233: {  	v32 =	vor.u32 v0, v24;
	[tilespmem:v45+s1+$0x0] =	vst.idx.msk $0xffff, v33;
	v44 =	vld.idx.msk [tilespmem:v26+s25+$0x0], $0xffff;
	v45 =	vor.u32 v13, v48  }
0x234: {  	v47 =	vor.u32 v14, v19;
	v46 =	vor.u32 v7, v18;
	v31 =	vld.idx.msk [tilespmem:v31+s25+$0x0], $0xffff;
	[tilespmem:v35+s1+$0x0] =	vst.idx.msk $0xffff, v28  }
0x235: {  	v30 =	vor.u32 v15, v48;
	v35 =	vor.u32 v8, v21;
	[tilespmem:v37+s1+$0x0] =	vst.idx.msk $0xffff, v34;
	v33 =	vld.idx.msk [tilespmem:v38+s25+$0x0], $0xffff  }
.Ltmp5:
0x236: {  	v26 =	vor.u32 v12, v21;
	v28 =	vor.u32 v12, v17;
	[tilespmem:v39+s1+$0x0] =	vst.idx.msk $0xffff, v36;
	v38 =	vld.idx.msk [tilespmem:v40+s25+$0x0], $0xffff;
	(pc) =	sbr.rel @p0 .LBB2_12-.Ltmp5, $4  }
0x237: {  	v43 =	vor.u32 v2, v50;
	v27 =	vor.u32 v11, v18;
	v39 =	vor.u32 v9, v16;
	v40 =	vld.idx.msk [tilespmem:v42+s25+$0x0], $0xffff  }
0x238: {  	v19 =	vmov v21;
	v34 =	vor.u32 v10, v17;
	v42 =	vor.u32 v3, v23;
	[tilespmem:v32+s1+$0x0] =	vst.idx.msk $0xffff, v41  }
0x239: {  	v21 =	vmov v50;
	v41 =	vor.u32 v4, v22;
	v32 =	vor.u32 v10, v19;
	[tilespmem:v45+s1+$0x0] =	vst.idx.msk $0xffff, v44  }
0x23a: {  	v36 =	vor.u32 v6, v22;
	[tilespmem:v46+s1+$0x0] =	vst.idx.msk $0xffff, v31;
	v31 =	vor.u32 v11, v16;
	v37 =	vld.idx.msk [tilespmem:v47+s25+$0x0], $0xffff  }
0x23b: {  	s3 =	sadd.s32 $0x1, s2  }
0x23c: {  	v44 =	vadd.s32 s3, v0  }
0x23d: {  	v45 =	vadd.s32 s2, v0;
	s21 =	sand.u32 $0x30, s2;
	v46 =	vand.u32 $0xF, v44  }
0x23e: {  	v47 =	vand.u32 $0xF, v45;
	v46 =	vor.u32 s21, v46  }
0x23f: {  	v47 =	vor.u32 s21, v47;
	v48 =	vand.u32 $0x7, v44;
	v49 =	vand.u32 $0x38, v46  }
0x240: {  	v50 =	vand.u32 $0x7, v45;
	v51 =	vand.u32 $0x38, v47;
	v48 =	vor.u32 v48, v49  }
0x241: {  	v49 =	vor.u32 v50, v51;
	v59 =	vor.u32 v1, v48  }
0x242: {  	v51 =	vor.u32 v1, v49  }
0x243: {  	v45 =	vshll.u32 v45, $0x7;
	v44 =	vshll.u32 v44, $0x7;
	v46 =	vshll.u32 v46, $0x7  }
0x244: {  	v47 =	vshll.u32 v47, $0x7;
	v44 =	vand.u32 $0x380, v44;
	v46 =	vand.u32 $0x1C00, v46  }
0x245: {  	v45 =	vand.u32 $0x380, v45;
	v47 =	vand.u32 $0x1C00, v47;
	v44 =	vor.u32 v44, v46  }
0x246: {  	v45 =	vor.u32 v45, v47;
	v61 =	vor.u32 v0, v44;
	v60 =	vld.idx.msk [tilespmem:v59+s25+$0x0], $0xffff  }
0x247: {  	v63 =	vor.u32 v2, v48;
	v52 =	vor.u32 v0, v45;
	v62 =	vld.idx.msk [tilespmem:v51+s25+$0x0], $0xffff  }
0x248: {  	v53 =	vor.u32 v2, v49;
	_ =	sdelay $0x1  }
0x249: {  	v43 =	vld.idx.msk [tilespmem:v43+s25+$0x0], $0xffff;
	v54 =	vor.u32 v3, v24  }
0x24a: {  	v57 =	vor.u32 v4, v21;
	[tilespmem:v61+s1+$0x0] =	vst.idx.msk $0xffff, v60  }
0x24b: {  	v58 =	vor.u32 v3, v44;
	[tilespmem:v52+s1+$0x0] =	vst.idx.msk $0xffff, v62;
	v47 =	vld.idx.msk [tilespmem:v63+s25+$0x0], $0xffff  }
0x24c: {  	v59 =	vor.u32 v4, v48;
	v60 =	vor.u32 v3, v45;
	v52 =	vld.idx.msk [tilespmem:v53+s25+$0x0], $0xffff  }
0x24d: {  	[tilespmem:v42+s1+$0x0] =	vst.idx.msk $0xffff, v40;
	v55 =	vor.u32 v4, v49  }
0x24e: {  	v41 =	vld.idx.msk [tilespmem:v41+s25+$0x0], $0xffff;
	[tilespmem:v54+s1+$0x0] =	vst.idx.msk $0xffff, v43;
	v61 =	vor.u32 v5, v23  }
0x24f: {  	v43 =	vld.idx.msk [tilespmem:v57+s25+$0x0], $0xffff;
	v62 =	vor.u32 v5, v24  }
0x250: {  	v63 =	vor.u32 v6, v21;
	[tilespmem:v58+s1+$0x0] =	vst.idx.msk $0xffff, v47  }
0x251: {  	v57 =	vor.u32 v5, v44;
	[tilespmem:v60+s1+$0x0] =	vst.idx.msk $0xffff, v52;
	v50 =	vld.idx.msk [tilespmem:v59+s25+$0x0], $0xffff  }
0x252: {  	v58 =	vor.u32 v6, v48;
	v59 =	vor.u32 v5, v45;
	v53 =	vld.idx.msk [tilespmem:v55+s25+$0x0], $0xffff  }
0x253: {  	[tilespmem:v61+s1+$0x0] =	vst.idx.msk $0xffff, v41;
	v60 =	vor.u32 v6, v49  }
0x254: {  	[tilespmem:v62+s1+$0x0] =	vst.idx.msk $0xffff, v43;
	v61 =	vor.u32 v7, v23;
	v36 =	vld.idx.msk [tilespmem:v36+s25+$0x0], $0xffff  }
0x255: {  	v62 =	vor.u32 v8, v22;
	v42 =	vld.idx.msk [tilespmem:v63+s25+$0x0], $0xffff;
	v63 =	vor.u32 v7, v24  }
0x256: {  	v46 =	vor.u32 v8, v21;
	[tilespmem:v57+s1+$0x0] =	vst.idx.msk $0xffff, v50  }
0x257: {  	v55 =	vor.u32 v7, v44;
	[tilespmem:v59+s1+$0x0] =	vst.idx.msk $0xffff, v53;
	v47 =	vld.idx.msk [tilespmem:v58+s25+$0x0], $0xffff  }
0x258: {  	[tilespmem:v39+s1+$0x0] =	vst.idx.msk $0xffff, v38;
	v56 =	vor.u32 v8, v48;
	v57 =	vld.idx.msk [tilespmem:v60+s25+$0x0], $0xffff;
	v58 =	vor.u32 v7, v45  }
0x259: {  	[tilespmem:v61+s1+$0x0] =	vst.idx.msk $0xffff, v36;
	v59 =	vor.u32 v8, v49  }
0x25a: {  	[tilespmem:v63+s1+$0x0] =	vst.idx.msk $0xffff, v42;
	v61 =	vld.idx.msk [tilespmem:v62+s25+$0x0], $0xffff;
	v62 =	vor.u32 v9, v23  }
0x25b: {  	[tilespmem:v29+s1+$0x0] =	vst.idx.msk $0xffff, v33;
	v63 =	vor.u32 v10, v22;
	v52 =	vld.idx.msk [tilespmem:v46+s25+$0x0], $0xffff  }
0x25c: {  	v53 =	vor.u32 v10, v21;
	v60 =	vld.idx.msk [tilespmem:v35+s25+$0x0], $0xffff;
	[tilespmem:v55+s1+$0x0] =	vst.idx.msk $0xffff, v47  }
0x25d: {  	v54 =	vor.u32 v9, v44;
	[tilespmem:v58+s1+$0x0] =	vst.idx.msk $0xffff, v57;
	v38 =	vld.idx.msk [tilespmem:v56+s25+$0x0], $0xffff  }
0x25e: {  	[tilespmem:v30+s1+$0x0] =	vst.idx.msk $0xffff, v37;
	v55 =	vor.u32 v9, v45;
	v56 =	vor.u32 v10, v48;
	v29 =	vld.idx.msk [tilespmem:v59+s25+$0x0], $0xffff  }
0x25f: {  	v34 =	vld.idx.msk [tilespmem:v34+s25+$0x0], $0xffff;
	[tilespmem:v62+s1+$0x0] =	vst.idx.msk $0xffff, v61;
	v57 =	vor.u32 v10, v49  }
0x260: {  	[tilespmem:v25+s1+$0x0] =	vst.idx.msk $0xffff, v52;
	v58 =	vor.u32 v11, v23;
	v35 =	vld.idx.msk [tilespmem:v63+s25+$0x0], $0xffff  }
0x261: {  	[tilespmem:v20+s1+$0x0] =	vst.idx.msk $0xffff, v60;
	v60 =	vor.u32 v11, v24;
	v61 =	vld.idx.msk [tilespmem:v53+s25+$0x0], $0xffff;
	v59 =	vor.u32 v12, v22  }
0x262: {  	v62 =	vor.u32 v12, v21;
	v32 =	vld.idx.msk [tilespmem:v32+s25+$0x0], $0xffff;
	[tilespmem:v54+s1+$0x0] =	vst.idx.msk $0xffff, v38  }
0x263: {  	v63 =	vor.u32 v11, v44;
	[tilespmem:v55+s1+$0x0] =	vst.idx.msk $0xffff, v29;
	v37 =	vld.idx.msk [tilespmem:v56+s25+$0x0], $0xffff  }
0x264: {  	[tilespmem:v31+s1+$0x0] =	vst.idx.msk $0xffff, v34;
	v43 =	vor.u32 v11, v45;
	v42 =	vor.u32 v12, v48;
	v20 =	vld.idx.msk [tilespmem:v57+s25+$0x0], $0xffff  }
0x265: {  	v28 =	vld.idx.msk [tilespmem:v28+s25+$0x0], $0xffff;
	v46 =	vor.u32 v13, v16;
	v47 =	vor.u32 v12, v49;
	[tilespmem:v58+s1+$0x0] =	vst.idx.msk $0xffff, v35  }
0x266: {  	v17 =	vor.u32 v14, v17;
	v51 =	vor.u32 v13, v23;
	[tilespmem:v60+s1+$0x0] =	vst.idx.msk $0xffff, v61;
	v25 =	vld.idx.msk [tilespmem:v59+s25+$0x0], $0xffff  }
0x267: {  	v52 =	vor.u32 v14, v22;
	[tilespmem:v27+s1+$0x0] =	vst.idx.msk $0xffff, v32;
	v53 =	vld.idx.msk [tilespmem:v62+s25+$0x0], $0xffff;
	v54 =	vor.u32 v13, v24  }
0x268: {  	v50 =	vor.u32 v13, v18;
	v55 =	vor.u32 v14, v21;
	v26 =	vld.idx.msk [tilespmem:v26+s25+$0x0], $0xffff;
	[tilespmem:v63+s1+$0x0] =	vst.idx.msk $0xffff, v37  }
0x269: {  	v19 =	vor.u32 v14, v19;
	v56 =	vor.u32 v13, v44;
	[tilespmem:v43+s1+$0x0] =	vst.idx.msk $0xffff, v20;
	v29 =	vld.idx.msk [tilespmem:v42+s25+$0x0], $0xffff  }
0x26a: {  	[tilespmem:v46+s1+$0x0] =	vst.idx.msk $0xffff, v28;
	v58 =	vor.u32 v13, v45;
	v57 =	vor.u32 v14, v48;
	v27 =	vld.idx.msk [tilespmem:v47+s25+$0x0], $0xffff  }
0x26b: {  	v16 =	vor.u32 v15, v16;
	v17 =	vld.idx.msk [tilespmem:v17+s25+$0x0], $0xffff;
	v59 =	vor.u32 v14, v49;
	[tilespmem:v51+s1+$0x0] =	vst.idx.msk $0xffff, v25  }
0x26c: {  	v61 =	vor.u32 v15, v23;
	[tilespmem:v54+s1+$0x0] =	vst.idx.msk $0xffff, v53;
	v22 =	vld.idx.msk [tilespmem:v52+s25+$0x0], $0xffff  }
0x26d: {  	v62 =	vor.u32 v15, v24;
	[tilespmem:v50+s1+$0x0] =	vst.idx.msk $0xffff, v26;
	v21 =	vld.idx.msk [tilespmem:v55+s25+$0x0], $0xffff  }
0x26e: {  	v60 =	vor.u32 v15, v18;
	v19 =	vld.idx.msk [tilespmem:v19+s25+$0x0], $0xffff;
	[tilespmem:v56+s1+$0x0] =	vst.idx.msk $0xffff, v29  }
0x26f: {  	v63 =	vor.u32 v15, v44;
	[tilespmem:v58+s1+$0x0] =	vst.idx.msk $0xffff, v27;
	v20 =	vld.idx.msk [tilespmem:v57+s25+$0x0], $0xffff  }
0x270: {  	s6 =	sadd.s32 $0x1, s6;
	[tilespmem:v16+s1+$0x0] =	vst.idx.msk $0xffff, v17;
	v16 =	vor.u32 v15, v45;
	v17 =	vld.idx.msk [tilespmem:v59+s25+$0x0], $0xffff  }
0x271: {  	p0 =	sne.s32 s6, $0x32;
	[tilespmem:v61+s1+$0x0] =	vst.idx.msk $0xffff, v22  }
.Ltmp6:
0x272: {  	[tilespmem:v62+s1+$0x0] =	vst.idx.msk $0xffff, v21;
	(pc) =	sbr.rel @p0 .LBB2_2-.Ltmp6, $4  }
0x273: {  	[tilespmem:v60+s1+$0x0] =	vst.idx.msk $0xffff, v19  }
0x274: {  	[tilespmem:v63+s1+$0x0] =	vst.idx.msk $0xffff, v20  }
0x275: {  	s22 =	sadd.s32 s22, s17;
	[tilespmem:v16+s1+$0x0] =	vst.idx.msk $0xffff, v17  }
0x276: {  	[hbm4b:s22+s29] =	stream.strided.scatter [tilespmem:s1], [sflag:$0x8], $0x2000, s30, s29, $0x38;
	[tilespmem:$0x8200] =	vst v63  }
0x277: {  	_ =	swait.ge [sflag:s9], $0x2000  }
0x278: {  	[sflag:s9] =	ssyncset.done $0x0  }
0x279: {  	[sflag:s9] =	ssyncadd.s32 $0xFFFFE000  }
0x27a: {  	_ =	swait.ge [sflag:s10], $0x2000  }
0x27b: {  	s3 =	rddreg [dreg:$0x8]  }
0x27c: {  	s2 =	rddreg [dreg:$0x7];
	s3 =	sadd.s32 $0x1, s3  }
0x27d: {  	p0 =	sne.s32 s3, s2  }
.Ltmp7:
0x27e: {  	_ = 	snop;
	(pc) =	sbr.rel @p0 .LBB2_1-.Ltmp7, $3  }
0x27f: {  	_ =	sdelay $0x1  }
0x280: {  	[sflag:s10] =	ssyncset.done $0x0  }
0x281: {  	[sflag:s10] =	ssyncadd.s32 $0xFFFFE000  }
0x282: {  	_ =	sfence.sel $0x180000  }
0x283: {  	[bflag:$0x0] =	sbarrier.arrive $0xFFFF  }
0x284: {  	_ =	strace $0x9000004A  }
0x285: {  	s0 =	stileid.u32;
	[bflag:$0x2] =	sbarrier.arrive $0xFFFF  }
0x286: {  	p0 =	sne.s32 s0, $0x0;
	s0 =	rddreg [dreg:$0x2]  }
0x287: {  	s0 =	sadd.s32 @!p0 $0x100000, s0  }
0x288: {  	[sflag:s0] =	ssyncadd.tile.s32 @!p0 $0x1;
	_ =	shalt  }
.Lfunc_end2:
_tile_overlayer_lowered:
.L_overlay_start_2:
0x289: {  	(tag) =	ssettag $0x2  }
0x28a: {  	s0 =	rddreg [dreg:$0x0];
	s2 =	stileid.u32  }
0x28b: {  	s1 =	rddreg [dreg:$0x1];
	p0 =	sne.s32 s2, $0x0  }
0x28c: {  	s3 =	rddreg [dreg:$0x2];
	[bflag:$0x3] =	sbarrier.arrive $0xFFFF;
	s2 =	simm.s32 @!p0 $0x1C09  }
0x28d: {  	[timem:s3], [sflag:s2] =	dma.local @!p0 [hbm:s0], s1  }
0x28e: {  	s0 =	simm.s32 @!p0 $0x9  }
0x28f: {  	_ =	swait.ge @!p0 [sflag:s0], s1  }
0x290: {  	s1 =	ssub.s32 @!p0 $0x0, s1;
	[sflag:s0] =	ssyncset.done @!p0 $0x0  }
0x291: {  	[sflag:s0] =	ssyncadd.s32 @!p0 s1  }
0x292: {  	[bflag:$0x3] =	sbarrier.arrive $0xFFFF  }
0x293: {  	_ =	shalt  }

</sc_bundles>
